<compile_context>
chip_gen: v7x
topology: tpu7x:2x2x1
jax: 0.10.2.dev20260603
libtpu: 0.0.44.dev20260713+nightly
codegen_flags: <defaults>
</compile_context>

<pallas_src>
import functools

import jax
import jax.numpy as jnp
import numpy as np
from jax import lax
from jax.experimental import pallas as pl
from jax.experimental.pallas import tpu as pltpu
from jax.experimental.pallas import tpu_sc as plsc

_THETA_RES = 16
_PHI_RES = 8
_MAX_SCALE_LOG = 0.3
_L = 16
_NW = 32
_NBUF = 2
_CHUNK = 16384


def _body(theta_hbm, phi_hbm, grid_hbm, out_hbm, table_v, *scr):
    n = theta_hbm.shape[0]
    per_w = n // _NW
    n_chunks = per_w // _CHUNK
    n_blocks = n_chunks // _NBUF

    th_bufs = scr[0:_NBUF]
    ph_bufs = scr[_NBUF:2 * _NBUF]
    o_bufs = scr[2 * _NBUF:3 * _NBUF]
    isems = scr[3 * _NBUF:4 * _NBUF]
    osems = scr[4 * _NBUF:5 * _NBUF]

    cid = lax.axis_index("c")
    sid = lax.axis_index("s")
    wid = sid * 2 + cid
    base = wid * per_w

    pltpu.sync_copy(grid_hbm, table_v)
    for i in range(_THETA_RES * _PHI_RES // _L):
        g = table_v[pl.ds(i * _L, _L)]
        g = jnp.minimum(jnp.maximum(g, -_MAX_SCALE_LOG), _MAX_SCALE_LOG)
        table_v[pl.ds(i * _L, _L)] = jnp.exp(g)

    scale = jnp.float32(_THETA_RES / (2.0 * np.pi))
    t_max = jnp.int32(_THETA_RES - 1)
    p_max = jnp.int32(_PHI_RES - 1)

    def start_in(c, slot):
        off = base + c * _CHUNK
        pltpu.async_copy(theta_hbm.at[pl.ds(off, _CHUNK)], th_bufs[slot],
                         isems[slot])
        pltpu.async_copy(phi_hbm.at[pl.ds(off, _CHUNK)], ph_bufs[slot],
                         isems[slot])

    def wait_in(slot):
        pltpu.make_async_copy(theta_hbm.at[pl.ds(0, _CHUNK)], th_bufs[slot],
                              isems[slot]).wait()
        pltpu.make_async_copy(phi_hbm.at[pl.ds(0, _CHUNK)], ph_bufs[slot],
                              isems[slot]).wait()

    def start_out(c, slot):
        off = base + c * _CHUNK
        pltpu.async_copy(o_bufs[slot], out_hbm.at[pl.ds(off, _CHUNK)],
                         osems[slot])

    def wait_out(slot):
        pltpu.make_async_copy(o_bufs[slot], out_hbm.at[pl.ds(0, _CHUNK)],
                              osems[slot]).wait()

    def compute(slot):
        th_v, ph_v, o_v = th_bufs[slot], ph_bufs[slot], o_bufs[slot]

        @plsc.parallel_loop(0, _CHUNK // _L, unroll=16)
        def _(i):
            t = th_v[pl.ds(i * _L, _L)]
            p = ph_v[pl.ds(i * _L, _L)]
            ti = jnp.minimum((t * scale).astype(jnp.int32), t_max)
            pi_ = jnp.minimum((p * scale).astype(jnp.int32), p_max)
            flat = ti * _PHI_RES + pi_
            o_v[pl.ds(i * _L, _L)] = plsc.load_gather(table_v, [flat])

    for b in range(_NBUF):
        start_in(b, b)
    for c in range(_NBUF):
        wait_in(c)
        compute(c)
        start_out(c, c)
        start_in(c + _NBUF, c)

    def ring(j, _):
        for b in range(_NBUF):
            c = j * _NBUF + b
            wait_out(b)
            wait_in(b)
            compute(b)
            start_out(c, b)
            start_in(c + _NBUF, b)
        return 0

    lax.fori_loop(1, n_blocks - 1, ring, 0)

    for b in range(_NBUF):
        c = (n_blocks - 1) * _NBUF + b
        wait_out(b)
        wait_in(b)
        compute(b)
        start_out(c, b)
    for b in range(_NBUF):
        wait_out(b)


def kernel(theta, phi, grid):
    n = theta.shape[0]
    grid_flat = grid.reshape(-1)
    mesh = plsc.VectorSubcoreMesh(core_axis_name="c", subcore_axis_name="s")
    run = pl.kernel(
        _body,
        out_type=jax.ShapeDtypeStruct((n,), jnp.float32),
        mesh=mesh,
        scratch_types=(
            [pltpu.VMEM((_THETA_RES * _PHI_RES,), jnp.float32)]
            + [pltpu.VMEM((_CHUNK,), jnp.float32) for _ in range(3 * _NBUF)]
            + [pltpu.SemaphoreType.DMA for _ in range(2 * _NBUF)]
        ),
        compiler_params=pltpu.CompilerParams(needs_layout_passes=False),
    )
    return run(theta, phi, grid_flat)

# --- scband reference (transcript-rebuilt; emitter-appended) ---
"""Pipeline reference for scband-bspline-grid-scale-31860067401784 (READ-ONLY COPY).

The authoritative reference and input builder live on the scoring server;
editing this copy changes nothing except your own understanding.
"""

import jax, jax.numpy as jnp
import numpy as np

THETA_RES = 16
PHI_RES = 8
MAX_SCALE_LOG = 0.3
N = 16777216


def setup_inputs(seed: int = 0) -> dict:
    key = jax.random.key(seed)
    k1, k2, k3 = jax.random.split(key, 3)
    # theta in [0, 2*pi), phi in [0, pi) -- scaled uniforms to cover the full grid
    theta = jax.random.uniform(k1, (N,), dtype=jnp.float32) * (2.0 * np.pi)
    phi = jax.random.uniform(k2, (N,), dtype=jnp.float32) * np.pi
    # learned B-spline grid parameter (nn.Parameter in torch, init ~ small values)
    grid = jax.random.normal(k3, (THETA_RES, PHI_RES), dtype=jnp.float32) * 0.1
    return {"theta": theta, "phi": phi, "grid": grid}


def reference(theta, phi, grid):
    theta_norm = theta / (2.0 * np.pi) * THETA_RES
    phi_norm = phi / np.pi * PHI_RES
    theta_idx = jnp.clip(jnp.floor(theta_norm), 0, THETA_RES - 1).astype(jnp.int32)
    phi_idx = jnp.clip(jnp.floor(phi_norm), 0, PHI_RES - 1).astype(jnp.int32)
    # gather from the tiny grid with a huge index stream
    scale_log = grid[theta_idx, phi_idx]
    scale_log = jnp.clip(scale_log, -MAX_SCALE_LOG, MAX_SCALE_LOG)
    scale = jnp.exp(scale_log)
    return scale

if __name__ == "__main__":
    import jax
    _d = setup_inputs()
    print(jax.jit(kernel)(*tuple(_d.values())))

</pallas_src>

<mosaic_0001>
#map = affine_map<(d0, d1) -> (0)>
module attributes {stable_mosaic.version = 14 : i64} {
  func.func @_body(%arg0: i32, %arg1: i32, %arg2: memref<16777216xf32, #tpu.memory_space<hbm>>, %arg3: memref<16777216xf32, #tpu.memory_space<hbm>>, %arg4: memref<128xf32, #tpu.memory_space<hbm>>, %arg5: memref<16777216xf32, #tpu.memory_space<hbm>>, %arg6: memref<128xf32, #tpu.memory_space<vmem>>, %arg7: memref<16384xf32, #tpu.memory_space<vmem>>, %arg8: memref<16384xf32, #tpu.memory_space<vmem>>, %arg9: memref<16384xf32, #tpu.memory_space<vmem>>, %arg10: memref<16384xf32, #tpu.memory_space<vmem>>, %arg11: memref<16384xf32, #tpu.memory_space<vmem>>, %arg12: memref<16384xf32, #tpu.memory_space<vmem>>, %arg13: memref<!tpu.dma_semaphore, #tpu.memory_space<semaphore_mem>>, %arg14: memref<!tpu.dma_semaphore, #tpu.memory_space<semaphore_mem>>, %arg15: memref<!tpu.dma_semaphore, #tpu.memory_space<semaphore_mem>>, %arg16: memref<!tpu.dma_semaphore, #tpu.memory_space<semaphore_mem>>) attributes {dimension_semantics = [#tpu.dimension_semantics<core_parallel>, #tpu.dimension_semantics<subcore_parallel>], iteration_bounds = array<i64: 2, 16>, scalar_prefetch = 0 : i64, scratch_operands = 11 : i64, tpu.core_type = #tpu.core_type<sc_vector_subcore>, window_params = [{transform_indices = #map}, {transform_indices = #map}, {transform_indices = #map}, {transform_indices = #map}]} {
    %mul3A = arith.constant 2 : i32
    %mul3A_0 = arith.muli %arg1, %mul3A : i32
    %add3A = arith.addi %mul3A_0, %arg0 : i32
    %mul3A_1 = arith.constant 524288 : i32
    %mul3A_2 = arith.muli %add3A, %mul3A_1 : i32
    "tpu.region"() ({
      %run_scoped3A = tpu.sem_alloc : memref<!tpu.dma_semaphore, #tpu.memory_space<semaphore_mem>>
      tpu.enqueue_dma source(%arg4 : memref<128xf32, #tpu.memory_space<hbm>>) target(%arg6 : memref<128xf32, #tpu.memory_space<vmem>>) target_semaphore(%run_scoped3A : memref<!tpu.dma_semaphore, #tpu.memory_space<semaphore_mem>>)
      tpu.wait_dma2 semaphore(%run_scoped3A : memref<!tpu.dma_semaphore, #tpu.memory_space<semaphore_mem>>) src(%arg4 : memref<128xf32, #tpu.memory_space<hbm>>) dst(%arg6 : memref<128xf32, #tpu.memory_space<vmem>>)
      tpu.yield
    }) : () -> ()
    %get3A = arith.constant 0 : index
    %get3A_3 = tpu.vector_load %arg6[%get3A] {strides = array<i32>} : memref<128xf32, #tpu.memory_space<vmem>>, vector<16xf32>,
    %max3A = arith.constant -3.000000e-01 : f32
    %max3A_4 = vector.broadcast %max3A : f32 to vector<16xf32>
    %max3A_5 = arith.maximumf %get3A_3, %max3A_4 : vector<16xf32>
    %min3A = arith.constant 3.000000e-01 : f32
    %min3A_6 = vector.broadcast %min3A : f32 to vector<16xf32>
    %min3A_7 = arith.minimumf %max3A_5, %min3A_6 : vector<16xf32>
    %exp3A = math.exp %min3A_7 : vector<16xf32>
    %swap3A = arith.constant 0 : index
    %swap3A_8 = tpu.vector_load %arg6[%swap3A] {strides = array<i32>} : memref<128xf32, #tpu.memory_space<vmem>>, vector<16xf32>,
    tpu.vector_store %arg6[%swap3A], %exp3A {strides = array<i32>} : memref<128xf32, #tpu.memory_space<vmem>>, vector<16xf32>,
    %get3A_9 = arith.constant 16 : index
    %get3A_10 = tpu.vector_load %arg6[%get3A_9] {strides = array<i32>} : memref<128xf32, #tpu.memory_space<vmem>>, vector<16xf32>,
    %max3A_11 = arith.constant -3.000000e-01 : f32
    %max3A_12 = vector.broadcast %max3A_11 : f32 to vector<16xf32>
    %max3A_13 = arith.maximumf %get3A_10, %max3A_12 : vector<16xf32>
    %min3A_14 = arith.constant 3.000000e-01 : f32
    %min3A_15 = vector.broadcast %min3A_14 : f32 to vector<16xf32>
    %min3A_16 = arith.minimumf %max3A_13, %min3A_15 : vector<16xf32>
    %exp3A_17 = math.exp %min3A_16 : vector<16xf32>
    %swap3A_18 = arith.constant 16 : index
    %swap3A_19 = tpu.vector_load %arg6[%swap3A_18] {strides = array<i32>} : memref<128xf32, #tpu.memory_space<vmem>>, vector<16xf32>,
    tpu.vector_store %arg6[%swap3A_18], %exp3A_17 {strides = array<i32>} : memref<128xf32, #tpu.memory_space<vmem>>, vector<16xf32>,
    %get3A_20 = arith.constant 32 : index
    %get3A_21 = tpu.vector_load %arg6[%get3A_20] {strides = array<i32>} : memref<128xf32, #tpu.memory_space<vmem>>, vector<16xf32>,
    %max3A_22 = arith.constant -3.000000e-01 : f32
    %max3A_23 = vector.broadcast %max3A_22 : f32 to vector<16xf32>
    %max3A_24 = arith.maximumf %get3A_21, %max3A_23 : vector<16xf32>
    %min3A_25 = arith.constant 3.000000e-01 : f32
    %min3A_26 = vector.broadcast %min3A_25 : f32 to vector<16xf32>
    %min3A_27 = arith.minimumf %max3A_24, %min3A_26 : vector<16xf32>
    %exp3A_28 = math.exp %min3A_27 : vector<16xf32>
    %swap3A_29 = arith.constant 32 : index
    %swap3A_30 = tpu.vector_load %arg6[%swap3A_29] {strides = array<i32>} : memref<128xf32, #tpu.memory_space<vmem>>, vector<16xf32>,
    tpu.vector_store %arg6[%swap3A_29], %exp3A_28 {strides = array<i32>} : memref<128xf32, #tpu.memory_space<vmem>>, vector<16xf32>,
    %get3A_31 = arith.constant 48 : index
    %get3A_32 = tpu.vector_load %arg6[%get3A_31] {strides = array<i32>} : memref<128xf32, #tpu.memory_space<vmem>>, vector<16xf32>,
    %max3A_33 = arith.constant -3.000000e-01 : f32
    %max3A_34 = vector.broadcast %max3A_33 : f32 to vector<16xf32>
    %max3A_35 = arith.maximumf %get3A_32, %max3A_34 : vector<16xf32>
    %min3A_36 = arith.constant 3.000000e-01 : f32
    %min3A_37 = vector.broadcast %min3A_36 : f32 to vector<16xf32>
    %min3A_38 = arith.minimumf %max3A_35, %min3A_37 : vector<16xf32>
    %exp3A_39 = math.exp %min3A_38 : vector<16xf32>
    %swap3A_40 = arith.constant 48 : index
    %swap3A_41 = tpu.vector_load %arg6[%swap3A_40] {strides = array<i32>} : memref<128xf32, #tpu.memory_space<vmem>>, vector<16xf32>,
    tpu.vector_store %arg6[%swap3A_40], %exp3A_39 {strides = array<i32>} : memref<128xf32, #tpu.memory_space<vmem>>, vector<16xf32>,
    %get3A_42 = arith.constant 64 : index
    %get3A_43 = tpu.vector_load %arg6[%get3A_42] {strides = array<i32>} : memref<128xf32, #tpu.memory_space<vmem>>, vector<16xf32>,
    %max3A_44 = arith.constant -3.000000e-01 : f32
    %max3A_45 = vector.broadcast %max3A_44 : f32 to vector<16xf32>
    %max3A_46 = arith.maximumf %get3A_43, %max3A_45 : vector<16xf32>
    %min3A_47 = arith.constant 3.000000e-01 : f32
    %min3A_48 = vector.broadcast %min3A_47 : f32 to vector<16xf32>
    %min3A_49 = arith.minimumf %max3A_46, %min3A_48 : vector<16xf32>
    %exp3A_50 = math.exp %min3A_49 : vector<16xf32>
    %swap3A_51 = arith.constant 64 : index
    %swap3A_52 = tpu.vector_load %arg6[%swap3A_51] {strides = array<i32>} : memref<128xf32, #tpu.memory_space<vmem>>, vector<16xf32>,
    tpu.vector_store %arg6[%swap3A_51], %exp3A_50 {strides = array<i32>} : memref<128xf32, #tpu.memory_space<vmem>>, vector<16xf32>,
    %get3A_53 = arith.constant 80 : index
    %get3A_54 = tpu.vector_load %arg6[%get3A_53] {strides = array<i32>} : memref<128xf32, #tpu.memory_space<vmem>>, vector<16xf32>,
    %max3A_55 = arith.constant -3.000000e-01 : f32
    %max3A_56 = vector.broadcast %max3A_55 : f32 to vector<16xf32>
    %max3A_57 = arith.maximumf %get3A_54, %max3A_56 : vector<16xf32>
    %min3A_58 = arith.constant 3.000000e-01 : f32
    %min3A_59 = vector.broadcast %min3A_58 : f32 to vector<16xf32>
    %min3A_60 = arith.minimumf %max3A_57, %min3A_59 : vector<16xf32>
    %exp3A_61 = math.exp %min3A_60 : vector<16xf32>
    %swap3A_62 = arith.constant 80 : index
    %swap3A_63 = tpu.vector_load %arg6[%swap3A_62] {strides = array<i32>} : memref<128xf32, #tpu.memory_space<vmem>>, vector<16xf32>,
    tpu.vector_store %arg6[%swap3A_62], %exp3A_61 {strides = array<i32>} : memref<128xf32, #tpu.memory_space<vmem>>, vector<16xf32>,
    %get3A_64 = arith.constant 96 : index
    %get3A_65 = tpu.vector_load %arg6[%get3A_64] {strides = array<i32>} : memref<128xf32, #tpu.memory_space<vmem>>, vector<16xf32>,
    %max3A_66 = arith.constant -3.000000e-01 : f32
    %max3A_67 = vector.broadcast %max3A_66 : f32 to vector<16xf32>
    %max3A_68 = arith.maximumf %get3A_65, %max3A_67 : vector<16xf32>
    %min3A_69 = arith.constant 3.000000e-01 : f32
    %min3A_70 = vector.broadcast %min3A_69 : f32 to vector<16xf32>
    %min3A_71 = arith.minimumf %max3A_68, %min3A_70 : vector<16xf32>
    %exp3A_72 = math.exp %min3A_71 : vector<16xf32>
    %swap3A_73 = arith.constant 96 : index
    %swap3A_74 = tpu.vector_load %arg6[%swap3A_73] {strides = array<i32>} : memref<128xf32, #tpu.memory_space<vmem>>, vector<16xf32>,
    tpu.vector_store %arg6[%swap3A_73], %exp3A_72 {strides = array<i32>} : memref<128xf32, #tpu.memory_space<vmem>>, vector<16xf32>,
    %get3A_75 = arith.constant 112 : index
    %get3A_76 = tpu.vector_load %arg6[%get3A_75] {strides = array<i32>} : memref<128xf32, #tpu.memory_space<vmem>>, vector<16xf32>,
    %max3A_77 = arith.constant -3.000000e-01 : f32
    %max3A_78 = vector.broadcast %max3A_77 : f32 to vector<16xf32>
    %max3A_79 = arith.maximumf %get3A_76, %max3A_78 : vector<16xf32>
    %min3A_80 = arith.constant 3.000000e-01 : f32
    %min3A_81 = vector.broadcast %min3A_80 : f32 to vector<16xf32>
    %min3A_82 = arith.minimumf %max3A_79, %min3A_81 : vector<16xf32>
    %exp3A_83 = math.exp %min3A_82 : vector<16xf32>
    %swap3A_84 = arith.constant 112 : index
    %swap3A_85 = tpu.vector_load %arg6[%swap3A_84] {strides = array<i32>} : memref<128xf32, #tpu.memory_space<vmem>>, vector<16xf32>,
    tpu.vector_store %arg6[%swap3A_84], %exp3A_83 {strides = array<i32>} : memref<128xf32, #tpu.memory_space<vmem>>, vector<16xf32>,
    %add3A_86 = arith.constant 0 : i32
    %add3A_87 = arith.addi %mul3A_2, %add3A_86 : i32
    %dma_start3A = tpu.memref_slice %arg2[%add3A_87] : memref<16777216xf32, #tpu.memory_space<hbm>> -> memref<16384xf32, #tpu.memory_space<hbm>>
    %dma_start3A_88 = tpu.memref_slice %arg2[%add3A_87] : memref<16777216xf32, #tpu.memory_space<hbm>> -> memref<16384xf32, #tpu.memory_space<hbm>>
    tpu.enqueue_dma source(%dma_start3A_88 : memref<16384xf32, #tpu.memory_space<hbm>>) target(%arg7 : memref<16384xf32, #tpu.memory_space<vmem>>) target_semaphore(%arg13 : memref<!tpu.dma_semaphore, #tpu.memory_space<semaphore_mem>>)
    %dma_start3A_89 = tpu.memref_slice %arg3[%add3A_87] : memref<16777216xf32, #tpu.memory_space<hbm>> -> memref<16384xf32, #tpu.memory_space<hbm>>
    %dma_start3A_90 = tpu.memref_slice %arg3[%add3A_87] : memref<16777216xf32, #tpu.memory_space<hbm>> -> memref<16384xf32, #tpu.memory_space<hbm>>
    tpu.enqueue_dma source(%dma_start3A_90 : memref<16384xf32, #tpu.memory_space<hbm>>) target(%arg9 : memref<16384xf32, #tpu.memory_space<vmem>>) target_semaphore(%arg13 : memref<!tpu.dma_semaphore, #tpu.memory_space<semaphore_mem>>)
    %add3A_91 = arith.constant 16384 : i32
    %add3A_92 = arith.addi %mul3A_2, %add3A_91 : i32
    %dma_start3A_93 = tpu.memref_slice %arg2[%add3A_92] : memref<16777216xf32, #tpu.memory_space<hbm>> -> memref<16384xf32, #tpu.memory_space<hbm>>
    %dma_start3A_94 = tpu.memref_slice %arg2[%add3A_92] : memref<16777216xf32, #tpu.memory_space<hbm>> -> memref<16384xf32, #tpu.memory_space<hbm>>
    tpu.enqueue_dma source(%dma_start3A_94 : memref<16384xf32, #tpu.memory_space<hbm>>) target(%arg8 : memref<16384xf32, #tpu.memory_space<vmem>>) target_semaphore(%arg14 : memref<!tpu.dma_semaphore, #tpu.memory_space<semaphore_mem>>)
    %dma_start3A_95 = tpu.memref_slice %arg3[%add3A_92] : memref<16777216xf32, #tpu.memory_space<hbm>> -> memref<16384xf32, #tpu.memory_space<hbm>>
    %dma_start3A_96 = tpu.memref_slice %arg3[%add3A_92] : memref<16777216xf32, #tpu.memory_space<hbm>> -> memref<16384xf32, #tpu.memory_space<hbm>>
    tpu.enqueue_dma source(%dma_start3A_96 : memref<16384xf32, #tpu.memory_space<hbm>>) target(%arg10 : memref<16384xf32, #tpu.memory_space<vmem>>) target_semaphore(%arg14 : memref<!tpu.dma_semaphore, #tpu.memory_space<semaphore_mem>>)
    %dma_wait3A = arith.constant 0 : i32
    %dma_wait3A_97 = tpu.memref_slice %arg2[%dma_wait3A] : memref<16777216xf32, #tpu.memory_space<hbm>> -> memref<16384xf32, #tpu.memory_space<hbm>>
    %dma_wait3A_98 = arith.constant 0 : i32
    %dma_wait3A_99 = tpu.memref_slice %arg2[%dma_wait3A_98] : memref<16777216xf32, #tpu.memory_space<hbm>> -> memref<16384xf32, #tpu.memory_space<hbm>>
    tpu.wait_dma2 semaphore(%arg13 : memref<!tpu.dma_semaphore, #tpu.memory_space<semaphore_mem>>) src(%dma_wait3A_99 : memref<16384xf32, #tpu.memory_space<hbm>>) dst(%arg7 : memref<16384xf32, #tpu.memory_space<vmem>>)
    %dma_wait3A_100 = arith.constant 0 : i32
    %dma_wait3A_101 = tpu.memref_slice %arg3[%dma_wait3A_100] : memref<16777216xf32, #tpu.memory_space<hbm>> -> memref<16384xf32, #tpu.memory_space<hbm>>
    %dma_wait3A_102 = arith.constant 0 : i32
    %dma_wait3A_103 = tpu.memref_slice %arg3[%dma_wait3A_102] : memref<16777216xf32, #tpu.memory_space<hbm>> -> memref<16384xf32, #tpu.memory_space<hbm>>
    tpu.wait_dma2 semaphore(%arg13 : memref<!tpu.dma_semaphore, #tpu.memory_space<semaphore_mem>>) src(%dma_wait3A_103 : memref<16384xf32, #tpu.memory_space<hbm>>) dst(%arg9 : memref<16384xf32, #tpu.memory_space<vmem>>)
    %parallel_loop3A = arith.constant 0 : i32
    %parallel_loop3A_104 = arith.constant 1024 : i32
    %parallel_loop3A_105 = arith.constant 1 : i32
    %parallel_loop3A_106 = arith.constant 2.54647899 : f32
    %parallel_loop3A_107 = arith.constant 15 : i32
    %parallel_loop3A_108 = arith.constant 7 : i32
    scf.for %parallel_loop3A_204 = %parallel_loop3A to %parallel_loop3A_104 step %parallel_loop3A_105  : i32 {
      %parallel_loop3A_205 = arith.constant 16 : i32
      %parallel_loop3A_206 = arith.muli %parallel_loop3A_204, %parallel_loop3A_205 : i32
      %parallel_loop3A_207 = arith.index_cast %parallel_loop3A_206 : i32 to index
      %parallel_loop3A_208 = tpu.vector_load %arg7[%parallel_loop3A_207] {strides = array<i32>} : memref<16384xf32, #tpu.memory_space<vmem>>, vector<16xf32>,
      %parallel_loop3A_209 = arith.constant 16 : i32
      %parallel_loop3A_210 = arith.muli %parallel_loop3A_204, %parallel_loop3A_209 : i32
      %parallel_loop3A_211 = arith.index_cast %parallel_loop3A_210 : i32 to index
      %parallel_loop3A_212 = tpu.vector_load %arg9[%parallel_loop3A_211] {strides = array<i32>} : memref<16384xf32, #tpu.memory_space<vmem>>, vector<16xf32>,
      %parallel_loop3A_213 = vector.broadcast %parallel_loop3A_106 : f32 to vector<16xf32>
      %parallel_loop3A_214 = arith.mulf %parallel_loop3A_208, %parallel_loop3A_213 : vector<16xf32>
      %parallel_loop3A_215 = arith.fptosi %parallel_loop3A_214 : vector<16xf32> to vector<16xi32>
      %parallel_loop3A_216 = vector.broadcast %parallel_loop3A_107 : i32 to vector<16xi32>
      %parallel_loop3A_217 = arith.minsi %parallel_loop3A_215, %parallel_loop3A_216 : vector<16xi32>
      %parallel_loop3A_218 = vector.broadcast %parallel_loop3A_106 : f32 to vector<16xf32>
      %parallel_loop3A_219 = arith.mulf %parallel_loop3A_212, %parallel_loop3A_218 : vector<16xf32>
      %parallel_loop3A_220 = arith.fptosi %parallel_loop3A_219 : vector<16xf32> to vector<16xi32>
      %parallel_loop3A_221 = vector.broadcast %parallel_loop3A_108 : i32 to vector<16xi32>
      %parallel_loop3A_222 = arith.minsi %parallel_loop3A_220, %parallel_loop3A_221 : vector<16xi32>
      %parallel_loop3A_223 = arith.constant 8 : i32
      %parallel_loop3A_224 = vector.broadcast %parallel_loop3A_223 : i32 to vector<16xi32>
      %parallel_loop3A_225 = arith.muli %parallel_loop3A_217, %parallel_loop3A_224 : vector<16xi32>
      %parallel_loop3A_226 = arith.addi %parallel_loop3A_225, %parallel_loop3A_222 : vector<16xi32>
      %parallel_loop3A_227 = tpu.vector_load_idx %arg6[%parallel_loop3A_226] : memref<128xf32, #tpu.memory_space<vmem>>[vector<16xi32>], vector<16xf32>,
      %parallel_loop3A_228 = arith.constant 16 : i32
      %parallel_loop3A_229 = arith.muli %parallel_loop3A_204, %parallel_loop3A_228 : i32
      %parallel_loop3A_230 = arith.index_cast %parallel_loop3A_229 : i32 to index
      %parallel_loop3A_231 = tpu.vector_load %arg11[%parallel_loop3A_230] {strides = array<i32>} : memref<16384xf32, #tpu.memory_space<vmem>>, vector<16xf32>,
      tpu.vector_store %arg11[%parallel_loop3A_230], %parallel_loop3A_227 {strides = array<i32>} : memref<16384xf32, #tpu.memory_space<vmem>>, vector<16xf32>,
    } {sc.loop_unroll_factor = 16 : i64, sc.parallel_access}
    %add3A_109 = arith.constant 0 : i32
    %add3A_110 = arith.addi %mul3A_2, %add3A_109 : i32
    %dma_start3A_111 = tpu.memref_slice %arg5[%add3A_110] : memref<16777216xf32, #tpu.memory_space<hbm>> -> memref<16384xf32, #tpu.memory_space<hbm>>
    %dma_start3A_112 = tpu.memref_slice %arg5[%add3A_110] : memref<16777216xf32, #tpu.memory_space<hbm>> -> memref<16384xf32, #tpu.memory_space<hbm>>
    tpu.enqueue_dma source(%arg11 : memref<16384xf32, #tpu.memory_space<vmem>>) target(%dma_start3A_112 : memref<16384xf32, #tpu.memory_space<hbm>>) target_semaphore(%arg15 : memref<!tpu.dma_semaphore, #tpu.memory_space<semaphore_mem>>)
    %add3A_113 = arith.constant 32768 : i32
    %add3A_114 = arith.addi %mul3A_2, %add3A_113 : i32
    %dma_start3A_115 = tpu.memref_slice %arg2[%add3A_114] : memref<16777216xf32, #tpu.memory_space<hbm>> -> memref<16384xf32, #tpu.memory_space<hbm>>
    %dma_start3A_116 = tpu.memref_slice %arg2[%add3A_114] : memref<16777216xf32, #tpu.memory_space<hbm>> -> memref<16384xf32, #tpu.memory_space<hbm>>
    tpu.enqueue_dma source(%dma_start3A_116 : memref<16384xf32, #tpu.memory_space<hbm>>) target(%arg7 : memref<16384xf32, #tpu.memory_space<vmem>>) target_semaphore(%arg13 : memref<!tpu.dma_semaphore, #tpu.memory_space<semaphore_mem>>)
    %dma_start3A_117 = tpu.memref_slice %arg3[%add3A_114] : memref<16777216xf32, #tpu.memory_space<hbm>> -> memref<16384xf32, #tpu.memory_space<hbm>>
    %dma_start3A_118 = tpu.memref_slice %arg3[%add3A_114] : memref<16777216xf32, #tpu.memory_space<hbm>> -> memref<16384xf32, #tpu.memory_space<hbm>>
    tpu.enqueue_dma source(%dma_start3A_118 : memref<16384xf32, #tpu.memory_space<hbm>>) target(%arg9 : memref<16384xf32, #tpu.memory_space<vmem>>) target_semaphore(%arg13 : memref<!tpu.dma_semaphore, #tpu.memory_space<semaphore_mem>>)
    %dma_wait3A_119 = arith.constant 0 : i32
    %dma_wait3A_120 = tpu.memref_slice %arg2[%dma_wait3A_119] : memref<16777216xf32, #tpu.memory_space<hbm>> -> memref<16384xf32, #tpu.memory_space<hbm>>
    %dma_wait3A_121 = arith.constant 0 : i32
    %dma_wait3A_122 = tpu.memref_slice %arg2[%dma_wait3A_121] : memref<16777216xf32, #tpu.memory_space<hbm>> -> memref<16384xf32, #tpu.memory_space<hbm>>
    tpu.wait_dma2 semaphore(%arg14 : memref<!tpu.dma_semaphore, #tpu.memory_space<semaphore_mem>>) src(%dma_wait3A_122 : memref<16384xf32, #tpu.memory_space<hbm>>) dst(%arg8 : memref<16384xf32, #tpu.memory_space<vmem>>)
    %dma_wait3A_123 = arith.constant 0 : i32
    %dma_wait3A_124 = tpu.memref_slice %arg3[%dma_wait3A_123] : memref<16777216xf32, #tpu.memory_space<hbm>> -> memref<16384xf32, #tpu.memory_space<hbm>>
    %dma_wait3A_125 = arith.constant 0 : i32
    %dma_wait3A_126 = tpu.memref_slice %arg3[%dma_wait3A_125] : memref<16777216xf32, #tpu.memory_space<hbm>> -> memref<16384xf32, #tpu.memory_space<hbm>>
    tpu.wait_dma2 semaphore(%arg14 : memref<!tpu.dma_semaphore, #tpu.memory_space<semaphore_mem>>) src(%dma_wait3A_126 : memref<16384xf32, #tpu.memory_space<hbm>>) dst(%arg10 : memref<16384xf32, #tpu.memory_space<vmem>>)
    %parallel_loop3A_127 = arith.constant 0 : i32
    %parallel_loop3A_128 = arith.constant 1024 : i32
    %parallel_loop3A_129 = arith.constant 1 : i32
    %parallel_loop3A_130 = arith.constant 2.54647899 : f32
    %parallel_loop3A_131 = arith.constant 15 : i32
    %parallel_loop3A_132 = arith.constant 7 : i32
    scf.for %parallel_loop3A_204 = %parallel_loop3A_127 to %parallel_loop3A_128 step %parallel_loop3A_129  : i32 {
      %parallel_loop3A_205 = arith.constant 16 : i32
      %parallel_loop3A_206 = arith.muli %parallel_loop3A_204, %parallel_loop3A_205 : i32
      %parallel_loop3A_207 = arith.index_cast %parallel_loop3A_206 : i32 to index
      %parallel_loop3A_208 = tpu.vector_load %arg8[%parallel_loop3A_207] {strides = array<i32>} : memref<16384xf32, #tpu.memory_space<vmem>>, vector<16xf32>,
      %parallel_loop3A_209 = arith.constant 16 : i32
      %parallel_loop3A_210 = arith.muli %parallel_loop3A_204, %parallel_loop3A_209 : i32
      %parallel_loop3A_211 = arith.index_cast %parallel_loop3A_210 : i32 to index
      %parallel_loop3A_212 = tpu.vector_load %arg10[%parallel_loop3A_211] {strides = array<i32>} : memref<16384xf32, #tpu.memory_space<vmem>>, vector<16xf32>,
      %parallel_loop3A_213 = vector.broadcast %parallel_loop3A_130 : f32 to vector<16xf32>
      %parallel_loop3A_214 = arith.mulf %parallel_loop3A_208, %parallel_loop3A_213 : vector<16xf32>
      %parallel_loop3A_215 = arith.fptosi %parallel_loop3A_214 : vector<16xf32> to vector<16xi32>
      %parallel_loop3A_216 = vector.broadcast %parallel_loop3A_131 : i32 to vector<16xi32>
      %parallel_loop3A_217 = arith.minsi %parallel_loop3A_215, %parallel_loop3A_216 : vector<16xi32>
      %parallel_loop3A_218 = vector.broadcast %parallel_loop3A_130 : f32 to vector<16xf32>
      %parallel_loop3A_219 = arith.mulf %parallel_loop3A_212, %parallel_loop3A_218 : vector<16xf32>
      %parallel_loop3A_220 = arith.fptosi %parallel_loop3A_219 : vector<16xf32> to vector<16xi32>
      %parallel_loop3A_221 = vector.broadcast %parallel_loop3A_132 : i32 to vector<16xi32>
      %parallel_loop3A_222 = arith.minsi %parallel_loop3A_220, %parallel_loop3A_221 : vector<16xi32>
      %parallel_loop3A_223 = arith.constant 8 : i32
      %parallel_loop3A_224 = vector.broadcast %parallel_loop3A_223 : i32 to vector<16xi32>
      %parallel_loop3A_225 = arith.muli %parallel_loop3A_217, %parallel_loop3A_224 : vector<16xi32>
      %parallel_loop3A_226 = arith.addi %parallel_loop3A_225, %parallel_loop3A_222 : vector<16xi32>
      %parallel_loop3A_227 = tpu.vector_load_idx %arg6[%parallel_loop3A_226] : memref<128xf32, #tpu.memory_space<vmem>>[vector<16xi32>], vector<16xf32>,
      %parallel_loop3A_228 = arith.constant 16 : i32
      %parallel_loop3A_229 = arith.muli %parallel_loop3A_204, %parallel_loop3A_228 : i32
      %parallel_loop3A_230 = arith.index_cast %parallel_loop3A_229 : i32 to index
      %parallel_loop3A_231 = tpu.vector_load %arg12[%parallel_loop3A_230] {strides = array<i32>} : memref<16384xf32, #tpu.memory_space<vmem>>, vector<16xf32>,
      tpu.vector_store %arg12[%parallel_loop3A_230], %parallel_loop3A_227 {strides = array<i32>} : memref<16384xf32, #tpu.memory_space<vmem>>, vector<16xf32>,
    } {sc.loop_unroll_factor = 16 : i64, sc.parallel_access}
    %add3A_133 = arith.constant 16384 : i32
    %add3A_134 = arith.addi %mul3A_2, %add3A_133 : i32
    %dma_start3A_135 = tpu.memref_slice %arg5[%add3A_134] : memref<16777216xf32, #tpu.memory_space<hbm>> -> memref<16384xf32, #tpu.memory_space<hbm>>
    %dma_start3A_136 = tpu.memref_slice %arg5[%add3A_134] : memref<16777216xf32, #tpu.memory_space<hbm>> -> memref<16384xf32, #tpu.memory_space<hbm>>
    tpu.enqueue_dma source(%arg12 : memref<16384xf32, #tpu.memory_space<vmem>>) target(%dma_start3A_136 : memref<16384xf32, #tpu.memory_space<hbm>>) target_semaphore(%arg16 : memref<!tpu.dma_semaphore, #tpu.memory_space<semaphore_mem>>)
    %add3A_137 = arith.constant 49152 : i32
    %add3A_138 = arith.addi %mul3A_2, %add3A_137 : i32
    %dma_start3A_139 = tpu.memref_slice %arg2[%add3A_138] : memref<16777216xf32, #tpu.memory_space<hbm>> -> memref<16384xf32, #tpu.memory_space<hbm>>
    %dma_start3A_140 = tpu.memref_slice %arg2[%add3A_138] : memref<16777216xf32, #tpu.memory_space<hbm>> -> memref<16384xf32, #tpu.memory_space<hbm>>
    tpu.enqueue_dma source(%dma_start3A_140 : memref<16384xf32, #tpu.memory_space<hbm>>) target(%arg8 : memref<16384xf32, #tpu.memory_space<vmem>>) target_semaphore(%arg14 : memref<!tpu.dma_semaphore, #tpu.memory_space<semaphore_mem>>)
    %dma_start3A_141 = tpu.memref_slice %arg3[%add3A_138] : memref<16777216xf32, #tpu.memory_space<hbm>> -> memref<16384xf32, #tpu.memory_space<hbm>>
    %dma_start3A_142 = tpu.memref_slice %arg3[%add3A_138] : memref<16777216xf32, #tpu.memory_space<hbm>> -> memref<16384xf32, #tpu.memory_space<hbm>>
    tpu.enqueue_dma source(%dma_start3A_142 : memref<16384xf32, #tpu.memory_space<hbm>>) target(%arg10 : memref<16384xf32, #tpu.memory_space<vmem>>) target_semaphore(%arg14 : memref<!tpu.dma_semaphore, #tpu.memory_space<semaphore_mem>>)
    %scan3A = arith.constant 2.54647899 : f32
    %scan3A_143 = arith.constant 15 : i32
    %scan3A_144 = arith.constant 7 : i32
    %scan3A_145 = arith.constant 0 : i32
    %scan3A_146 = arith.constant 1 : i32
    %scan3A_147 = arith.constant 14 : i32
    %scan3A_148 = arith.addi %scan3A_146, %scan3A_147 : i32
    %scan3A_149 = arith.constant 1 : i32
    %scan3A_150 = scf.for %scan3A_204 = %scan3A_146 to %scan3A_148 step %scan3A_149 iter_args(%scan3A_205 = %scan3A_145) -> (i32)  : i32 {
      %mul3A_206 = arith.constant 2 : i32
      %mul3A_207 = arith.muli %scan3A_204, %mul3A_206 : i32
      %add3A_208 = arith.constant 0 : i32
      %add3A_209 = arith.addi %mul3A_207, %add3A_208 : i32
      %dma_wait3A_210 = arith.constant 0 : i32
      %dma_wait3A_211 = tpu.memref_slice %arg5[%dma_wait3A_210] : memref<16777216xf32, #tpu.memory_space<hbm>> -> memref<16384xf32, #tpu.memory_space<hbm>>
      %dma_wait3A_212 = arith.constant 0 : i32
      %dma_wait3A_213 = tpu.memref_slice %arg5[%dma_wait3A_212] : memref<16777216xf32, #tpu.memory_space<hbm>> -> memref<16384xf32, #tpu.memory_space<hbm>>
      tpu.wait_dma2 semaphore(%arg15 : memref<!tpu.dma_semaphore, #tpu.memory_space<semaphore_mem>>) src(%arg11 : memref<16384xf32, #tpu.memory_space<vmem>>) dst(%dma_wait3A_213 : memref<16384xf32, #tpu.memory_space<hbm>>)
      %dma_wait3A_214 = arith.constant 0 : i32
      %dma_wait3A_215 = tpu.memref_slice %arg2[%dma_wait3A_214] : memref<16777216xf32, #tpu.memory_space<hbm>> -> memref<16384xf32, #tpu.memory_space<hbm>>
      %dma_wait3A_216 = arith.constant 0 : i32
      %dma_wait3A_217 = tpu.memref_slice %arg2[%dma_wait3A_216] : memref<16777216xf32, #tpu.memory_space<hbm>> -> memref<16384xf32, #tpu.memory_space<hbm>>
      tpu.wait_dma2 semaphore(%arg13 : memref<!tpu.dma_semaphore, #tpu.memory_space<semaphore_mem>>) src(%dma_wait3A_217 : memref<16384xf32, #tpu.memory_space<hbm>>) dst(%arg7 : memref<16384xf32, #tpu.memory_space<vmem>>)
      %dma_wait3A_218 = arith.constant 0 : i32
      %dma_wait3A_219 = tpu.memref_slice %arg3[%dma_wait3A_218] : memref<16777216xf32, #tpu.memory_space<hbm>> -> memref<16384xf32, #tpu.memory_space<hbm>>
      %dma_wait3A_220 = arith.constant 0 : i32
      %dma_wait3A_221 = tpu.memref_slice %arg3[%dma_wait3A_220] : memref<16777216xf32, #tpu.memory_space<hbm>> -> memref<16384xf32, #tpu.memory_space<hbm>>
      tpu.wait_dma2 semaphore(%arg13 : memref<!tpu.dma_semaphore, #tpu.memory_space<semaphore_mem>>) src(%dma_wait3A_221 : memref<16384xf32, #tpu.memory_space<hbm>>) dst(%arg9 : memref<16384xf32, #tpu.memory_space<vmem>>)
      %parallel_loop3A_222 = arith.constant 0 : i32
      %parallel_loop3A_223 = arith.constant 1024 : i32
      %parallel_loop3A_224 = arith.constant 1 : i32
      scf.for %parallel_loop3A_273 = %parallel_loop3A_222 to %parallel_loop3A_223 step %parallel_loop3A_224  : i32 {
        %parallel_loop3A_274 = arith.constant 16 : i32
        %parallel_loop3A_275 = arith.muli %parallel_loop3A_273, %parallel_loop3A_274 : i32
        %parallel_loop3A_276 = arith.index_cast %parallel_loop3A_275 : i32 to index
        %parallel_loop3A_277 = tpu.vector_load %arg7[%parallel_loop3A_276] {strides = array<i32>} : memref<16384xf32, #tpu.memory_space<vmem>>, vector<16xf32>,
        %parallel_loop3A_278 = arith.constant 16 : i32
        %parallel_loop3A_279 = arith.muli %parallel_loop3A_273, %parallel_loop3A_278 : i32
        %parallel_loop3A_280 = arith.index_cast %parallel_loop3A_279 : i32 to index
        %parallel_loop3A_281 = tpu.vector_load %arg9[%parallel_loop3A_280] {strides = array<i32>} : memref<16384xf32, #tpu.memory_space<vmem>>, vector<16xf32>,
        %parallel_loop3A_282 = vector.broadcast %scan3A : f32 to vector<16xf32>
        %parallel_loop3A_283 = arith.mulf %parallel_loop3A_277, %parallel_loop3A_282 : vector<16xf32>
        %parallel_loop3A_284 = arith.fptosi %parallel_loop3A_283 : vector<16xf32> to vector<16xi32>
        %parallel_loop3A_285 = vector.broadcast %scan3A_143 : i32 to vector<16xi32>
        %parallel_loop3A_286 = arith.minsi %parallel_loop3A_284, %parallel_loop3A_285 : vector<16xi32>
        %parallel_loop3A_287 = vector.broadcast %scan3A : f32 to vector<16xf32>
        %parallel_loop3A_288 = arith.mulf %parallel_loop3A_281, %parallel_loop3A_287 : vector<16xf32>
        %parallel_loop3A_289 = arith.fptosi %parallel_loop3A_288 : vector<16xf32> to vector<16xi32>
        %parallel_loop3A_290 = vector.broadcast %scan3A_144 : i32 to vector<16xi32>
        %parallel_loop3A_291 = arith.minsi %parallel_loop3A_289, %parallel_loop3A_290 : vector<16xi32>
        %parallel_loop3A_292 = arith.constant 8 : i32
        %parallel_loop3A_293 = vector.broadcast %parallel_loop3A_292 : i32 to vector<16xi32>
        %parallel_loop3A_294 = arith.muli %parallel_loop3A_286, %parallel_loop3A_293 : vector<16xi32>
        %parallel_loop3A_295 = arith.addi %parallel_loop3A_294, %parallel_loop3A_291 : vector<16xi32>
        %parallel_loop3A_296 = tpu.vector_load_idx %arg6[%parallel_loop3A_295] : memref<128xf32, #tpu.memory_space<vmem>>[vector<16xi32>], vector<16xf32>,
        %parallel_loop3A_297 = arith.constant 16 : i32
        %parallel_loop3A_298 = arith.muli %parallel_loop3A_273, %parallel_loop3A_297 : i32
        %parallel_loop3A_299 = arith.index_cast %parallel_loop3A_298 : i32 to index
        %parallel_loop3A_300 = tpu.vector_load %arg11[%parallel_loop3A_299] {strides = array<i32>} : memref<16384xf32, #tpu.memory_space<vmem>>, vector<16xf32>,
        tpu.vector_store %arg11[%parallel_loop3A_299], %parallel_loop3A_296 {strides = array<i32>} : memref<16384xf32, #tpu.memory_space<vmem>>, vector<16xf32>,
      } {sc.loop_unroll_factor = 16 : i64, sc.parallel_access}
      %mul3A_225 = arith.constant 16384 : i32
      %mul3A_226 = arith.muli %add3A_209, %mul3A_225 : i32
      %add3A_227 = arith.addi %mul3A_2, %mul3A_226 : i32
      %dma_start3A_228 = tpu.memref_slice %arg5[%add3A_227] : memref<16777216xf32, #tpu.memory_space<hbm>> -> memref<16384xf32, #tpu.memory_space<hbm>>
      %dma_start3A_229 = tpu.memref_slice %arg5[%add3A_227] : memref<16777216xf32, #tpu.memory_space<hbm>> -> memref<16384xf32, #tpu.memory_space<hbm>>
      tpu.enqueue_dma source(%arg11 : memref<16384xf32, #tpu.memory_space<vmem>>) target(%dma_start3A_229 : memref<16384xf32, #tpu.memory_space<hbm>>) target_semaphore(%arg15 : memref<!tpu.dma_semaphore, #tpu.memory_space<semaphore_mem>>)
      %add3A_230 = arith.constant 2 : i32
      %add3A_231 = arith.addi %add3A_209, %add3A_230 : i32
      %mul3A_232 = arith.constant 16384 : i32
      %mul3A_233 = arith.muli %add3A_231, %mul3A_232 : i32
      %add3A_234 = arith.addi %mul3A_2, %mul3A_233 : i32
      %dma_start3A_235 = tpu.memref_slice %arg2[%add3A_234] : memref<16777216xf32, #tpu.memory_space<hbm>> -> memref<16384xf32, #tpu.memory_space<hbm>>
      %dma_start3A_236 = tpu.memref_slice %arg2[%add3A_234] : memref<16777216xf32, #tpu.memory_space<hbm>> -> memref<16384xf32, #tpu.memory_space<hbm>>
      tpu.enqueue_dma source(%dma_start3A_236 : memref<16384xf32, #tpu.memory_space<hbm>>) target(%arg7 : memref<16384xf32, #tpu.memory_space<vmem>>) target_semaphore(%arg13 : memref<!tpu.dma_semaphore, #tpu.memory_space<semaphore_mem>>)
      %dma_start3A_237 = tpu.memref_slice %arg3[%add3A_234] : memref<16777216xf32, #tpu.memory_space<hbm>> -> memref<16384xf32, #tpu.memory_space<hbm>>
      %dma_start3A_238 = tpu.memref_slice %arg3[%add3A_234] : memref<16777216xf32, #tpu.memory_space<hbm>> -> memref<16384xf32, #tpu.memory_space<hbm>>
      tpu.enqueue_dma source(%dma_start3A_238 : memref<16384xf32, #tpu.memory_space<hbm>>) target(%arg9 : memref<16384xf32, #tpu.memory_space<vmem>>) target_semaphore(%arg13 : memref<!tpu.dma_semaphore, #tpu.memory_space<semaphore_mem>>)
      %mul3A_239 = arith.constant 2 : i32
      %mul3A_240 = arith.muli %scan3A_204, %mul3A_239 : i32
      %add3A_241 = arith.constant 1 : i32
      %add3A_242 = arith.addi %mul3A_240, %add3A_241 : i32
      %dma_wait3A_243 = arith.constant 0 : i32
      %dma_wait3A_244 = tpu.memref_slice %arg5[%dma_wait3A_243] : memref<16777216xf32, #tpu.memory_space<hbm>> -> memref<16384xf32, #tpu.memory_space<hbm>>
      %dma_wait3A_245 = arith.constant 0 : i32
      %dma_wait3A_246 = tpu.memref_slice %arg5[%dma_wait3A_245] : memref<16777216xf32, #tpu.memory_space<hbm>> -> memref<16384xf32, #tpu.memory_space<hbm>>
      tpu.wait_dma2 semaphore(%arg16 : memref<!tpu.dma_semaphore, #tpu.memory_space<semaphore_mem>>) src(%arg12 : memref<16384xf32, #tpu.memory_space<vmem>>) dst(%dma_wait3A_246 : memref<16384xf32, #tpu.memory_space<hbm>>)
      %dma_wait3A_247 = arith.constant 0 : i32
      %dma_wait3A_248 = tpu.memref_slice %arg2[%dma_wait3A_247] : memref<16777216xf32, #tpu.memory_space<hbm>> -> memref<16384xf32, #tpu.memory_space<hbm>>
      %dma_wait3A_249 = arith.constant 0 : i32
      %dma_wait3A_250 = tpu.memref_slice %arg2[%dma_wait3A_249] : memref<16777216xf32, #tpu.memory_space<hbm>> -> memref<16384xf32, #tpu.memory_space<hbm>>
      tpu.wait_dma2 semaphore(%arg14 : memref<!tpu.dma_semaphore, #tpu.memory_space<semaphore_mem>>) src(%dma_wait3A_250 : memref<16384xf32, #tpu.memory_space<hbm>>) dst(%arg8 : memref<16384xf32, #tpu.memory_space<vmem>>)
      %dma_wait3A_251 = arith.constant 0 : i32
      %dma_wait3A_252 = tpu.memref_slice %arg3[%dma_wait3A_251] : memref<16777216xf32, #tpu.memory_space<hbm>> -> memref<16384xf32, #tpu.memory_space<hbm>>
      %dma_wait3A_253 = arith.constant 0 : i32
      %dma_wait3A_254 = tpu.memref_slice %arg3[%dma_wait3A_253] : memref<16777216xf32, #tpu.memory_space<hbm>> -> memref<16384xf32, #tpu.memory_space<hbm>>
      tpu.wait_dma2 semaphore(%arg14 : memref<!tpu.dma_semaphore, #tpu.memory_space<semaphore_mem>>) src(%dma_wait3A_254 : memref<16384xf32, #tpu.memory_space<hbm>>) dst(%arg10 : memref<16384xf32, #tpu.memory_space<vmem>>)
      %parallel_loop3A_255 = arith.constant 0 : i32
      %parallel_loop3A_256 = arith.constant 1024 : i32
      %parallel_loop3A_257 = arith.constant 1 : i32
      scf.for %parallel_loop3A_273 = %parallel_loop3A_255 to %parallel_loop3A_256 step %parallel_loop3A_257  : i32 {
        %parallel_loop3A_274 = arith.constant 16 : i32
        %parallel_loop3A_275 = arith.muli %parallel_loop3A_273, %parallel_loop3A_274 : i32
        %parallel_loop3A_276 = arith.index_cast %parallel_loop3A_275 : i32 to index
        %parallel_loop3A_277 = tpu.vector_load %arg8[%parallel_loop3A_276] {strides = array<i32>} : memref<16384xf32, #tpu.memory_space<vmem>>, vector<16xf32>,
        %parallel_loop3A_278 = arith.constant 16 : i32
        %parallel_loop3A_279 = arith.muli %parallel_loop3A_273, %parallel_loop3A_278 : i32
        %parallel_loop3A_280 = arith.index_cast %parallel_loop3A_279 : i32 to index
        %parallel_loop3A_281 = tpu.vector_load %arg10[%parallel_loop3A_280] {strides = array<i32>} : memref<16384xf32, #tpu.memory_space<vmem>>, vector<16xf32>,
        %parallel_loop3A_282 = vector.broadcast %scan3A : f32 to vector<16xf32>
        %parallel_loop3A_283 = arith.mulf %parallel_loop3A_277, %parallel_loop3A_282 : vector<16xf32>
        %parallel_loop3A_284 = arith.fptosi %parallel_loop3A_283 : vector<16xf32> to vector<16xi32>
        %parallel_loop3A_285 = vector.broadcast %scan3A_143 : i32 to vector<16xi32>
        %parallel_loop3A_286 = arith.minsi %parallel_loop3A_284, %parallel_loop3A_285 : vector<16xi32>
        %parallel_loop3A_287 = vector.broadcast %scan3A : f32 to vector<16xf32>
        %parallel_loop3A_288 = arith.mulf %parallel_loop3A_281, %parallel_loop3A_287 : vector<16xf32>
        %parallel_loop3A_289 = arith.fptosi %parallel_loop3A_288 : vector<16xf32> to vector<16xi32>
        %parallel_loop3A_290 = vector.broadcast %scan3A_144 : i32 to vector<16xi32>
        %parallel_loop3A_291 = arith.minsi %parallel_loop3A_289, %parallel_loop3A_290 : vector<16xi32>
        %parallel_loop3A_292 = arith.constant 8 : i32
        %parallel_loop3A_293 = vector.broadcast %parallel_loop3A_292 : i32 to vector<16xi32>
        %parallel_loop3A_294 = arith.muli %parallel_loop3A_286, %parallel_loop3A_293 : vector<16xi32>
        %parallel_loop3A_295 = arith.addi %parallel_loop3A_294, %parallel_loop3A_291 : vector<16xi32>
        %parallel_loop3A_296 = tpu.vector_load_idx %arg6[%parallel_loop3A_295] : memref<128xf32, #tpu.memory_space<vmem>>[vector<16xi32>], vector<16xf32>,
        %parallel_loop3A_297 = arith.constant 16 : i32
        %parallel_loop3A_298 = arith.muli %parallel_loop3A_273, %parallel_loop3A_297 : i32
        %parallel_loop3A_299 = arith.index_cast %parallel_loop3A_298 : i32 to index
        %parallel_loop3A_300 = tpu.vector_load %arg12[%parallel_loop3A_299] {strides = array<i32>} : memref<16384xf32, #tpu.memory_space<vmem>>, vector<16xf32>,
        tpu.vector_store %arg12[%parallel_loop3A_299], %parallel_loop3A_296 {strides = array<i32>} : memref<16384xf32, #tpu.memory_space<vmem>>, vector<16xf32>,
      } {sc.loop_unroll_factor = 16 : i64, sc.parallel_access}
      %mul3A_258 = arith.constant 16384 : i32
      %mul3A_259 = arith.muli %add3A_242, %mul3A_258 : i32
      %add3A_260 = arith.addi %mul3A_2, %mul3A_259 : i32
      %dma_start3A_261 = tpu.memref_slice %arg5[%add3A_260] : memref<16777216xf32, #tpu.memory_space<hbm>> -> memref<16384xf32, #tpu.memory_space<hbm>>
      %dma_start3A_262 = tpu.memref_slice %arg5[%add3A_260] : memref<16777216xf32, #tpu.memory_space<hbm>> -> memref<16384xf32, #tpu.memory_space<hbm>>
      tpu.enqueue_dma source(%arg12 : memref<16384xf32, #tpu.memory_space<vmem>>) target(%dma_start3A_262 : memref<16384xf32, #tpu.memory_space<hbm>>) target_semaphore(%arg16 : memref<!tpu.dma_semaphore, #tpu.memory_space<semaphore_mem>>)
      %add3A_263 = arith.constant 2 : i32
      %add3A_264 = arith.addi %add3A_242, %add3A_263 : i32
      %mul3A_265 = arith.constant 16384 : i32
      %mul3A_266 = arith.muli %add3A_264, %mul3A_265 : i32
      %add3A_267 = arith.addi %mul3A_2, %mul3A_266 : i32
      %dma_start3A_268 = tpu.memref_slice %arg2[%add3A_267] : memref<16777216xf32, #tpu.memory_space<hbm>> -> memref<16384xf32, #tpu.memory_space<hbm>>
      %dma_start3A_269 = tpu.memref_slice %arg2[%add3A_267] : memref<16777216xf32, #tpu.memory_space<hbm>> -> memref<16384xf32, #tpu.memory_space<hbm>>
      tpu.enqueue_dma source(%dma_start3A_269 : memref<16384xf32, #tpu.memory_space<hbm>>) target(%arg8 : memref<16384xf32, #tpu.memory_space<vmem>>) target_semaphore(%arg14 : memref<!tpu.dma_semaphore, #tpu.memory_space<semaphore_mem>>)
      %dma_start3A_270 = tpu.memref_slice %arg3[%add3A_267] : memref<16777216xf32, #tpu.memory_space<hbm>> -> memref<16384xf32, #tpu.memory_space<hbm>>
      %dma_start3A_271 = tpu.memref_slice %arg3[%add3A_267] : memref<16777216xf32, #tpu.memory_space<hbm>> -> memref<16384xf32, #tpu.memory_space<hbm>>
      tpu.enqueue_dma source(%dma_start3A_271 : memref<16384xf32, #tpu.memory_space<hbm>>) target(%arg10 : memref<16384xf32, #tpu.memory_space<vmem>>) target_semaphore(%arg14 : memref<!tpu.dma_semaphore, #tpu.memory_space<semaphore_mem>>)
      %scan3A_272 = arith.constant 0 : i32
      scf.yield %scan3A_272 : i32
    }
    %scan3A_151 = arith.constant 14 : i32
    %dma_wait3A_152 = arith.constant 0 : i32
    %dma_wait3A_153 = tpu.memref_slice %arg5[%dma_wait3A_152] : memref<16777216xf32, #tpu.memory_space<hbm>> -> memref<16384xf32, #tpu.memory_space<hbm>>
    %dma_wait3A_154 = arith.constant 0 : i32
    %dma_wait3A_155 = tpu.memref_slice %arg5[%dma_wait3A_154] : memref<16777216xf32, #tpu.memory_space<hbm>> -> memref<16384xf32, #tpu.memory_space<hbm>>
    tpu.wait_dma2 semaphore(%arg15 : memref<!tpu.dma_semaphore, #tpu.memory_space<semaphore_mem>>) src(%arg11 : memref<16384xf32, #tpu.memory_space<vmem>>) dst(%dma_wait3A_155 : memref<16384xf32, #tpu.memory_space<hbm>>)
    %dma_wait3A_156 = arith.constant 0 : i32
    %dma_wait3A_157 = tpu.memref_slice %arg2[%dma_wait3A_156] : memref<16777216xf32, #tpu.memory_space<hbm>> -> memref<16384xf32, #tpu.memory_space<hbm>>
    %dma_wait3A_158 = arith.constant 0 : i32
    %dma_wait3A_159 = tpu.memref_slice %arg2[%dma_wait3A_158] : memref<16777216xf32, #tpu.memory_space<hbm>> -> memref<16384xf32, #tpu.memory_space<hbm>>
    tpu.wait_dma2 semaphore(%arg13 : memref<!tpu.dma_semaphore, #tpu.memory_space<semaphore_mem>>) src(%dma_wait3A_159 : memref<16384xf32, #tpu.memory_space<hbm>>) dst(%arg7 : memref<16384xf32, #tpu.memory_space<vmem>>)
    %dma_wait3A_160 = arith.constant 0 : i32
    %dma_wait3A_161 = tpu.memref_slice %arg3[%dma_wait3A_160] : memref<16777216xf32, #tpu.memory_space<hbm>> -> memref<16384xf32, #tpu.memory_space<hbm>>
    %dma_wait3A_162 = arith.constant 0 : i32
    %dma_wait3A_163 = tpu.memref_slice %arg3[%dma_wait3A_162] : memref<16777216xf32, #tpu.memory_space<hbm>> -> memref<16384xf32, #tpu.memory_space<hbm>>
    tpu.wait_dma2 semaphore(%arg13 : memref<!tpu.dma_semaphore, #tpu.memory_space<semaphore_mem>>) src(%dma_wait3A_163 : memref<16384xf32, #tpu.memory_space<hbm>>) dst(%arg9 : memref<16384xf32, #tpu.memory_space<vmem>>)
    %parallel_loop3A_164 = arith.constant 0 : i32
    %parallel_loop3A_165 = arith.constant 1024 : i32
    %parallel_loop3A_166 = arith.constant 1 : i32
    %parallel_loop3A_167 = arith.constant 2.54647899 : f32
    %parallel_loop3A_168 = arith.constant 15 : i32
    %parallel_loop3A_169 = arith.constant 7 : i32
    scf.for %parallel_loop3A_204 = %parallel_loop3A_164 to %parallel_loop3A_165 step %parallel_loop3A_166  : i32 {
      %parallel_loop3A_205 = arith.constant 16 : i32
      %parallel_loop3A_206 = arith.muli %parallel_loop3A_204, %parallel_loop3A_205 : i32
      %parallel_loop3A_207 = arith.index_cast %parallel_loop3A_206 : i32 to index
      %parallel_loop3A_208 = tpu.vector_load %arg7[%parallel_loop3A_207] {strides = array<i32>} : memref<16384xf32, #tpu.memory_space<vmem>>, vector<16xf32>,
      %parallel_loop3A_209 = arith.constant 16 : i32
      %parallel_loop3A_210 = arith.muli %parallel_loop3A_204, %parallel_loop3A_209 : i32
      %parallel_loop3A_211 = arith.index_cast %parallel_loop3A_210 : i32 to index
      %parallel_loop3A_212 = tpu.vector_load %arg9[%parallel_loop3A_211] {strides = array<i32>} : memref<16384xf32, #tpu.memory_space<vmem>>, vector<16xf32>,
      %parallel_loop3A_213 = vector.broadcast %parallel_loop3A_167 : f32 to vector<16xf32>
      %parallel_loop3A_214 = arith.mulf %parallel_loop3A_208, %parallel_loop3A_213 : vector<16xf32>
      %parallel_loop3A_215 = arith.fptosi %parallel_loop3A_214 : vector<16xf32> to vector<16xi32>
      %parallel_loop3A_216 = vector.broadcast %parallel_loop3A_168 : i32 to vector<16xi32>
      %parallel_loop3A_217 = arith.minsi %parallel_loop3A_215, %parallel_loop3A_216 : vector<16xi32>
      %parallel_loop3A_218 = vector.broadcast %parallel_loop3A_167 : f32 to vector<16xf32>
      %parallel_loop3A_219 = arith.mulf %parallel_loop3A_212, %parallel_loop3A_218 : vector<16xf32>
      %parallel_loop3A_220 = arith.fptosi %parallel_loop3A_219 : vector<16xf32> to vector<16xi32>
      %parallel_loop3A_221 = vector.broadcast %parallel_loop3A_169 : i32 to vector<16xi32>
      %parallel_loop3A_222 = arith.minsi %parallel_loop3A_220, %parallel_loop3A_221 : vector<16xi32>
      %parallel_loop3A_223 = arith.constant 8 : i32
      %parallel_loop3A_224 = vector.broadcast %parallel_loop3A_223 : i32 to vector<16xi32>
      %parallel_loop3A_225 = arith.muli %parallel_loop3A_217, %parallel_loop3A_224 : vector<16xi32>
      %parallel_loop3A_226 = arith.addi %parallel_loop3A_225, %parallel_loop3A_222 : vector<16xi32>
      %parallel_loop3A_227 = tpu.vector_load_idx %arg6[%parallel_loop3A_226] : memref<128xf32, #tpu.memory_space<vmem>>[vector<16xi32>], vector<16xf32>,
      %parallel_loop3A_228 = arith.constant 16 : i32
      %parallel_loop3A_229 = arith.muli %parallel_loop3A_204, %parallel_loop3A_228 : i32
      %parallel_loop3A_230 = arith.index_cast %parallel_loop3A_229 : i32 to index
      %parallel_loop3A_231 = tpu.vector_load %arg11[%parallel_loop3A_230] {strides = array<i32>} : memref<16384xf32, #tpu.memory_space<vmem>>, vector<16xf32>,
      tpu.vector_store %arg11[%parallel_loop3A_230], %parallel_loop3A_227 {strides = array<i32>} : memref<16384xf32, #tpu.memory_space<vmem>>, vector<16xf32>,
    } {sc.loop_unroll_factor = 16 : i64, sc.parallel_access}
    %add3A_170 = arith.constant 491520 : i32
    %add3A_171 = arith.addi %mul3A_2, %add3A_170 : i32
    %dma_start3A_172 = tpu.memref_slice %arg5[%add3A_171] : memref<16777216xf32, #tpu.memory_space<hbm>> -> memref<16384xf32, #tpu.memory_space<hbm>>
    %dma_start3A_173 = tpu.memref_slice %arg5[%add3A_171] : memref<16777216xf32, #tpu.memory_space<hbm>> -> memref<16384xf32, #tpu.memory_space<hbm>>
    tpu.enqueue_dma source(%arg11 : memref<16384xf32, #tpu.memory_space<vmem>>) target(%dma_start3A_173 : memref<16384xf32, #tpu.memory_space<hbm>>) target_semaphore(%arg15 : memref<!tpu.dma_semaphore, #tpu.memory_space<semaphore_mem>>)
    %dma_wait3A_174 = arith.constant 0 : i32
    %dma_wait3A_175 = tpu.memref_slice %arg5[%dma_wait3A_174] : memref<16777216xf32, #tpu.memory_space<hbm>> -> memref<16384xf32, #tpu.memory_space<hbm>>
    %dma_wait3A_176 = arith.constant 0 : i32
    %dma_wait3A_177 = tpu.memref_slice %arg5[%dma_wait3A_176] : memref<16777216xf32, #tpu.memory_space<hbm>> -> memref<16384xf32, #tpu.memory_space<hbm>>
    tpu.wait_dma2 semaphore(%arg16 : memref<!tpu.dma_semaphore, #tpu.memory_space<semaphore_mem>>) src(%arg12 : memref<16384xf32, #tpu.memory_space<vmem>>) dst(%dma_wait3A_177 : memref<16384xf32, #tpu.memory_space<hbm>>)
    %dma_wait3A_178 = arith.constant 0 : i32
    %dma_wait3A_179 = tpu.memref_slice %arg2[%dma_wait3A_178] : memref<16777216xf32, #tpu.memory_space<hbm>> -> memref<16384xf32, #tpu.memory_space<hbm>>
    %dma_wait3A_180 = arith.constant 0 : i32
    %dma_wait3A_181 = tpu.memref_slice %arg2[%dma_wait3A_180] : memref<16777216xf32, #tpu.memory_space<hbm>> -> memref<16384xf32, #tpu.memory_space<hbm>>
    tpu.wait_dma2 semaphore(%arg14 : memref<!tpu.dma_semaphore, #tpu.memory_space<semaphore_mem>>) src(%dma_wait3A_181 : memref<16384xf32, #tpu.memory_space<hbm>>) dst(%arg8 : memref<16384xf32, #tpu.memory_space<vmem>>)
    %dma_wait3A_182 = arith.constant 0 : i32
    %dma_wait3A_183 = tpu.memref_slice %arg3[%dma_wait3A_182] : memref<16777216xf32, #tpu.memory_space<hbm>> -> memref<16384xf32, #tpu.memory_space<hbm>>
    %dma_wait3A_184 = arith.constant 0 : i32
    %dma_wait3A_185 = tpu.memref_slice %arg3[%dma_wait3A_184] : memref<16777216xf32, #tpu.memory_space<hbm>> -> memref<16384xf32, #tpu.memory_space<hbm>>
    tpu.wait_dma2 semaphore(%arg14 : memref<!tpu.dma_semaphore, #tpu.memory_space<semaphore_mem>>) src(%dma_wait3A_185 : memref<16384xf32, #tpu.memory_space<hbm>>) dst(%arg10 : memref<16384xf32, #tpu.memory_space<vmem>>)
    %parallel_loop3A_186 = arith.constant 0 : i32
    %parallel_loop3A_187 = arith.constant 1024 : i32
    %parallel_loop3A_188 = arith.constant 1 : i32
    %parallel_loop3A_189 = arith.constant 2.54647899 : f32
    %parallel_loop3A_190 = arith.constant 15 : i32
    %parallel_loop3A_191 = arith.constant 7 : i32
    scf.for %parallel_loop3A_204 = %parallel_loop3A_186 to %parallel_loop3A_187 step %parallel_loop3A_188  : i32 {
      %parallel_loop3A_205 = arith.constant 16 : i32
      %parallel_loop3A_206 = arith.muli %parallel_loop3A_204, %parallel_loop3A_205 : i32
      %parallel_loop3A_207 = arith.index_cast %parallel_loop3A_206 : i32 to index
      %parallel_loop3A_208 = tpu.vector_load %arg8[%parallel_loop3A_207] {strides = array<i32>} : memref<16384xf32, #tpu.memory_space<vmem>>, vector<16xf32>,
      %parallel_loop3A_209 = arith.constant 16 : i32
      %parallel_loop3A_210 = arith.muli %parallel_loop3A_204, %parallel_loop3A_209 : i32
      %parallel_loop3A_211 = arith.index_cast %parallel_loop3A_210 : i32 to index
      %parallel_loop3A_212 = tpu.vector_load %arg10[%parallel_loop3A_211] {strides = array<i32>} : memref<16384xf32, #tpu.memory_space<vmem>>, vector<16xf32>,
      %parallel_loop3A_213 = vector.broadcast %parallel_loop3A_189 : f32 to vector<16xf32>
      %parallel_loop3A_214 = arith.mulf %parallel_loop3A_208, %parallel_loop3A_213 : vector<16xf32>
      %parallel_loop3A_215 = arith.fptosi %parallel_loop3A_214 : vector<16xf32> to vector<16xi32>
      %parallel_loop3A_216 = vector.broadcast %parallel_loop3A_190 : i32 to vector<16xi32>
      %parallel_loop3A_217 = arith.minsi %parallel_loop3A_215, %parallel_loop3A_216 : vector<16xi32>
      %parallel_loop3A_218 = vector.broadcast %parallel_loop3A_189 : f32 to vector<16xf32>
      %parallel_loop3A_219 = arith.mulf %parallel_loop3A_212, %parallel_loop3A_218 : vector<16xf32>
      %parallel_loop3A_220 = arith.fptosi %parallel_loop3A_219 : vector<16xf32> to vector<16xi32>
      %parallel_loop3A_221 = vector.broadcast %parallel_loop3A_191 : i32 to vector<16xi32>
      %parallel_loop3A_222 = arith.minsi %parallel_loop3A_220, %parallel_loop3A_221 : vector<16xi32>
      %parallel_loop3A_223 = arith.constant 8 : i32
      %parallel_loop3A_224 = vector.broadcast %parallel_loop3A_223 : i32 to vector<16xi32>
      %parallel_loop3A_225 = arith.muli %parallel_loop3A_217, %parallel_loop3A_224 : vector<16xi32>
      %parallel_loop3A_226 = arith.addi %parallel_loop3A_225, %parallel_loop3A_222 : vector<16xi32>
      %parallel_loop3A_227 = tpu.vector_load_idx %arg6[%parallel_loop3A_226] : memref<128xf32, #tpu.memory_space<vmem>>[vector<16xi32>], vector<16xf32>,
      %parallel_loop3A_228 = arith.constant 16 : i32
      %parallel_loop3A_229 = arith.muli %parallel_loop3A_204, %parallel_loop3A_228 : i32
      %parallel_loop3A_230 = arith.index_cast %parallel_loop3A_229 : i32 to index
      %parallel_loop3A_231 = tpu.vector_load %arg12[%parallel_loop3A_230] {strides = array<i32>} : memref<16384xf32, #tpu.memory_space<vmem>>, vector<16xf32>,
      tpu.vector_store %arg12[%parallel_loop3A_230], %parallel_loop3A_227 {strides = array<i32>} : memref<16384xf32, #tpu.memory_space<vmem>>, vector<16xf32>,
    } {sc.loop_unroll_factor = 16 : i64, sc.parallel_access}
    %add3A_192 = arith.constant 507904 : i32
    %add3A_193 = arith.addi %mul3A_2, %add3A_192 : i32
    %dma_start3A_194 = tpu.memref_slice %arg5[%add3A_193] : memref<16777216xf32, #tpu.memory_space<hbm>> -> memref<16384xf32, #tpu.memory_space<hbm>>
    %dma_start3A_195 = tpu.memref_slice %arg5[%add3A_193] : memref<16777216xf32, #tpu.memory_space<hbm>> -> memref<16384xf32, #tpu.memory_space<hbm>>
    tpu.enqueue_dma source(%arg12 : memref<16384xf32, #tpu.memory_space<vmem>>) target(%dma_start3A_195 : memref<16384xf32, #tpu.memory_space<hbm>>) target_semaphore(%arg16 : memref<!tpu.dma_semaphore, #tpu.memory_space<semaphore_mem>>)
    %dma_wait3A_196 = arith.constant 0 : i32
    %dma_wait3A_197 = tpu.memref_slice %arg5[%dma_wait3A_196] : memref<16777216xf32, #tpu.memory_space<hbm>> -> memref<16384xf32, #tpu.memory_space<hbm>>
    %dma_wait3A_198 = arith.constant 0 : i32
    %dma_wait3A_199 = tpu.memref_slice %arg5[%dma_wait3A_198] : memref<16777216xf32, #tpu.memory_space<hbm>> -> memref<16384xf32, #tpu.memory_space<hbm>>
    tpu.wait_dma2 semaphore(%arg15 : memref<!tpu.dma_semaphore, #tpu.memory_space<semaphore_mem>>) src(%arg11 : memref<16384xf32, #tpu.memory_space<vmem>>) dst(%dma_wait3A_199 : memref<16384xf32, #tpu.memory_space<hbm>>)
    %dma_wait3A_200 = arith.constant 0 : i32
    %dma_wait3A_201 = tpu.memref_slice %arg5[%dma_wait3A_200] : memref<16777216xf32, #tpu.memory_space<hbm>> -> memref<16384xf32, #tpu.memory_space<hbm>>
    %dma_wait3A_202 = arith.constant 0 : i32
    %dma_wait3A_203 = tpu.memref_slice %arg5[%dma_wait3A_202] : memref<16777216xf32, #tpu.memory_space<hbm>> -> memref<16384xf32, #tpu.memory_space<hbm>>
    tpu.wait_dma2 semaphore(%arg16 : memref<!tpu.dma_semaphore, #tpu.memory_space<semaphore_mem>>) src(%arg12 : memref<16384xf32, #tpu.memory_space<vmem>>) dst(%dma_wait3A_203 : memref<16384xf32, #tpu.memory_space<hbm>>)
    return
  }
}

</mosaic_0001>

<sc_bundles>
// kernel: kernel.3.cloned.1.call-start
scs
__scs_entry_jumppad:
0x0: {  	(pc) =	sbr.rel $0x88, $3  }
0x1: {  	(tag) =	ssettag $0x0;
	lr =	simm.s32 $0x1  }
0x2: {  	[smem:$0x3F9E] =	sst lr;
	_ =	strace $0xD0000000  }
0x3: {  	_ = 	snop  }
0x4: {  	_ = 	snop  }
0x5: {  	_ = 	snop  }
0x6: {  	_ = 	snop  }
0x7: {  	_ = 	snop  }
__scs_overlays_trampoline_lowered:
0x8: {  	[smem:$0x3FAD] =	sst s0  }
0x9: {  	[smem:$0x3FAE] =	sst s1  }
0xa: {  	[smem:$0x3FAF] =	sst s2  }
0xb: {  	[smem:$0x3FB0] =	sst s3  }
0xc: {  	[smem:$0x3FB1] =	sst s4  }
0xd: {  	[smem:$0x3FB2] =	sst s5  }
0xe: {  	[smem:$0x3FB3] =	sst s6  }
0xf: {  	[smem:$0x3FB4] =	sst s7  }
0x10: {  	[smem:$0x3FB5] =	sst s8  }
0x11: {  	[smem:$0x3FB6] =	sst s9;
	s0 =	simm.s32 @!p0 $0x0  }
0x12: {  	s1 =	sld [smem:$0x3F9C];
	s0 =	simm.s32 @p0 $0x1  }
0x13: {  	[smem:$0x3FB7] =	sst s0;
	s0 =	simm.s32 @!p1 $0x0  }
0x14: {  	s2 =	sld [smem:$0x3F9B];
	s0 =	simm.s32 @p1 $0x1  }
0x15: {  	[smem:$0x3FB8] =	sst s0;
	s0 =	simm.s32 @!p2 $0x0  }
0x16: {  	s3 =	sld [smem:$0x3FDB];
	s0 =	simm.s32 @p2 $0x1  }
0x17: {  	s4 =	simm.s32 $0x1BF5;
	[smem:$0x3FBA] =	sst s0  }
0x18: {  	s0 =	sld [smem:$0x3F9D];
	_ =	swait.ge [sflag:s4], $0x0  }
0x19: {  	s7 =	sld [smem:$0x3F9E]  }
0x1a: {  	s8 =	sadd.s32 $0xFFFFE003, lr  }
0x1b: {  	s9 =	sadd.s32 $0xFFFFFEF7, lr;
	s5 =	simm.s32 $0xFFFFFFFF;
	p2 =	slt.u32 s8, $0xFFFFF086  }
0x1c: {  	p1 =	slt.u32 s9, $0xF7A;
	s5 =	simm.s32 @!p2 $0x0  }
0x1d: {  	s5 =	simm.s32 @p1 $0x1;
	p0 =	seq.s32 s7, s2  }
0x1e: {  	s7 =	smul.u32 @!p0 $0xF7A, s2;
	p2 =	seq.s32 @!p0 s5, $0x0  }
0x1f: {  	s9 =	smul.u32 $0xF7A, s1;
	s8 =	simm.s32 @!p0 $0x1BF5;
	p2 =	por !p2, p0  }
0x20: {  	[sflag:s8] =	ssyncset.s32 @!p0 $0xFFFFF086;
	s6 =	sadd.s32 @!p0 s3, s7;
	s7 =	simm.s32 @!p0 $0x108  }
0x21: {  	s3 =	sadd.s32 s3, s9;
	s6 =	sadd.s32 @!p0 $0x88, s6;
	s7 =	simm.s32 @p2 $0x1082  }
0x22: {  	[simem:s7], [sflag:s8] =	dma.local @!p0 [hbm:s6], $0xF7A  }
0x23: {  	s9 =	sor.u32 $0xD0000000, s2;
	s6 =	simm.s32 $0x108;
	_ =	swait.ge @!p0 [sflag:s8], $0x0  }
0x24: {  	s3 =	sadd.s32 $0x88, s3;
	s6 =	simm.s32 @!p1 $0x1082;
	[sflag:s4] =	ssyncset.s32 $0xFFFFF086  }
0x25: {  	[simem:s6], [sflag:s4] =	dma.local [hbm:s3], $0xF7A  }
0x26: {  	[smem:$0x3F9E] =	sst s1;
	(tag) =	ssettag s2;
	_ =	strace s9  }
0x27: {  	s1 =	sld [smem:$0x3FAE]  }
0x28: {  	s2 =	sld [smem:$0x3FAF]  }
0x29: {  	s4 =	sld [smem:$0x3FB1]  }
0x2a: {  	p0 =	seq.s32 s5, $0x0;
	s5 =	sld [smem:$0x3FB2]  }
0x2b: {  	s6 =	sld [smem:$0x3FB3]  }
0x2c: {  	s7 =	sld [smem:$0x3FB4]  }
0x2d: {  	s3 =	simm.s32 $0x108;
	s8 =	sld [smem:$0x3FB5]  }
0x2e: {  	s3 =	simm.s32 @!p0 $0x1082;
	s9 =	sld [smem:$0x3FB6]  }
0x2f: {  	lr =	sadd.s32 s0, s3;
	s0 =	sld [smem:$0x3FAD]  }
0x30: {  	s3 =	sld [smem:$0x3FB0]  }
0x31: {  	[smem:$0x3FB9] =	sst s10  }
0x32: {  	s10 =	sld [smem:$0x3FB7];
	_ =	sdelay $0x3  }
0x33: {  	p0 =	seq.s32 s10, $0x1;
	s10 =	sld [smem:$0x3FB9];
	_ =	sdelay $0x3  }
0x34: {  	[smem:$0x3FB9] =	sst s10  }
0x35: {  	s10 =	sld [smem:$0x3FB8];
	_ =	sdelay $0x3  }
0x36: {  	p1 =	seq.s32 s10, $0x1;
	s10 =	sld [smem:$0x3FB9];
	_ =	sdelay $0x3  }
0x37: {  	[smem:$0x3FB9] =	sst s10  }
0x38: {  	s10 =	sld [smem:$0x3FBA]  }
0x39: {  	_ = 	snop;
	(pc) =	sbr.ind lr, $3  }
0x3a: {  	_ = 	snop  }
0x3b: {  	_ = 	snop  }
0x3c: {  	p2 =	seq.s32 s10, $0x1;
	s10 =	sld [smem:$0x3FB9]  }
0x3d: {  	_ =	shalt  }
0x3e: {  	_ =	shalt  }
0x3f: {  	_ =	shalt  }
0x40: {  	_ =	shalt  }
0x41: {  	_ =	shalt  }
0x42: {  	_ =	shalt  }
0x43: {  	_ =	shalt  }
0x44: {  	_ =	shalt  }
0x45: {  	_ =	shalt  }
0x46: {  	_ =	shalt  }
0x47: {  	_ =	shalt  }
0x48: {  	_ =	shalt  }
0x49: {  	_ =	shalt  }
0x4a: {  	_ =	shalt  }
0x4b: {  	_ =	shalt  }
0x4c: {  	_ =	shalt  }
0x4d: {  	_ =	shalt  }
0x4e: {  	_ =	shalt  }
0x4f: {  	_ =	shalt  }
0x50: {  	_ =	shalt  }
0x51: {  	_ =	shalt  }
0x52: {  	_ =	shalt  }
0x53: {  	_ =	shalt  }
0x54: {  	_ =	shalt  }
0x55: {  	_ =	shalt  }
0x56: {  	_ =	shalt  }
0x57: {  	_ =	shalt  }
0x58: {  	_ =	shalt  }
0x59: {  	_ =	shalt  }
0x5a: {  	_ =	shalt  }
0x5b: {  	_ =	shalt  }
0x5c: {  	_ =	shalt  }
0x5d: {  	_ =	shalt  }
0x5e: {  	_ =	shalt  }
0x5f: {  	_ =	shalt  }
0x60: {  	_ =	shalt  }
0x61: {  	_ =	shalt  }
0x62: {  	_ =	shalt  }
0x63: {  	_ =	shalt  }
0x64: {  	_ =	shalt  }
0x65: {  	_ =	shalt  }
0x66: {  	_ =	shalt  }
0x67: {  	_ =	shalt  }
0x68: {  	_ =	shalt  }
0x69: {  	_ =	shalt  }
0x6a: {  	_ =	shalt  }
0x6b: {  	_ =	shalt  }
0x6c: {  	_ =	shalt  }
0x6d: {  	_ =	shalt  }
0x6e: {  	_ =	shalt  }
0x6f: {  	_ =	shalt  }
0x70: {  	_ =	shalt  }
0x71: {  	_ =	shalt  }
0x72: {  	_ =	shalt  }
0x73: {  	_ =	shalt  }
0x74: {  	_ =	shalt  }
0x75: {  	_ =	shalt  }
0x76: {  	_ =	shalt  }
0x77: {  	_ =	shalt  }
0x78: {  	_ =	shalt  }
0x79: {  	_ =	shalt  }
0x7a: {  	_ =	shalt  }
0x7b: {  	_ =	shalt  }
0x7c: {  	_ =	shalt  }
0x7d: {  	_ =	shalt  }
0x7e: {  	_ =	shalt  }
0x7f: {  	_ =	shalt  }
0x80: {  	_ =	shalt  }
0x81: {  	_ =	shalt  }
0x82: {  	_ =	shalt  }
0x83: {  	_ =	shalt  }
0x84: {  	_ =	shalt  }
0x85: {  	_ =	shalt  }
0x86: {  	_ =	shalt  }
0x87: {  	_ =	shalt  }
.Lfunc_end0:
.L_simem_size_0:
called_computation_lowered:
.L_overlay_start_0:
0x88: {  	s2 =	sld [smem:$0x3FD9]  }
0x89: {  	s3 =	sld [smem:$0x3FFE];
	_ =	sdelay $0x1  }
0x8a: {  	s1 =	srdreg.scid  }
0x8b: {  	s0 =	sand.u32 $0x1, s1  }
0x8c: {  	s17 =	sshll.u32 s0, $0xA;
	s2 =	sadd.s32 s3, s2  }
0x8d: {  	s2 =	sadd.s32 s2, s17  }
0x8e: {  	[smem:$0x3FC5] =	sst s2  }
0x8f: {  	_ = 	snop  }
0x90: {  	s2 =	sld [smem:$0x3FC9]  }
0x91: {  	s18 =	sld [smem:$0x3FC8]  }
0x92: {  	s4 =	sld [smem:$0x3FD0];
	(tm) =	ssettm $0x1  }
0x93: {  	s5 =	sld [smem:$0x3FFB];
	_ =	sdelay $0x3  }
0x94: {  	_ =	strace s5  }
0x95: {  	s5 =	sld [smem:$0x3FFC];
	_ =	sdelay $0x3  }
0x96: {  	_ =	strace s5  }
0x97: {  	s5 =	sld [smem:$0x3FFD];
	_ =	sdelay $0x3  }
0x98: {  	_ =	strace s5  }
0x99: {  	_ =	strace $0x8FFFFFFF  }
0x9a: {  	s19 =	sld [smem:$0x3FDB];
	_ =	sdelay $0x1  }
0x9b: {  	s6 =	simm.s32 $_scs_section_size  }
0x9c: {  	s7 =	simm.s32 $_size__tile_overlayer_lowered;
	s8 =	simm.s32 $_tile_overlayer_lowered  }
0x9d: {  	s22 =	simm.s32 $0x1BFF;
	s21 =	sshll.u32 s8, $0x1;
	s5 =	sadd.s32 s6, s19  }
0x9e: {  	s9 =	simm.s32 $0x0;
	s20 =	sshll.u32 s7, $0x1;
	s7 =	sadd.s32 s21, s5  }
0x9f: {  	[timem:s9], [sflag:s22] =	dma.local [hbm:s7], s20  }
0xa0: {  	_ =	swait.ge [sflag:s22], s20  }
0xa1: {  	s6 =	ssub.s32 $0x0, s20;
	[sflag:s22] =	ssyncset.done $0x0  }
0xa2: {  	[sflag:s22] =	ssyncadd.s32 s6;
	_ =	sdelay $0x1  }
0xa3: {  	s23 =	simm.s32 $0x1B8B  }
0xa4: {  	_ =	swait.ge [sflag:s23], $0x1  }
0xa5: {  	[sflag:s23] =	ssyncset.done $0x0  }
0xa6: {  	s25 =	simm.s32 $0x1B8E;
	s24 =	sld [smem:$0x3FFE];
	[sflag:s23] =	ssyncadd.s32 $0xFFFFFFFF  }
0xa7: {  	s26 =	simm.s32 $execute0_lowered;
	[smem:$0x3FD2] =	sst s25  }
0xa8: {  	s7 =	sshll.u32 s26, $0x1;
	_ =	strace $0x80000046;
	[dreg:$0x1] =	wrdreg $0xFFFFFFFF  }
0xa9: {  	s28 =	simm.s32 $_size_execute0_lowered;
	s5 =	sadd.s32 s5, s7;
	[dreg:$0x0] =	wrdreg $0x0  }
0xaa: {  	s7 =	sshll.u32 s28, $0x1;
	[dreg:$0x2] =	wrdreg s5  }
0xab: {  	[dreg:$0x3] =	wrdreg s7  }
0xac: {  	[dreg:$0x4] =	wrdreg $0xC0  }
0xad: {  	_ =	task [dreg:s9], $0x5FFFF  }
0xae: {  	[dreg:$0x1] =	wrdreg $0xFFFFFFFF  }
0xaf: {  	[dreg:$0x0] =	wrdreg $0x60  }
0xb0: {  	[dreg:$0x2] =	wrdreg s2  }
0xb1: {  	[dreg:$0x3] =	wrdreg s18  }
0xb2: {  	[dreg:$0x4] =	wrdreg s24  }
0xb3: {  	[dreg:$0x5] =	wrdreg s4  }
0xb4: {  	[dreg:$0x6] =	wrdreg $0x9  }
0xb5: {  	_ =	task.clear_ibuf [dreg:s9], $0x7FFFF;
	_ =	strace $0x90000046  }
0xb6: {  	s29 =	simm.s32 $0x9;
	_ =	strace $0x80000048  }
0xb7: {  	_ =	swait.ge [sflag:s29], $0x1  }
0xb8: {  	[sflag:s29] =	ssyncadd.s32 $0xFFFFFFFF  }
0xb9: {  	_ =	strace $0x90000048  }
0xba: {  	_ =	sfence  }
0xbb: {  	s30 =	sld [smem:$0x0];
	_ =	sdelay $0x2  }
0xbc: {  	s31 =	sshll.u32 s1, $0xD;
	s1 =	sshrl.u32 s1, $0x2  }
0xbd: {  	s3 =	sand.u32 $0x4000, s31;
	s1 =	sadd.s32 s1, s30  }
0xbe: {  	s0 =	sor.u32 s3, s0;
	s1 =	sshll.u32 s1, $0x11  }
0xbf: {  	s0 =	sor.u32 s1, s0  }
0xc0: {  	s0 =	sadd.s32 $0x8F2B, s0  }
0xc1: {  	[sflag:s0] =	ssyncadd.remote.s32 $0x1  }
0xc2: {  	_ =	sfence.sel $0xFFFF  }
0xc3: {  	[dreg:$0x0] =	wrdreg $0xFFFFFFFF;
	(pc) =	sbr.abs _section_cstart, $3  }
0xc4: {  	[dreg:$0x1] =	wrdreg $0xFFFFFFFF  }
0xc5: {  	_ =	task.clear_ibuf [dreg:s9], $0x2FFFF;
	_ =	strace $0x9FFFFFFF  }
0xc6: {  	(tm) =	ssettm $0x7FFFFFFF  }
0xc7: {  	_ =	shalt  }
tec
execute0_lowered:
.L_overlay_start_1:
0x0: {  	(tag) =	ssettag $0x1  }
0x1: {  	s1 =	rddreg [dreg:$0x0]  }
0x2: {  	s2 =	rddreg [dreg:$0x1]  }
0x3: {  	s0 =	rddreg [dreg:$0x2]  }
0x4: {  	s3 =	rddreg [dreg:$0x3]  }
0x5: {  	s5 =	simm.s32 $0x0;
	s4 =	srdreg.scid;
	s6 =	stileid.u32  }
0x6: {  	s28 =	simm.s32 $0xC080;
	s29 =	simm.s32 $0x1;
	s30 =	simm.s32 $0x10080  }
0x7: {  	s31 =	simm.s32 $0x2;
	[smem:$0x7FF] =	sst s5;
	s4 =	sand.u32 $0x1, s4  }
0x8: {  	s6 =	sshll.u32 s6, $0x14;
	s7 =	ssub.s32 $0x2, s4;
	s4 =	sshll.u32 s4, $0x13  }
0x9: {  	s0 =	sadd.s32 $0x400, s0;
	_ =	strace $0x80000047;
	s6 =	sor.u32 s4, s6  }
0xa: {  	[dreg:$0x5] =	wrdreg s0;
	s8 =	sshrl.u32 s7, $0x1;
	s4 =	sshrl.u32 s6, $0x3  }
0xb: {  	s0 =	simm.s32 $0x14080;
	s17 =	ssub.s32 s7, s8;
	s20 =	sadd.s32 s1, s4  }
0xc: {  	s21 =	sadd.s32 s2, s4;
	s22 =	sor.u32 $0x800, s4;
	[dreg:$0x6] =	wrdreg s20  }
0xd: {  	s18 =	sor.u32 $0x8000, s6;
	[dreg:$0x7] =	wrdreg s21;
	s23 =	sadd.s32 s1, s22  }
0xe: {  	s25 =	sor.u32 $0x1000, s4;
	s24 =	sadd.s32 s2, s22;
	[dreg:$0x8] =	wrdreg s23  }
0xf: {  	s19 =	sor.u32 $0xC000, s6;
	s9 =	sadd.s32 s1, s25;
	[dreg:$0x9] =	wrdreg s24  }
0x10: {  	s12 =	sadd.s32 s3, s4;
	s8 =	sadd.s32 s2, s25;
	[dreg:$0xa] =	wrdreg s9  }
0x11: {  	s4 =	sor.u32 $0x1800, s4;
	s7 =	sadd.s32 s3, s22;
	[dreg:$0xb] =	wrdreg s8  }
0x12: {  	s26 =	sadd.s32 s1, s4;
	s4 =	sadd.s32 s2, s4;
	[dreg:$0xc] =	wrdreg s7  }
0x13: {  	s20 =	sadd.s32 $0xF000, s12;
	s21 =	sadd.s32 $0xF800, s12;
	[dreg:$0xd] =	wrdreg s26  }
0x14: {  	s22 =	smax.u32 s17, $0x1;
	s25 =	simm.s32 $0x8080;
	[dreg:$0xe] =	wrdreg s4  }
0x15: {  	s23 =	simm.s32 $0x5;
	s24 =	simm.s32 $0x80;
	s26 =	simm.s32 $0x4080  }
0x16: {  	s4 =	simm.s32 $0x3;
	s7 =	simm.s32 $0x4;
	s8 =	simm.s32 $0x0  }
.LBB2_1:
0x17: {  	s9 =	rddreg [dreg:$0x5]  }
0x18: {  	[tilespmem:s5], [sflag:$0x5] =	stream.linear.gather [hbm4b:s9+s5], $0x80, $0x38;
	[tilespmem:$0x18080] =	vst v63  }
0x19: {  	_ =	swait.ge [sflag:s23], $0x80  }
0x1a: {  	[sflag:s23] =	ssyncset.done $0x0  }
0x1b: {  	[sflag:s23] =	ssyncadd.s32 $0xFFFFFF80  }
0x1c: {  	v0 =	vld [tilespmem:$0x0]  }
0x1d: {  	v1 =	vld [tilespmem:$0x10]  }
0x1e: {  	v2 =	vld [tilespmem:$0x20]  }
0x1f: {  	v3 =	vld [tilespmem:$0x30]  }
0x20: {  	v4 =	vld [tilespmem:$0x40]  }
0x21: {  	v5 =	vld [tilespmem:$0x50];
	v0 =	vmax.f32 v0, $-3.000000120e-01  }
0x22: {  	v6 =	vld [tilespmem:$0x60];
	v1 =	vmax.f32 v1, $-3.000000120e-01;
	v0 =	vmin.f32 v0, $3.000000120e-01  }
0x23: {  	v2 =	vmax.f32 v2, $-3.000000120e-01;
	v1 =	vmin.f32 v1, $3.000000120e-01;
	v0 =	vmul.f32 $1.442695020e+00, v0  }
0x24: {  	v3 =	vmax.f32 v3, $-3.000000120e-01;
	v2 =	vmin.f32 v2, $3.000000120e-01;
	v1 =	vmul.f32 $1.442695020e+00, v1  }
0x25: {  	(erf) = vpow2.f32 v0;
	v0 =	vmul.f32 $1.442695020e+00, v2;
	v2 =	vmin.f32 v3, $3.000000120e-01;
	v3 =	vld [tilespmem:$0x70]  }
0x26: {  	(erf) = vpow2.f32 v1;
	v1 =	vmul.f32 $1.442695020e+00, v2  }
0x27: {  	(erf) = vpow2.f32 v0;
	v0 =	vmax.f32 v4, $-3.000000120e-01  }
0x28: {  	(erf) = vpow2.f32 v1;
	v0 =	vmin.f32 v0, $3.000000120e-01;
	v1 =	vmax.f32 v5, $-3.000000120e-01  }
0x29: {  	v2 =	vmax.f32 v6, $-3.000000120e-01;
	v0 =	vmul.f32 $1.442695020e+00, v0;
	v1 =	vmin.f32 v1, $3.000000120e-01  }
0x2a: {  	v2 =	vmin.f32 v2, $3.000000120e-01;
	v1 =	vmul.f32 $1.442695020e+00, v1;
	v3 =	vmax.f32 v3, $-3.000000120e-01  }
0x2b: {  	(erf) = vpow2.f32 v0;
	v0 =	vmul.f32 $1.442695020e+00, v2;
	v2 =	vmin.f32 v3, $3.000000120e-01  }
0x2c: {  	(erf) = vpow2.f32 v1;
	v1 =	vmul.f32 $1.442695020e+00, v2  }
0x2d: {  	(erf) = vpow2.f32 v0  }
0x2e: {  	(erf) = vpow2.f32 v1;
	_ =	sdelay $0x1  }
0x2f: {  	v0 =	vpop (erf)  }
0x30: {  	v1 =	vpop (erf);
	[tilespmem:$0x0] =	vst v0  }
0x31: {  	v0 =	vpop (erf);
	[tilespmem:$0x10] =	vst v1  }
0x32: {  	v1 =	vpop (erf);
	[tilespmem:$0x20] =	vst v0  }
0x33: {  	[tilespmem:$0x30] =	vst v1;
	v0 =	vpop (erf)  }
0x34: {  	v1 =	vpop (erf);
	[tilespmem:$0x40] =	vst v0  }
0x35: {  	v0 =	vpop (erf);
	[tilespmem:$0x50] =	vst v1  }
0x36: {  	[tilespmem:$0x60] =	vst v0;
	v0 =	vpop (erf)  }
0x37: {  	s14 =	rddreg [dreg:$0x6];
	[tilespmem:$0x70] =	vst v0  }
0x38: {  	[tilespmem:s24], [sflag:$0x1] =	stream.linear.gather [hbm4b:s14+s5], $0x4000, $0x38;
	[tilespmem:$0x18080] =	vst v63  }
0x39: {  	s15 =	rddreg [dreg:$0x7]  }
0x3a: {  	[tilespmem:s25], [sflag:$0x1] =	stream.linear.gather [hbm4b:s15+s5], $0x4000, $0x38;
	[tilespmem:$0x18080] =	vst v63  }
0x3b: {  	s16 =	rddreg [dreg:$0x8]  }
0x3c: {  	[tilespmem:s26], [sflag:$0x2] =	stream.linear.gather [hbm4b:s16+s5], $0x4000, $0x38;
	[tilespmem:$0x18080] =	vst v63  }
0x3d: {  	s17 =	rddreg [dreg:$0x9]  }
0x3e: {  	[tilespmem:s28], [sflag:$0x2] =	stream.linear.gather [hbm4b:s17+s5], $0x4000, $0x38;
	[tilespmem:$0x18080] =	vst v63  }
0x3f: {  	_ =	swait.ge [sflag:s29], $0x4000  }
0x40: {  	[sflag:s29] =	ssyncset.done $0x0  }
0x41: {  	[sflag:s29] =	ssyncadd.s32 $0xFFFFC000  }
0x42: {  	_ =	swait.ge [sflag:s29], $0x4000  }
0x43: {  	[sflag:s29] =	ssyncset.done $0x0  }
0x44: {  	s10 =	simm.s32 $0x100;
	[sflag:s29] =	ssyncadd.s32 $0xFFFFC000  }
0x45: {  	s9 =	simm.s32 $0x8100;
	v0 =	vld [tilespmem:s10+$0x70]  }
0x46: {  	v1 =	vld [tilespmem:s9+$0x70]  }
0x47: {  	v2 =	vld [tilespmem:s10+$0xFFFFFF90]  }
0x48: {  	v3 =	vld [tilespmem:s10+$0xFFFFFFA0]  }
0x49: {  	v4 =	vld [tilespmem:s10+$0xFFFFFFB0]  }
0x4a: {  	v5 =	vld [tilespmem:s10+$0xFFFFFFC0]  }
0x4b: {  	v6 =	vld [tilespmem:s10+$0xFFFFFFD0]  }
0x4c: {  	v7 =	vld [tilespmem:s10+$0xFFFFFFE0]  }
0x4d: {  	v8 =	vld [tilespmem:s10+$0xFFFFFFF0]  }
0x4e: {  	v9 =	vld [tilespmem:s10+$0x0]  }
0x4f: {  	v10 =	vld [tilespmem:s10+$0x10]  }
0x50: {  	v11 =	vld [tilespmem:s10+$0x20]  }
0x51: {  	v12 =	vld [tilespmem:s10+$0x30]  }
0x52: {  	v13 =	vld [tilespmem:s10+$0x40]  }
0x53: {  	v14 =	vld [tilespmem:s10+$0x50]  }
0x54: {  	v15 =	vld [tilespmem:s10+$0x60]  }
0x55: {  	v16 =	vld [tilespmem:s10+$0xFFFFFF80];
	v0 =	vmul.f32 $2.546478990e+00, v0  }
0x56: {  	v17 =	vld [tilespmem:s9+$0xFFFFFF80];
	v1 =	vmul.f32 $2.546478990e+00, v1;
	v2 =	vmul.f32 $2.546478990e+00, v2  }
0x57: {  	v18 =	vld [tilespmem:s9+$0xFFFFFF90];
	v3 =	vmul.f32 $2.546478990e+00, v3;
	v4 =	vmul.f32 $2.546478990e+00, v4  }
0x58: {  	v19 =	vld [tilespmem:s9+$0xFFFFFFA0];
	v5 =	vmul.f32 $2.546478990e+00, v5;
	v6 =	vmul.f32 $2.546478990e+00, v6  }
0x59: {  	v20 =	vld [tilespmem:s9+$0xFFFFFFB0];
	v7 =	vmul.f32 $2.546478990e+00, v7;
	v8 =	vmul.f32 $2.546478990e+00, v8  }
0x5a: {  	v21 =	vld [tilespmem:s9+$0xFFFFFFC0];
	v9 =	vmul.f32 $2.546478990e+00, v9;
	v10 =	vmul.f32 $2.546478990e+00, v10  }
0x5b: {  	v24 =	vld [tilespmem:s9+$0xFFFFFFF0];
	v11 =	vmul.f32 $2.546478990e+00, v11;
	v12 =	vmul.f32 $2.546478990e+00, v12  }
0x5c: {  	v13 =	vmul.f32 $2.546478990e+00, v13;
	v14 =	vmul.f32 $2.546478990e+00, v14  }
0x5d: {  	v15 =	vmul.f32 $2.546478990e+00, v15;
	v16 =	vmul.f32 $2.546478990e+00, v16  }
0x5e: {  	v17 =	vmul.f32 $2.546478990e+00, v17;
	v18 =	vmul.f32 $2.546478990e+00, v18  }
0x5f: {  	v19 =	vmul.f32 $2.546478990e+00, v19;
	v20 =	vmul.f32 $2.546478990e+00, v20  }
0x60: {  	v21 =	vmul.f32 $2.546478990e+00, v21;
	v24 =	vmul.f32 $2.546478990e+00, v24  }
0x61: {  	v0 =	vtrunc.f32 v0;
	v1 =	vtrunc.f32 v1  }
0x62: {  	v2 =	vtrunc.f32 v2;
	v3 =	vtrunc.f32 v3  }
0x63: {  	v4 =	vtrunc.f32 v4;
	v5 =	vtrunc.f32 v5  }
0x64: {  	v6 =	vtrunc.f32 v6;
	v7 =	vtrunc.f32 v7  }
0x65: {  	v8 =	vtrunc.f32 v8;
	v9 =	vtrunc.f32 v9  }
0x66: {  	v10 =	vtrunc.f32 v10;
	v11 =	vtrunc.f32 v11  }
0x67: {  	v25 =	vld [tilespmem:s9+$0x0];
	v16 =	vtrunc.f32 v16;
	v12 =	vtrunc.f32 v12  }
0x68: {  	v26 =	vld [tilespmem:s9+$0x10];
	v13 =	vtrunc.f32 v13;
	v14 =	vtrunc.f32 v14  }
0x69: {  	v15 =	vtrunc.f32 v15;
	v0 =	vcvt.f32.s32 v0  }
0x6a: {  	v27 =	vld [tilespmem:s9+$0x40];
	v1 =	vcvt.f32.s32 v1;
	v16 =	vcvt.f32.s32 v16  }
0x6b: {  	v3 =	vcvt.f32.s32 v3;
	v4 =	vcvt.f32.s32 v4  }
0x6c: {  	v28 =	vcvt.f32.s32 v5;
	v5 =	vmul.f32 $2.546478990e+00, v25  }
0x6d: {  	v30 =	vcvt.f32.s32 v6;
	v6 =	vmul.f32 $2.546478990e+00, v26  }
0x6e: {  	v7 =	vcvt.f32.s32 v7;
	v8 =	vcvt.f32.s32 v8  }
0x6f: {  	v31 =	vcvt.f32.s32 v9;
	v9 =	vmul.f32 $2.546478990e+00, v27  }
0x70: {  	v27 =	vcvt.f32.s32 v10;
	v32 =	vcvt.f32.s32 v11  }
0x71: {  	v33 =	vcvt.f32.s32 v13;
	v34 =	vcvt.f32.s32 v14  }
0x72: {  	v15 =	vcvt.f32.s32 v15;
	v13 =	vtrunc.f32 v18  }
0x73: {  	v14 =	vtrunc.f32 v19;
	v18 =	vtrunc.f32 v21;
	vm0 =	vlt.s32 v0, $0xF  }
0x74: {  	v22 =	vld [tilespmem:s9+$0xFFFFFFD0];
	vm2 =	vlt.s32 v3, $0xF;
	vm3 =	vlt.s32 v4, $0xF;
	vm4 =	vlt.s32 v28, $0xF  }
0x75: {  	v23 =	vld [tilespmem:s9+$0xFFFFFFE0];
	vm5 =	vlt.s32 v30, $0xF;
	vm6 =	vlt.s32 v7, $0xF;
	vm7 =	vlt.s32 v8, $0xF  }
0x76: {  	v25 =	vld [tilespmem:s9+$0x50];
	vm8 =	vlt.s32 v31, $0xF;
	vm9 =	vlt.s32 v27, $0xF;
	vm10 =	vlt.s32 v32, $0xF  }
0x77: {  	v26 =	vld [tilespmem:s9+$0x60];
	vm12 =	vlt.s32 v33, $0xF;
	vm13 =	vlt.s32 v34, $0xF;
	vm15 =	vlt.s32 v15, $0xF  }
0x78: {  	v21 =	vtrunc.f32 v5;
	v0 =	vnsel vm0, $0xF, v0;
	vm0 =	vlt.s32 v1, $0x7  }
0x79: {  	v36 =	vnsel vm2, $0xF, v3;
	v1 =	vnsel vm0, $0x7, v1;
	v0 =	vshll.u32 v0, $0x3  }
0x7a: {  	v38 =	vnsel vm3, $0xF, v4;
	v29 =	vadd.s32 v1, v0;
	v0 =	vcvt.f32.s32 v2  }
0x7b: {  	v40 =	vnsel vm4, $0xF, v28;
	v1 =	vmul.f32 $2.546478990e+00, v22;
	v22 =	vmul.f32 $2.546478990e+00, v23  }
0x7c: {  	v41 =	vnsel vm7, $0xF, v8;
	v10 =	vmul.f32 $2.546478990e+00, v25;
	v11 =	vmul.f32 $2.546478990e+00, v26  }
0x7d: {  	v28 =	vnsel vm10, $0xF, v32;
	v26 =	vcvt.f32.s32 v12;
	v12 =	vtrunc.f32 v17  }
0x7e: {  	vm0 =	vlt.s32 v16, $0xF;
	v17 =	vtrunc.f32 v20;
	v20 =	vtrunc.f32 v24  }
0x7f: {  	v16 =	vnsel vm0, $0xF, v16;
	v24 =	vtrunc.f32 v6;
	v6 =	vcvt.f32.s32 v14  }
0x80: {  	v25 =	vnsel vm9, $0xF, v27;
	v5 =	vcvt.f32.s32 v12;
	v12 =	vcvt.f32.s32 v13  }
0x81: {  	v14 =	vcvt.f32.s32 v20;
	v8 =	vcvt.f32.s32 v24;
	v20 =	vnsel vm15, $0xF, v15  }
0x82: {  	v24 =	vshll.u32 v36, $0x3;
	vm1 =	vlt.s32 v0, $0xF;
	v1 =	vtrunc.f32 v1  }
0x83: {  	v2 =	vld [tilespmem:s9+$0x20];
	vm11 =	vlt.s32 v26, $0xF;
	v19 =	vtrunc.f32 v22;
	v37 =	vtrunc.f32 v10  }
0x84: {  	v23 =	vld [tilespmem:s9+$0x30];
	v39 =	vtrunc.f32 v11;
	v10 =	vcvt.f32.s32 v17;
	v22 =	vnsel vm8, $0xF, v31  }
0x85: {  	v17 =	vnsel vm13, $0xF, v34;
	v35 =	vnsel vm1, $0xF, v0;
	v11 =	vcvt.f32.s32 v1  }
0x86: {  	v13 =	vcvt.f32.s32 v19;
	v1 =	vcvt.f32.s32 v37;
	v27 =	vnsel vm11, $0xF, v26  }
0x87: {  	vm13 =	vlt.s32 v5, $0x7;
	vm14 =	vlt.s32 v12, $0x7;
	vm7 =	vlt.s32 v14, $0x7  }
0x88: {  	v19 =	vshll.u32 v40, $0x3;
	vm11 =	vlt.s32 v10, $0x7;
	v2 =	vmul.f32 $2.546478990e+00, v2  }
0x89: {  	v26 =	vshll.u32 v35, $0x3;
	v23 =	vmul.f32 $2.546478990e+00, v23;
	vm9 =	vlt.s32 v11, $0x7  }
0x8a: {  	vm8 =	vlt.s32 v13, $0x7;
	vm1 =	vlt.s32 v1, $0x7;
	v0 =	vtrunc.f32 v2  }
0x8b: {  	v15 =	vld.idx.msk [tilespmem:v29+s5+$0x0], $0xffff;
	v29 =	vshll.u32 v16, $0x3;
	v2 =	vtrunc.f32 v23;
	v23 =	vtrunc.f32 v9  }
0x8c: {  	v9 =	vcvt.f32.s32 v18;
	v18 =	vnsel vm5, $0xF, v30;
	v30 =	vnsel vm6, $0xF, v7  }
0x8d: {  	v7 =	vcvt.f32.s32 v21;
	vm5 =	vlt.s32 v8, $0x7;
	v3 =	vcvt.f32.s32 v0  }
0x8e: {  	v21 =	vshll.u32 v38, $0x3;
	v4 =	vcvt.f32.s32 v2;
	v2 =	vcvt.f32.s32 v23  }
0x8f: {  	v0 =	vcvt.f32.s32 v39;
	v23 =	vnsel vm12, $0xF, v33;
	vm12 =	vlt.s32 v6, $0x7  }
0x90: {  	v18 =	vshll.u32 v18, $0x3;
	v16 =	vshll.u32 v30, $0x3;
	vm10 =	vlt.s32 v9, $0x7  }
0x91: {  	s11 =	simm.s32 $0x10100;
	vm6 =	vlt.s32 v7, $0x7;
	vm4 =	vlt.s32 v3, $0x7;
	vm3 =	vlt.s32 v4, $0x7  }
0x92: {  	s13 =	simm.s32 $0x0;
	s14 =	simm.s32 $0x200;
	s10 =	simm.s32 $0x10100;
	vm2 =	vlt.s32 v2, $0x7;
	vm0 =	vlt.s32 v0, $0x7;
	[tilespmem:s11+$0x70] =	vst v15;
	v15 =	vshll.u32 v41, $0x3  }
.LBB2_2:
0x93: {  	v30 =	vld [tilespmem:s14+$0x70];
	s13 =	sadd.s32 $0x10, s13;
	v22 =	vshll.u32 v22, $0x3;
	v25 =	vshll.u32 v25, $0x3;
	v28 =	vshll.u32 v28, $0x3;
	s9 =	sadd.s32 $0x100, s9  }
0x94: {  	v27 =	vshll.u32 v27, $0x3;
	v23 =	vshll.u32 v23, $0x3;
	v17 =	vshll.u32 v17, $0x3;
	v31 =	vld [tilespmem:s9+$0x70];
	p0 =	slt.u32 s13, $0x3F0  }
0x95: {  	v33 =	vnsel vm13, $0x7, v5;
	v12 =	vnsel vm14, $0x7, v12;
	v5 =	vshll.u32 v20, $0x3;
	v32 =	vld [tilespmem:s14+$0xFFFFFF90]  }
0x96: {  	v6 =	vnsel vm12, $0x7, v6;
	v10 =	vnsel vm11, $0x7, v10;
	v9 =	vnsel vm10, $0x7, v9;
	v20 =	vld [tilespmem:s14+$0xFFFFFFA0]  }
0x97: {  	v11 =	vnsel vm9, $0x7, v11;
	v13 =	vnsel vm8, $0x7, v13;
	v14 =	vnsel vm7, $0x7, v14;
	v34 =	vld [tilespmem:s14+$0xFFFFFFB0]  }
0x98: {  	v7 =	vnsel vm6, $0x7, v7;
	v8 =	vnsel vm5, $0x7, v8;
	v35 =	vld [tilespmem:s14+$0xFFFFFFC0];
	v30 =	vmul.f32 $2.546478990e+00, v30  }
0x99: {  	v3 =	vnsel vm4, $0x7, v3;
	v4 =	vnsel vm3, $0x7, v4;
	v36 =	vld [tilespmem:s14+$0xFFFFFFD0];
	v31 =	vmul.f32 $2.546478990e+00, v31  }
0x9a: {  	v2 =	vnsel vm2, $0x7, v2;
	v32 =	vmul.f32 $2.546478990e+00, v32;
	v37 =	vld [tilespmem:s14+$0xFFFFFFE0];
	v30 =	vtrunc.f32 v30  }
0x9b: {  	v1 =	vnsel vm1, $0x7, v1;
	v38 =	vld [tilespmem:s14+$0xFFFFFFF0];
	v30 =	vcvt.f32.s32 v30;
	v31 =	vtrunc.f32 v31  }
0x9c: {  	v0 =	vnsel vm0, $0x7, v0;
	v20 =	vmul.f32 $2.546478990e+00, v20;
	v39 =	vld [tilespmem:s14+$0x0];
	v31 =	vcvt.f32.s32 v31  }
0x9d: {  	v34 =	vmul.f32 $2.546478990e+00, v34;
	v35 =	vmul.f32 $2.546478990e+00, v35;
	v40 =	vld [tilespmem:s14+$0x10];
	vm0 =	vlt.s32 v30, $0xF  }
0x9e: {  	v36 =	vmul.f32 $2.546478990e+00, v36;
	v41 =	vld [tilespmem:s14+$0x20];
	v30 =	vnsel vm0, $0xF, v30;
	vm0 =	vlt.s32 v31, $0x7  }
0x9f: {  	v37 =	vmul.f32 $2.546478990e+00, v37;
	v42 =	vld [tilespmem:s14+$0x30];
	v31 =	vnsel vm0, $0x7, v31;
	v30 =	vshll.u32 v30, $0x3  }
0xa0: {  	v32 =	vtrunc.f32 v32;
	v38 =	vmul.f32 $2.546478990e+00, v38;
	v43 =	vld [tilespmem:s14+$0x40];
	v30 =	vadd.s32 v31, v30  }
0xa1: {  	v29 =	vadd.s32 v33, v29;
	v20 =	vtrunc.f32 v20;
	v31 =	vmul.f32 $2.546478990e+00, v39;
	v39 =	vld [tilespmem:s14+$0x50]  }
0xa2: {  	v12 =	vadd.s32 v12, v26;
	v33 =	vtrunc.f32 v34;
	v34 =	vmul.f32 $2.546478990e+00, v40;
	v40 =	vld [tilespmem:s14+$0x60]  }
0xa3: {  	v6 =	vadd.s32 v6, v24;
	v35 =	vtrunc.f32 v35;
	v26 =	vld [tilespmem:s14+$0xFFFFFF80];
	v41 =	vmul.f32 $2.546478990e+00, v41  }
0xa4: {  	v10 =	vadd.s32 v10, v21;
	v36 =	vtrunc.f32 v36;
	v24 =	vld [tilespmem:s9+$0xFFFFFF80];
	v42 =	vmul.f32 $2.546478990e+00, v42  }
0xa5: {  	v9 =	vadd.s32 v9, v19;
	v21 =	vtrunc.f32 v37;
	v37 =	vmul.f32 $2.546478990e+00, v43;
	v30 =	vld.idx.msk [tilespmem:v30+s5+$0x0], $0xffff  }
0xa6: {  	v11 =	vadd.s32 v11, v18;
	v38 =	vtrunc.f32 v38;
	v19 =	vld [tilespmem:s9+$0xFFFFFF90];
	v39 =	vmul.f32 $2.546478990e+00, v39  }
0xa7: {  	v13 =	vadd.s32 v13, v16;
	v31 =	vtrunc.f32 v31;
	v18 =	vld [tilespmem:s9+$0xFFFFFFA0];
	v40 =	vmul.f32 $2.546478990e+00, v40  }
0xa8: {  	v14 =	vadd.s32 v14, v15;
	v34 =	vtrunc.f32 v34;
	v16 =	vmul.f32 $2.546478990e+00, v26;
	v26 =	vld [tilespmem:s9+$0xFFFFFFB0]  }
0xa9: {  	v7 =	vadd.s32 v7, v22;
	v41 =	vtrunc.f32 v41;
	v15 =	vmul.f32 $2.546478990e+00, v24;
	v24 =	vld [tilespmem:s9+$0xFFFFFFC0]  }
0xaa: {  	s11 =	sadd.s32 $0x100, s11;
	v8 =	vadd.s32 v8, v25;
	v42 =	vtrunc.f32 v42;
	v16 =	vtrunc.f32 v16;
	v22 =	vld [tilespmem:s9+$0xFFFFFFD0]  }
0xab: {  	v3 =	vadd.s32 v3, v28;
	v37 =	vtrunc.f32 v37;
	v19 =	vmul.f32 $2.546478990e+00, v19;
	v25 =	vld [tilespmem:s9+$0xFFFFFFE0];
	[tilespmem:s11+$0x70] =	vst v30  }
0xac: {  	v4 =	vadd.s32 v4, v27;
	v30 =	vtrunc.f32 v39;
	v18 =	vmul.f32 $2.546478990e+00, v18;
	v28 =	vld [tilespmem:s9+$0xFFFFFFF0]  }
0xad: {  	v2 =	vadd.s32 v2, v23;
	v39 =	vtrunc.f32 v40;
	v26 =	vmul.f32 $2.546478990e+00, v26;
	v27 =	vld [tilespmem:s9+$0x0]  }
0xae: {  	v1 =	vadd.s32 v1, v17;
	v16 =	vcvt.f32.s32 v16;
	v23 =	vmul.f32 $2.546478990e+00, v24;
	v24 =	vld [tilespmem:s9+$0x10]  }
0xaf: {  	v0 =	vadd.s32 v0, v5;
	v17 =	vcvt.f32.s32 v32;
	v22 =	vmul.f32 $2.546478990e+00, v22;
	v32 =	vld [tilespmem:s9+$0x20]  }
0xb0: {  	v5 =	vcvt.f32.s32 v20;
	vm11 =	vlt.s32 v16, $0xF;
	v20 =	vmul.f32 $2.546478990e+00, v25;
	v25 =	vld [tilespmem:s9+$0x30]  }
0xb1: {  	vm9 =	vlt.s32 v17, $0xF;
	v33 =	vcvt.f32.s32 v33;
	v28 =	vmul.f32 $2.546478990e+00, v28;
	v40 =	vld [tilespmem:s9+$0x40]  }
0xb2: {  	vm8 =	vlt.s32 v5, $0xF;
	v35 =	vcvt.f32.s32 v35;
	v27 =	vmul.f32 $2.546478990e+00, v27;
	v43 =	vld [tilespmem:s9+$0x50]  }
0xb3: {  	vm4 =	vlt.s32 v33, $0xF;
	v36 =	vcvt.f32.s32 v36;
	v24 =	vmul.f32 $2.546478990e+00, v24;
	v44 =	vld [tilespmem:s9+$0x60]  }
0xb4: {  	vm0 =	vlt.s32 v35, $0xF;
	v21 =	vcvt.f32.s32 v21;
	v32 =	vmul.f32 $2.546478990e+00, v32;
	v29 =	vld.idx.msk [tilespmem:v29+s5+$0x0], $0xffff  }
0xb5: {  	vm1 =	vlt.s32 v36, $0xF;
	v38 =	vcvt.f32.s32 v38;
	v25 =	vmul.f32 $2.546478990e+00, v25;
	v12 =	vld.idx.msk [tilespmem:v12+s5+$0x0], $0xffff  }
0xb6: {  	vm2 =	vlt.s32 v21, $0xF;
	v31 =	vcvt.f32.s32 v31;
	v40 =	vmul.f32 $2.546478990e+00, v40;
	v6 =	vld.idx.msk [tilespmem:v6+s5+$0x0], $0xffff  }
0xb7: {  	vm5 =	vlt.s32 v38, $0xF;
	v34 =	vcvt.f32.s32 v34;
	v43 =	vmul.f32 $2.546478990e+00, v43;
	v10 =	vld.idx.msk [tilespmem:v10+s5+$0x0], $0xffff  }
0xb8: {  	vm6 =	vlt.s32 v31, $0xF;
	v41 =	vcvt.f32.s32 v41;
	v44 =	vmul.f32 $2.546478990e+00, v44;
	v9 =	vld.idx.msk [tilespmem:v9+s5+$0x0], $0xffff  }
0xb9: {  	vm7 =	vlt.s32 v34, $0xF;
	v42 =	vcvt.f32.s32 v42;
	v37 =	vcvt.f32.s32 v37;
	v11 =	vld.idx.msk [tilespmem:v11+s5+$0x0], $0xffff  }
0xba: {  	vm3 =	vlt.s32 v41, $0xF;
	v30 =	vcvt.f32.s32 v30;
	v39 =	vcvt.f32.s32 v39;
	[tilespmem:s10+$0xFFFFFF80] =	vst v29;
	v13 =	vld.idx.msk [tilespmem:v13+s5+$0x0], $0xffff  }
0xbb: {  	vm10 =	vlt.s32 v42, $0xF;
	v15 =	vtrunc.f32 v15;
	v19 =	vtrunc.f32 v19;
	[tilespmem:s10+$0xFFFFFF90] =	vst v12;
	v12 =	vld.idx.msk [tilespmem:v14+s5+$0x0], $0xffff  }
0xbc: {  	vm12 =	vlt.s32 v37, $0xF;
	v14 =	vtrunc.f32 v18;
	v18 =	vtrunc.f32 v26;
	[tilespmem:s10+$0xFFFFFFA0] =	vst v6;
	v6 =	vld.idx.msk [tilespmem:v7+s5+$0x0], $0xffff  }
0xbd: {  	vm13 =	vlt.s32 v30, $0xF;
	v22 =	vtrunc.f32 v22;
	v7 =	vtrunc.f32 v23;
	[tilespmem:s10+$0xFFFFFFB0] =	vst v10;
	v8 =	vld.idx.msk [tilespmem:v8+s5+$0x0], $0xffff  }
0xbe: {  	vm15 =	vlt.s32 v39, $0xF;
	v20 =	vtrunc.f32 v20;
	v23 =	vtrunc.f32 v28;
	[tilespmem:s10+$0xFFFFFFC0] =	vst v9;
	v3 =	vld.idx.msk [tilespmem:v3+s5+$0x0], $0xffff  }
0xbf: {  	v16 =	vnsel vm11, $0xF, v16;
	v24 =	vtrunc.f32 v24;
	v26 =	vtrunc.f32 v27;
	[tilespmem:s10+$0xFFFFFFD0] =	vst v11;
	v4 =	vld.idx.msk [tilespmem:v4+s5+$0x0], $0xffff  }
0xc0: {  	v45 =	vnsel vm9, $0xF, v17;
	v17 =	vtrunc.f32 v32;
	v27 =	vtrunc.f32 v25;
	[tilespmem:s10+$0xFFFFFFE0] =	vst v13;
	v2 =	vld.idx.msk [tilespmem:v2+s5+$0x0], $0xffff  }
0xc1: {  	v32 =	vnsel vm8, $0xF, v5;
	v29 =	vtrunc.f32 v43;
	v28 =	vtrunc.f32 v40;
	[tilespmem:s10+$0xFFFFFFF0] =	vst v12;
	v1 =	vld.idx.msk [tilespmem:v1+s5+$0x0], $0xffff  }
0xc2: {  	v5 =	vcvt.f32.s32 v15;
	v15 =	vnsel vm4, $0xF, v33;
	v33 =	vtrunc.f32 v44;
	[tilespmem:s10+$0x0] =	vst v6;
	v0 =	vld.idx.msk [tilespmem:v0+s5+$0x0], $0xffff  }
0xc3: {  	v12 =	vcvt.f32.s32 v19;
	v19 =	vnsel vm0, $0xF, v35;
	v6 =	vcvt.f32.s32 v14;
	[tilespmem:s10+$0x10] =	vst v8  }
0xc4: {  	v10 =	vcvt.f32.s32 v18;
	v18 =	vnsel vm1, $0xF, v36;
	v9 =	vcvt.f32.s32 v7;
	[tilespmem:s10+$0x20] =	vst v3  }
0xc5: {  	v11 =	vcvt.f32.s32 v22;
	v13 =	vcvt.f32.s32 v20;
	v35 =	vnsel vm2, $0xF, v21;
	[tilespmem:s10+$0x30] =	vst v4  }
0xc6: {  	v36 =	vnsel vm5, $0xF, v38;
	v7 =	vcvt.f32.s32 v26;
	v14 =	vcvt.f32.s32 v23;
	[tilespmem:s10+$0x40] =	vst v2  }
0xc7: {  	v22 =	vnsel vm6, $0xF, v31;
	v8 =	vcvt.f32.s32 v24;
	v3 =	vcvt.f32.s32 v17;
	[tilespmem:s10+$0x50] =	vst v1  }
0xc8: {  	v25 =	vnsel vm7, $0xF, v34;
	v4 =	vcvt.f32.s32 v27;
	v2 =	vcvt.f32.s32 v28;
	[tilespmem:s10+$0x60] =	vst v0;
	s10 =	smov.u32 s11  }
0xc9: {  	v28 =	vnsel vm3, $0xF, v41;
	v1 =	vcvt.f32.s32 v29;
	v0 =	vcvt.f32.s32 v33  }
0xca: {  	v23 =	vnsel vm12, $0xF, v37;
	v17 =	vnsel vm13, $0xF, v30;
	v27 =	vnsel vm10, $0xF, v42  }
0xcb: {  	v20 =	vnsel vm15, $0xF, v39;
	vm14 =	vlt.s32 v12, $0x7;
	vm13 =	vlt.s32 v5, $0x7  }
0xcc: {  	vm11 =	vlt.s32 v10, $0x7;
	vm12 =	vlt.s32 v6, $0x7;
	vm10 =	vlt.s32 v9, $0x7  }
0xcd: {  	vm9 =	vlt.s32 v11, $0x7;
	vm8 =	vlt.s32 v13, $0x7;
	vm7 =	vlt.s32 v14, $0x7  }
.Ltmp0:
0xce: {  	vm6 =	vlt.s32 v7, $0x7;
	vm5 =	vlt.s32 v8, $0x7;
	vm4 =	vlt.s32 v3, $0x7;
	(pc) =	sbr.rel @p0 .LBB2_2-.Ltmp0, $4  }
0xcf: {  	vm3 =	vlt.s32 v4, $0x7;
	vm2 =	vlt.s32 v2, $0x7;
	vm1 =	vlt.s32 v1, $0x7  }
0xd0: {  	v26 =	vshll.u32 v45, $0x3;
	v29 =	vshll.u32 v16, $0x3;
	vm0 =	vlt.s32 v0, $0x7  }
0xd1: {  	v21 =	vshll.u32 v15, $0x3;
	v19 =	vshll.u32 v19, $0x3;
	v24 =	vshll.u32 v32, $0x3  }
0xd2: {  	s14 =	sadd.s32 $0x100, s14;
	v18 =	vshll.u32 v18, $0x3;
	v15 =	vshll.u32 v36, $0x3;
	v16 =	vshll.u32 v35, $0x3  }
0xd3: {  	v5 =	vnsel vm13, $0x7, v5  }
0xd4: {  	v12 =	vnsel vm14, $0x7, v12;
	v5 =	vadd.s32 v5, v29  }
0xd5: {  	v6 =	vnsel vm12, $0x7, v6;
	v10 =	vnsel vm11, $0x7, v10;
	v12 =	vadd.s32 v12, v26  }
0xd6: {  	v9 =	vnsel vm10, $0x7, v9;
	v11 =	vnsel vm9, $0x7, v11;
	v6 =	vadd.s32 v6, v24  }
0xd7: {  	v13 =	vnsel vm8, $0x7, v13;
	v14 =	vnsel vm7, $0x7, v14;
	v10 =	vadd.s32 v10, v21  }
0xd8: {  	v7 =	vnsel vm6, $0x7, v7;
	v8 =	vnsel vm5, $0x7, v8;
	v9 =	vadd.s32 v9, v19  }
0xd9: {  	v3 =	vnsel vm4, $0x7, v3;
	v4 =	vnsel vm3, $0x7, v4;
	v11 =	vadd.s32 v11, v18;
	v5 =	vld.idx.msk [tilespmem:v5+s5+$0x0], $0xffff  }
0xda: {  	v13 =	vadd.s32 v13, v16;
	v16 =	vshll.u32 v22, $0x3;
	v14 =	vadd.s32 v14, v15;
	v12 =	vld.idx.msk [tilespmem:v12+s5+$0x0], $0xffff  }
0xdb: {  	v15 =	vshll.u32 v25, $0x3;
	v7 =	vadd.s32 v7, v16;
	v16 =	vshll.u32 v28, $0x3;
	v6 =	vld.idx.msk [tilespmem:v6+s5+$0x0], $0xffff  }
0xdc: {  	v8 =	vadd.s32 v8, v15;
	v15 =	vshll.u32 v27, $0x3;
	v3 =	vadd.s32 v3, v16;
	v10 =	vld.idx.msk [tilespmem:v10+s5+$0x0], $0xffff  }
0xdd: {  	v4 =	vadd.s32 v4, v15;
	v9 =	vld.idx.msk [tilespmem:v9+s5+$0x0], $0xffff  }
0xde: {  	v11 =	vld.idx.msk [tilespmem:v11+s5+$0x0], $0xffff;
	[tilespmem:s10+$0xFFFFFF80] =	vst v5  }
0xdf: {  	v2 =	vnsel vm2, $0x7, v2;
	v13 =	vld.idx.msk [tilespmem:v13+s5+$0x0], $0xffff;
	v5 =	vshll.u32 v23, $0x3;
	[tilespmem:s10+$0xFFFFFF90] =	vst v12  }
0xe0: {  	v1 =	vnsel vm1, $0x7, v1;
	v7 =	vld.idx.msk [tilespmem:v7+s5+$0x0], $0xffff;
	v12 =	vshll.u32 v17, $0x3;
	[tilespmem:s10+$0xFFFFFFA0] =	vst v6;
	v2 =	vadd.s32 v2, v5  }
0xe1: {  	v0 =	vnsel vm0, $0x7, v0;
	v3 =	vld.idx.msk [tilespmem:v3+s5+$0x0], $0xffff;
	v6 =	vshll.u32 v20, $0x3;
	[tilespmem:s10+$0xFFFFFFB0] =	vst v10;
	v1 =	vadd.s32 v1, v12  }
0xe2: {  	v4 =	vld.idx.msk [tilespmem:v4+s5+$0x0], $0xffff;
	[tilespmem:s10+$0xFFFFFFC0] =	vst v9;
	v0 =	vadd.s32 v0, v6  }
0xe3: {  	[tilespmem:s10+$0xFFFFFFD0] =	vst v11;
	v5 =	vld.idx.msk [tilespmem:v14+s5+$0x0], $0xffff  }
0xe4: {  	[tilespmem:s10+$0xFFFFFFE0] =	vst v13;
	v6 =	vld.idx.msk [tilespmem:v8+s5+$0x0], $0xffff  }
0xe5: {  	[tilespmem:s10+$0x0] =	vst v7;
	v2 =	vld.idx.msk [tilespmem:v2+s5+$0x0], $0xffff  }
0xe6: {  	[tilespmem:s10+$0x20] =	vst v3;
	v1 =	vld.idx.msk [tilespmem:v1+s5+$0x0], $0xffff  }
0xe7: {  	[tilespmem:s10+$0x30] =	vst v4;
	v0 =	vld.idx.msk [tilespmem:v0+s5+$0x0], $0xffff  }
0xe8: {  	[tilespmem:s10+$0xFFFFFFF0] =	vst v5  }
0xe9: {  	[tilespmem:s10+$0x10] =	vst v6  }
0xea: {  	[tilespmem:s10+$0x40] =	vst v2  }
0xeb: {  	[tilespmem:s10+$0x50] =	vst v1  }
0xec: {  	[tilespmem:s10+$0x60] =	vst v0  }
0xed: {  	[hbm4b:s12+s5] =	stream.linear.scatter [tilespmem:s30], [sflag:$0x3], $0x4000, $0x38;
	[tilespmem:$0x18080] =	vst v63  }
0xee: {  	s9 =	rddreg [dreg:$0xa]  }
0xef: {  	[tilespmem:s24], [sflag:$0x1] =	stream.linear.gather [hbm4b:s9+s5], $0x4000, $0x38;
	[tilespmem:$0x18080] =	vst v63  }
0xf0: {  	s16 =	rddreg [dreg:$0xb]  }
0xf1: {  	[tilespmem:s25], [sflag:$0x1] =	stream.linear.gather [hbm4b:s16+s5], $0x4000, $0x38;
	[tilespmem:$0x18080] =	vst v63  }
0xf2: {  	_ =	swait.ge [sflag:s31], $0x4000  }
0xf3: {  	[sflag:s31] =	ssyncset.done $0x0  }
0xf4: {  	[sflag:s31] =	ssyncadd.s32 $0xFFFFC000  }
0xf5: {  	_ =	swait.ge [sflag:s31], $0x4000  }
0xf6: {  	[sflag:s31] =	ssyncset.done $0x0  }
0xf7: {  	s17 =	simm.s32 $0x4100;
	[sflag:s31] =	ssyncadd.s32 $0xFFFFC000  }
0xf8: {  	s9 =	simm.s32 $0xC100;
	v0 =	vld [tilespmem:s17+$0x70]  }
0xf9: {  	v1 =	vld [tilespmem:s9+$0x70]  }
0xfa: {  	v2 =	vld [tilespmem:s17+$0xFFFFFF90]  }
0xfb: {  	v3 =	vld [tilespmem:s17+$0xFFFFFFA0]  }
0xfc: {  	v4 =	vld [tilespmem:s17+$0xFFFFFFB0]  }
0xfd: {  	v5 =	vld [tilespmem:s17+$0xFFFFFFC0]  }
0xfe: {  	v6 =	vld [tilespmem:s17+$0xFFFFFFD0]  }
0xff: {  	v7 =	vld [tilespmem:s17+$0xFFFFFFE0]  }
0x100: {  	v8 =	vld [tilespmem:s17+$0xFFFFFFF0]  }
0x101: {  	v9 =	vld [tilespmem:s17+$0x0]  }
0x102: {  	v10 =	vld [tilespmem:s17+$0x10]  }
0x103: {  	v11 =	vld [tilespmem:s17+$0x20]  }
0x104: {  	v12 =	vld [tilespmem:s17+$0x30]  }
0x105: {  	v13 =	vld [tilespmem:s17+$0x40]  }
0x106: {  	v14 =	vld [tilespmem:s17+$0x50]  }
0x107: {  	v15 =	vld [tilespmem:s17+$0x60]  }
0x108: {  	v16 =	vld [tilespmem:s17+$0xFFFFFF80];
	v0 =	vmul.f32 $2.546478990e+00, v0  }
0x109: {  	v17 =	vld [tilespmem:s9+$0xFFFFFF80];
	v1 =	vmul.f32 $2.546478990e+00, v1;
	v2 =	vmul.f32 $2.546478990e+00, v2  }
0x10a: {  	v18 =	vld [tilespmem:s9+$0xFFFFFF90];
	v3 =	vmul.f32 $2.546478990e+00, v3;
	v4 =	vmul.f32 $2.546478990e+00, v4  }
0x10b: {  	v19 =	vld [tilespmem:s9+$0xFFFFFFA0];
	v5 =	vmul.f32 $2.546478990e+00, v5;
	v6 =	vmul.f32 $2.546478990e+00, v6  }
0x10c: {  	v20 =	vld [tilespmem:s9+$0xFFFFFFB0];
	v7 =	vmul.f32 $2.546478990e+00, v7;
	v8 =	vmul.f32 $2.546478990e+00, v8  }
0x10d: {  	v21 =	vld [tilespmem:s9+$0xFFFFFFC0];
	v9 =	vmul.f32 $2.546478990e+00, v9;
	v10 =	vmul.f32 $2.546478990e+00, v10  }
0x10e: {  	v24 =	vld [tilespmem:s9+$0xFFFFFFF0];
	v11 =	vmul.f32 $2.546478990e+00, v11;
	v12 =	vmul.f32 $2.546478990e+00, v12  }
0x10f: {  	v13 =	vmul.f32 $2.546478990e+00, v13;
	v14 =	vmul.f32 $2.546478990e+00, v14  }
0x110: {  	v15 =	vmul.f32 $2.546478990e+00, v15;
	v16 =	vmul.f32 $2.546478990e+00, v16  }
0x111: {  	v17 =	vmul.f32 $2.546478990e+00, v17;
	v18 =	vmul.f32 $2.546478990e+00, v18  }
0x112: {  	v19 =	vmul.f32 $2.546478990e+00, v19;
	v20 =	vmul.f32 $2.546478990e+00, v20  }
0x113: {  	v21 =	vmul.f32 $2.546478990e+00, v21;
	v24 =	vmul.f32 $2.546478990e+00, v24  }
0x114: {  	v0 =	vtrunc.f32 v0;
	v1 =	vtrunc.f32 v1  }
0x115: {  	v2 =	vtrunc.f32 v2;
	v3 =	vtrunc.f32 v3  }
0x116: {  	v4 =	vtrunc.f32 v4;
	v5 =	vtrunc.f32 v5  }
0x117: {  	v6 =	vtrunc.f32 v6;
	v7 =	vtrunc.f32 v7  }
0x118: {  	v8 =	vtrunc.f32 v8;
	v9 =	vtrunc.f32 v9  }
0x119: {  	v10 =	vtrunc.f32 v10;
	v11 =	vtrunc.f32 v11  }
0x11a: {  	v25 =	vld [tilespmem:s9+$0x0];
	v16 =	vtrunc.f32 v16;
	v12 =	vtrunc.f32 v12  }
0x11b: {  	v26 =	vld [tilespmem:s9+$0x10];
	v13 =	vtrunc.f32 v13;
	v14 =	vtrunc.f32 v14  }
0x11c: {  	v15 =	vtrunc.f32 v15;
	v0 =	vcvt.f32.s32 v0  }
0x11d: {  	v27 =	vld [tilespmem:s9+$0x40];
	v1 =	vcvt.f32.s32 v1;
	v16 =	vcvt.f32.s32 v16  }
0x11e: {  	v3 =	vcvt.f32.s32 v3;
	v4 =	vcvt.f32.s32 v4  }
0x11f: {  	v28 =	vcvt.f32.s32 v5;
	v5 =	vmul.f32 $2.546478990e+00, v25  }
0x120: {  	v30 =	vcvt.f32.s32 v6;
	v6 =	vmul.f32 $2.546478990e+00, v26  }
0x121: {  	v7 =	vcvt.f32.s32 v7;
	v8 =	vcvt.f32.s32 v8  }
0x122: {  	v31 =	vcvt.f32.s32 v9;
	v9 =	vmul.f32 $2.546478990e+00, v27  }
0x123: {  	v27 =	vcvt.f32.s32 v10;
	v32 =	vcvt.f32.s32 v11  }
0x124: {  	v33 =	vcvt.f32.s32 v13;
	v34 =	vcvt.f32.s32 v14  }
0x125: {  	v15 =	vcvt.f32.s32 v15;
	v13 =	vtrunc.f32 v18  }
0x126: {  	v14 =	vtrunc.f32 v19;
	v18 =	vtrunc.f32 v21;
	vm0 =	vlt.s32 v0, $0xF  }
0x127: {  	v22 =	vld [tilespmem:s9+$0xFFFFFFD0];
	vm2 =	vlt.s32 v3, $0xF;
	vm3 =	vlt.s32 v4, $0xF;
	vm4 =	vlt.s32 v28, $0xF  }
0x128: {  	v23 =	vld [tilespmem:s9+$0xFFFFFFE0];
	vm5 =	vlt.s32 v30, $0xF;
	vm6 =	vlt.s32 v7, $0xF;
	vm7 =	vlt.s32 v8, $0xF  }
0x129: {  	v25 =	vld [tilespmem:s9+$0x50];
	vm8 =	vlt.s32 v31, $0xF;
	vm9 =	vlt.s32 v27, $0xF;
	vm10 =	vlt.s32 v32, $0xF  }
0x12a: {  	v26 =	vld [tilespmem:s9+$0x60];
	vm12 =	vlt.s32 v33, $0xF;
	vm13 =	vlt.s32 v34, $0xF;
	vm15 =	vlt.s32 v15, $0xF  }
0x12b: {  	v21 =	vtrunc.f32 v5;
	v0 =	vnsel vm0, $0xF, v0;
	vm0 =	vlt.s32 v1, $0x7  }
0x12c: {  	v36 =	vnsel vm2, $0xF, v3;
	v1 =	vnsel vm0, $0x7, v1;
	v0 =	vshll.u32 v0, $0x3  }
0x12d: {  	v38 =	vnsel vm3, $0xF, v4;
	v29 =	vadd.s32 v1, v0;
	v0 =	vcvt.f32.s32 v2  }
0x12e: {  	v40 =	vnsel vm4, $0xF, v28;
	v1 =	vmul.f32 $2.546478990e+00, v22;
	v22 =	vmul.f32 $2.546478990e+00, v23  }
0x12f: {  	v41 =	vnsel vm7, $0xF, v8;
	v10 =	vmul.f32 $2.546478990e+00, v25;
	v11 =	vmul.f32 $2.546478990e+00, v26  }
0x130: {  	v28 =	vnsel vm10, $0xF, v32;
	v26 =	vcvt.f32.s32 v12;
	v12 =	vtrunc.f32 v17  }
0x131: {  	vm0 =	vlt.s32 v16, $0xF;
	v17 =	vtrunc.f32 v20;
	v20 =	vtrunc.f32 v24  }
0x132: {  	v16 =	vnsel vm0, $0xF, v16;
	v24 =	vtrunc.f32 v6;
	v6 =	vcvt.f32.s32 v14  }
0x133: {  	v25 =	vnsel vm9, $0xF, v27;
	v5 =	vcvt.f32.s32 v12;
	v12 =	vcvt.f32.s32 v13  }
0x134: {  	v14 =	vcvt.f32.s32 v20;
	v8 =	vcvt.f32.s32 v24;
	v20 =	vnsel vm15, $0xF, v15  }
0x135: {  	v24 =	vshll.u32 v36, $0x3;
	vm1 =	vlt.s32 v0, $0xF;
	v1 =	vtrunc.f32 v1  }
0x136: {  	v2 =	vld [tilespmem:s9+$0x20];
	vm11 =	vlt.s32 v26, $0xF;
	v19 =	vtrunc.f32 v22;
	v37 =	vtrunc.f32 v10  }
0x137: {  	v23 =	vld [tilespmem:s9+$0x30];
	v39 =	vtrunc.f32 v11;
	v10 =	vcvt.f32.s32 v17;
	v22 =	vnsel vm8, $0xF, v31  }
0x138: {  	v17 =	vnsel vm13, $0xF, v34;
	v35 =	vnsel vm1, $0xF, v0;
	v11 =	vcvt.f32.s32 v1  }
0x139: {  	v13 =	vcvt.f32.s32 v19;
	v1 =	vcvt.f32.s32 v37;
	v27 =	vnsel vm11, $0xF, v26  }
0x13a: {  	vm13 =	vlt.s32 v5, $0x7;
	vm14 =	vlt.s32 v12, $0x7;
	vm7 =	vlt.s32 v14, $0x7  }
0x13b: {  	v19 =	vshll.u32 v40, $0x3;
	vm11 =	vlt.s32 v10, $0x7;
	v2 =	vmul.f32 $2.546478990e+00, v2  }
0x13c: {  	v26 =	vshll.u32 v35, $0x3;
	v23 =	vmul.f32 $2.546478990e+00, v23;
	vm9 =	vlt.s32 v11, $0x7  }
0x13d: {  	vm8 =	vlt.s32 v13, $0x7;
	vm1 =	vlt.s32 v1, $0x7;
	v0 =	vtrunc.f32 v2  }
0x13e: {  	v15 =	vld.idx.msk [tilespmem:v29+s5+$0x0], $0xffff;
	v29 =	vshll.u32 v16, $0x3;
	v2 =	vtrunc.f32 v23;
	v23 =	vtrunc.f32 v9  }
0x13f: {  	v9 =	vcvt.f32.s32 v18;
	v18 =	vnsel vm5, $0xF, v30;
	v30 =	vnsel vm6, $0xF, v7  }
0x140: {  	v7 =	vcvt.f32.s32 v21;
	vm5 =	vlt.s32 v8, $0x7;
	v3 =	vcvt.f32.s32 v0  }
0x141: {  	v21 =	vshll.u32 v38, $0x3;
	v4 =	vcvt.f32.s32 v2;
	v2 =	vcvt.f32.s32 v23  }
0x142: {  	v0 =	vcvt.f32.s32 v39;
	v23 =	vnsel vm12, $0xF, v33;
	vm12 =	vlt.s32 v6, $0x7  }
0x143: {  	v18 =	vshll.u32 v18, $0x3;
	v16 =	vshll.u32 v30, $0x3;
	vm10 =	vlt.s32 v9, $0x7  }
0x144: {  	s11 =	simm.s32 $0x14100;
	vm6 =	vlt.s32 v7, $0x7;
	vm4 =	vlt.s32 v3, $0x7;
	vm3 =	vlt.s32 v4, $0x7  }
0x145: {  	s13 =	simm.s32 $0x0;
	s14 =	simm.s32 $0x4200;
	s10 =	simm.s32 $0x14100;
	vm2 =	vlt.s32 v2, $0x7;
	vm0 =	vlt.s32 v0, $0x7;
	[tilespmem:s11+$0x70] =	vst v15;
	v15 =	vshll.u32 v41, $0x3  }
.LBB2_4:
0x146: {  	v30 =	vld [tilespmem:s14+$0x70];
	s13 =	sadd.s32 $0x10, s13;
	v22 =	vshll.u32 v22, $0x3;
	v25 =	vshll.u32 v25, $0x3;
	v28 =	vshll.u32 v28, $0x3;
	s9 =	sadd.s32 $0x100, s9  }
0x147: {  	v27 =	vshll.u32 v27, $0x3;
	v23 =	vshll.u32 v23, $0x3;
	v17 =	vshll.u32 v17, $0x3;
	v31 =	vld [tilespmem:s9+$0x70];
	p0 =	slt.u32 s13, $0x3F0  }
0x148: {  	v33 =	vnsel vm13, $0x7, v5;
	v12 =	vnsel vm14, $0x7, v12;
	v5 =	vshll.u32 v20, $0x3;
	v32 =	vld [tilespmem:s14+$0xFFFFFF90]  }
0x149: {  	v6 =	vnsel vm12, $0x7, v6;
	v10 =	vnsel vm11, $0x7, v10;
	v9 =	vnsel vm10, $0x7, v9;
	v20 =	vld [tilespmem:s14+$0xFFFFFFA0]  }
0x14a: {  	v11 =	vnsel vm9, $0x7, v11;
	v13 =	vnsel vm8, $0x7, v13;
	v14 =	vnsel vm7, $0x7, v14;
	v34 =	vld [tilespmem:s14+$0xFFFFFFB0]  }
0x14b: {  	v7 =	vnsel vm6, $0x7, v7;
	v8 =	vnsel vm5, $0x7, v8;
	v35 =	vld [tilespmem:s14+$0xFFFFFFC0];
	v30 =	vmul.f32 $2.546478990e+00, v30  }
0x14c: {  	v3 =	vnsel vm4, $0x7, v3;
	v4 =	vnsel vm3, $0x7, v4;
	v36 =	vld [tilespmem:s14+$0xFFFFFFD0];
	v31 =	vmul.f32 $2.546478990e+00, v31  }
0x14d: {  	v2 =	vnsel vm2, $0x7, v2;
	v32 =	vmul.f32 $2.546478990e+00, v32;
	v37 =	vld [tilespmem:s14+$0xFFFFFFE0];
	v30 =	vtrunc.f32 v30  }
0x14e: {  	v1 =	vnsel vm1, $0x7, v1;
	v38 =	vld [tilespmem:s14+$0xFFFFFFF0];
	v30 =	vcvt.f32.s32 v30;
	v31 =	vtrunc.f32 v31  }
0x14f: {  	v0 =	vnsel vm0, $0x7, v0;
	v20 =	vmul.f32 $2.546478990e+00, v20;
	v39 =	vld [tilespmem:s14+$0x0];
	v31 =	vcvt.f32.s32 v31  }
0x150: {  	v34 =	vmul.f32 $2.546478990e+00, v34;
	v35 =	vmul.f32 $2.546478990e+00, v35;
	v40 =	vld [tilespmem:s14+$0x10];
	vm0 =	vlt.s32 v30, $0xF  }
0x151: {  	v36 =	vmul.f32 $2.546478990e+00, v36;
	v41 =	vld [tilespmem:s14+$0x20];
	v30 =	vnsel vm0, $0xF, v30;
	vm0 =	vlt.s32 v31, $0x7  }
0x152: {  	v37 =	vmul.f32 $2.546478990e+00, v37;
	v42 =	vld [tilespmem:s14+$0x30];
	v31 =	vnsel vm0, $0x7, v31;
	v30 =	vshll.u32 v30, $0x3  }
0x153: {  	v32 =	vtrunc.f32 v32;
	v38 =	vmul.f32 $2.546478990e+00, v38;
	v43 =	vld [tilespmem:s14+$0x40];
	v30 =	vadd.s32 v31, v30  }
0x154: {  	v29 =	vadd.s32 v33, v29;
	v20 =	vtrunc.f32 v20;
	v31 =	vmul.f32 $2.546478990e+00, v39;
	v39 =	vld [tilespmem:s14+$0x50]  }
0x155: {  	v12 =	vadd.s32 v12, v26;
	v33 =	vtrunc.f32 v34;
	v34 =	vmul.f32 $2.546478990e+00, v40;
	v40 =	vld [tilespmem:s14+$0x60]  }
0x156: {  	v6 =	vadd.s32 v6, v24;
	v35 =	vtrunc.f32 v35;
	v26 =	vld [tilespmem:s14+$0xFFFFFF80];
	v41 =	vmul.f32 $2.546478990e+00, v41  }
0x157: {  	v10 =	vadd.s32 v10, v21;
	v36 =	vtrunc.f32 v36;
	v24 =	vld [tilespmem:s9+$0xFFFFFF80];
	v42 =	vmul.f32 $2.546478990e+00, v42  }
0x158: {  	v9 =	vadd.s32 v9, v19;
	v21 =	vtrunc.f32 v37;
	v37 =	vmul.f32 $2.546478990e+00, v43;
	v30 =	vld.idx.msk [tilespmem:v30+s5+$0x0], $0xffff  }
0x159: {  	v11 =	vadd.s32 v11, v18;
	v38 =	vtrunc.f32 v38;
	v19 =	vld [tilespmem:s9+$0xFFFFFF90];
	v39 =	vmul.f32 $2.546478990e+00, v39  }
0x15a: {  	v13 =	vadd.s32 v13, v16;
	v31 =	vtrunc.f32 v31;
	v18 =	vld [tilespmem:s9+$0xFFFFFFA0];
	v40 =	vmul.f32 $2.546478990e+00, v40  }
0x15b: {  	v14 =	vadd.s32 v14, v15;
	v34 =	vtrunc.f32 v34;
	v16 =	vmul.f32 $2.546478990e+00, v26;
	v26 =	vld [tilespmem:s9+$0xFFFFFFB0]  }
0x15c: {  	v7 =	vadd.s32 v7, v22;
	v41 =	vtrunc.f32 v41;
	v15 =	vmul.f32 $2.546478990e+00, v24;
	v24 =	vld [tilespmem:s9+$0xFFFFFFC0]  }
0x15d: {  	s11 =	sadd.s32 $0x100, s11;
	v8 =	vadd.s32 v8, v25;
	v42 =	vtrunc.f32 v42;
	v16 =	vtrunc.f32 v16;
	v22 =	vld [tilespmem:s9+$0xFFFFFFD0]  }
0x15e: {  	v3 =	vadd.s32 v3, v28;
	v37 =	vtrunc.f32 v37;
	v19 =	vmul.f32 $2.546478990e+00, v19;
	v25 =	vld [tilespmem:s9+$0xFFFFFFE0];
	[tilespmem:s11+$0x70] =	vst v30  }
0x15f: {  	v4 =	vadd.s32 v4, v27;
	v30 =	vtrunc.f32 v39;
	v18 =	vmul.f32 $2.546478990e+00, v18;
	v28 =	vld [tilespmem:s9+$0xFFFFFFF0]  }
0x160: {  	v2 =	vadd.s32 v2, v23;
	v39 =	vtrunc.f32 v40;
	v26 =	vmul.f32 $2.546478990e+00, v26;
	v27 =	vld [tilespmem:s9+$0x0]  }
0x161: {  	v1 =	vadd.s32 v1, v17;
	v16 =	vcvt.f32.s32 v16;
	v23 =	vmul.f32 $2.546478990e+00, v24;
	v24 =	vld [tilespmem:s9+$0x10]  }
0x162: {  	v0 =	vadd.s32 v0, v5;
	v17 =	vcvt.f32.s32 v32;
	v22 =	vmul.f32 $2.546478990e+00, v22;
	v32 =	vld [tilespmem:s9+$0x20]  }
0x163: {  	v5 =	vcvt.f32.s32 v20;
	vm11 =	vlt.s32 v16, $0xF;
	v20 =	vmul.f32 $2.546478990e+00, v25;
	v25 =	vld [tilespmem:s9+$0x30]  }
0x164: {  	vm9 =	vlt.s32 v17, $0xF;
	v33 =	vcvt.f32.s32 v33;
	v28 =	vmul.f32 $2.546478990e+00, v28;
	v40 =	vld [tilespmem:s9+$0x40]  }
0x165: {  	vm8 =	vlt.s32 v5, $0xF;
	v35 =	vcvt.f32.s32 v35;
	v27 =	vmul.f32 $2.546478990e+00, v27;
	v43 =	vld [tilespmem:s9+$0x50]  }
0x166: {  	vm4 =	vlt.s32 v33, $0xF;
	v36 =	vcvt.f32.s32 v36;
	v24 =	vmul.f32 $2.546478990e+00, v24;
	v44 =	vld [tilespmem:s9+$0x60]  }
0x167: {  	vm0 =	vlt.s32 v35, $0xF;
	v21 =	vcvt.f32.s32 v21;
	v32 =	vmul.f32 $2.546478990e+00, v32;
	v29 =	vld.idx.msk [tilespmem:v29+s5+$0x0], $0xffff  }
0x168: {  	vm1 =	vlt.s32 v36, $0xF;
	v38 =	vcvt.f32.s32 v38;
	v25 =	vmul.f32 $2.546478990e+00, v25;
	v12 =	vld.idx.msk [tilespmem:v12+s5+$0x0], $0xffff  }
0x169: {  	vm2 =	vlt.s32 v21, $0xF;
	v31 =	vcvt.f32.s32 v31;
	v40 =	vmul.f32 $2.546478990e+00, v40;
	v6 =	vld.idx.msk [tilespmem:v6+s5+$0x0], $0xffff  }
0x16a: {  	vm5 =	vlt.s32 v38, $0xF;
	v34 =	vcvt.f32.s32 v34;
	v43 =	vmul.f32 $2.546478990e+00, v43;
	v10 =	vld.idx.msk [tilespmem:v10+s5+$0x0], $0xffff  }
0x16b: {  	vm6 =	vlt.s32 v31, $0xF;
	v41 =	vcvt.f32.s32 v41;
	v44 =	vmul.f32 $2.546478990e+00, v44;
	v9 =	vld.idx.msk [tilespmem:v9+s5+$0x0], $0xffff  }
0x16c: {  	vm7 =	vlt.s32 v34, $0xF;
	v42 =	vcvt.f32.s32 v42;
	v37 =	vcvt.f32.s32 v37;
	v11 =	vld.idx.msk [tilespmem:v11+s5+$0x0], $0xffff  }
0x16d: {  	vm3 =	vlt.s32 v41, $0xF;
	v30 =	vcvt.f32.s32 v30;
	v39 =	vcvt.f32.s32 v39;
	[tilespmem:s10+$0xFFFFFF80] =	vst v29;
	v13 =	vld.idx.msk [tilespmem:v13+s5+$0x0], $0xffff  }
0x16e: {  	vm10 =	vlt.s32 v42, $0xF;
	v15 =	vtrunc.f32 v15;
	v19 =	vtrunc.f32 v19;
	[tilespmem:s10+$0xFFFFFF90] =	vst v12;
	v12 =	vld.idx.msk [tilespmem:v14+s5+$0x0], $0xffff  }
0x16f: {  	vm12 =	vlt.s32 v37, $0xF;
	v14 =	vtrunc.f32 v18;
	v18 =	vtrunc.f32 v26;
	[tilespmem:s10+$0xFFFFFFA0] =	vst v6;
	v6 =	vld.idx.msk [tilespmem:v7+s5+$0x0], $0xffff  }
0x170: {  	vm13 =	vlt.s32 v30, $0xF;
	v22 =	vtrunc.f32 v22;
	v7 =	vtrunc.f32 v23;
	[tilespmem:s10+$0xFFFFFFB0] =	vst v10;
	v8 =	vld.idx.msk [tilespmem:v8+s5+$0x0], $0xffff  }
0x171: {  	vm15 =	vlt.s32 v39, $0xF;
	v20 =	vtrunc.f32 v20;
	v23 =	vtrunc.f32 v28;
	[tilespmem:s10+$0xFFFFFFC0] =	vst v9;
	v3 =	vld.idx.msk [tilespmem:v3+s5+$0x0], $0xffff  }
0x172: {  	v16 =	vnsel vm11, $0xF, v16;
	v24 =	vtrunc.f32 v24;
	v26 =	vtrunc.f32 v27;
	[tilespmem:s10+$0xFFFFFFD0] =	vst v11;
	v4 =	vld.idx.msk [tilespmem:v4+s5+$0x0], $0xffff  }
0x173: {  	v45 =	vnsel vm9, $0xF, v17;
	v17 =	vtrunc.f32 v32;
	v27 =	vtrunc.f32 v25;
	[tilespmem:s10+$0xFFFFFFE0] =	vst v13;
	v2 =	vld.idx.msk [tilespmem:v2+s5+$0x0], $0xffff  }
0x174: {  	v32 =	vnsel vm8, $0xF, v5;
	v29 =	vtrunc.f32 v43;
	v28 =	vtrunc.f32 v40;
	[tilespmem:s10+$0xFFFFFFF0] =	vst v12;
	v1 =	vld.idx.msk [tilespmem:v1+s5+$0x0], $0xffff  }
0x175: {  	v5 =	vcvt.f32.s32 v15;
	v15 =	vnsel vm4, $0xF, v33;
	v33 =	vtrunc.f32 v44;
	[tilespmem:s10+$0x0] =	vst v6;
	v0 =	vld.idx.msk [tilespmem:v0+s5+$0x0], $0xffff  }
0x176: {  	v12 =	vcvt.f32.s32 v19;
	v19 =	vnsel vm0, $0xF, v35;
	v6 =	vcvt.f32.s32 v14;
	[tilespmem:s10+$0x10] =	vst v8  }
0x177: {  	v10 =	vcvt.f32.s32 v18;
	v18 =	vnsel vm1, $0xF, v36;
	v9 =	vcvt.f32.s32 v7;
	[tilespmem:s10+$0x20] =	vst v3  }
0x178: {  	v11 =	vcvt.f32.s32 v22;
	v13 =	vcvt.f32.s32 v20;
	v35 =	vnsel vm2, $0xF, v21;
	[tilespmem:s10+$0x30] =	vst v4  }
0x179: {  	v36 =	vnsel vm5, $0xF, v38;
	v7 =	vcvt.f32.s32 v26;
	v14 =	vcvt.f32.s32 v23;
	[tilespmem:s10+$0x40] =	vst v2  }
0x17a: {  	v22 =	vnsel vm6, $0xF, v31;
	v8 =	vcvt.f32.s32 v24;
	v3 =	vcvt.f32.s32 v17;
	[tilespmem:s10+$0x50] =	vst v1  }
0x17b: {  	v25 =	vnsel vm7, $0xF, v34;
	v4 =	vcvt.f32.s32 v27;
	v2 =	vcvt.f32.s32 v28;
	[tilespmem:s10+$0x60] =	vst v0;
	s10 =	smov.u32 s11  }
0x17c: {  	v28 =	vnsel vm3, $0xF, v41;
	v1 =	vcvt.f32.s32 v29;
	v0 =	vcvt.f32.s32 v33  }
0x17d: {  	v23 =	vnsel vm12, $0xF, v37;
	v17 =	vnsel vm13, $0xF, v30;
	v27 =	vnsel vm10, $0xF, v42  }
0x17e: {  	v20 =	vnsel vm15, $0xF, v39;
	vm14 =	vlt.s32 v12, $0x7;
	vm13 =	vlt.s32 v5, $0x7  }
0x17f: {  	vm11 =	vlt.s32 v10, $0x7;
	vm12 =	vlt.s32 v6, $0x7;
	vm10 =	vlt.s32 v9, $0x7  }
0x180: {  	vm9 =	vlt.s32 v11, $0x7;
	vm8 =	vlt.s32 v13, $0x7;
	vm7 =	vlt.s32 v14, $0x7  }
.Ltmp1:
0x181: {  	vm6 =	vlt.s32 v7, $0x7;
	vm5 =	vlt.s32 v8, $0x7;
	vm4 =	vlt.s32 v3, $0x7;
	(pc) =	sbr.rel @p0 .LBB2_4-.Ltmp1, $4  }
0x182: {  	vm3 =	vlt.s32 v4, $0x7;
	vm2 =	vlt.s32 v2, $0x7;
	vm1 =	vlt.s32 v1, $0x7  }
0x183: {  	v26 =	vshll.u32 v45, $0x3;
	v29 =	vshll.u32 v16, $0x3;
	vm0 =	vlt.s32 v0, $0x7  }
0x184: {  	v21 =	vshll.u32 v15, $0x3;
	v19 =	vshll.u32 v19, $0x3;
	v24 =	vshll.u32 v32, $0x3  }
0x185: {  	s14 =	sadd.s32 $0x100, s14;
	v18 =	vshll.u32 v18, $0x3;
	v15 =	vshll.u32 v36, $0x3;
	v16 =	vshll.u32 v35, $0x3  }
0x186: {  	v5 =	vnsel vm13, $0x7, v5  }
0x187: {  	v12 =	vnsel vm14, $0x7, v12;
	v5 =	vadd.s32 v5, v29  }
0x188: {  	v6 =	vnsel vm12, $0x7, v6;
	v12 =	vadd.s32 v12, v26  }
0x189: {  	v10 =	vnsel vm11, $0x7, v10;
	v6 =	vadd.s32 v6, v24  }
0x18a: {  	v9 =	vnsel vm10, $0x7, v9;
	v10 =	vadd.s32 v10, v21  }
0x18b: {  	v11 =	vnsel vm9, $0x7, v11;
	v9 =	vadd.s32 v9, v19  }
0x18c: {  	v13 =	vnsel vm8, $0x7, v13;
	v11 =	vadd.s32 v11, v18;
	v5 =	vld.idx.msk [tilespmem:v5+s5+$0x0], $0xffff  }
0x18d: {  	v14 =	vnsel vm7, $0x7, v14;
	v13 =	vadd.s32 v13, v16;
	v12 =	vld.idx.msk [tilespmem:v12+s5+$0x0], $0xffff  }
0x18e: {  	v55 =	vshll.u32 v22, $0x3;
	v7 =	vnsel vm6, $0x7, v7;
	v14 =	vadd.s32 v14, v15;
	v6 =	vld.idx.msk [tilespmem:v6+s5+$0x0], $0xffff  }
0x18f: {  	v56 =	vshll.u32 v25, $0x3;
	v8 =	vnsel vm5, $0x7, v8;
	v7 =	vadd.s32 v7, v55;
	v10 =	vld.idx.msk [tilespmem:v10+s5+$0x0], $0xffff  }
0x190: {  	v57 =	vshll.u32 v28, $0x3;
	v3 =	vnsel vm4, $0x7, v3;
	v8 =	vadd.s32 v8, v56;
	v9 =	vld.idx.msk [tilespmem:v9+s5+$0x0], $0xffff  }
0x191: {  	v58 =	vshll.u32 v27, $0x3;
	v4 =	vnsel vm3, $0x7, v4;
	v3 =	vadd.s32 v3, v57;
	v11 =	vld.idx.msk [tilespmem:v11+s5+$0x0], $0xffff;
	[tilespmem:s10+$0xFFFFFF80] =	vst v5  }
0x192: {  	v59 =	vshll.u32 v23, $0x3;
	v2 =	vnsel vm2, $0x7, v2;
	v4 =	vadd.s32 v4, v58;
	v13 =	vld.idx.msk [tilespmem:v13+s5+$0x0], $0xffff;
	[tilespmem:s10+$0xFFFFFF90] =	vst v12  }
0x193: {  	v60 =	vshll.u32 v17, $0x3;
	v1 =	vnsel vm1, $0x7, v1;
	v2 =	vadd.s32 v2, v59;
	v61 =	vld.idx.msk [tilespmem:v14+s5+$0x0], $0xffff;
	[tilespmem:s10+$0xFFFFFFA0] =	vst v6  }
0x194: {  	v62 =	vshll.u32 v20, $0x3;
	v0 =	vnsel vm0, $0x7, v0;
	v1 =	vadd.s32 v1, v60;
	v7 =	vld.idx.msk [tilespmem:v7+s5+$0x0], $0xffff;
	[tilespmem:s10+$0xFFFFFFB0] =	vst v10  }
0x195: {  	v0 =	vadd.s32 v0, v62;
	v63 =	vld.idx.msk [tilespmem:v8+s5+$0x0], $0xffff;
	[tilespmem:s10+$0xFFFFFFC0] =	vst v9  }
0x196: {  	v3 =	vld.idx.msk [tilespmem:v3+s5+$0x0], $0xffff;
	[tilespmem:s10+$0xFFFFFFD0] =	vst v11  }
0x197: {  	v4 =	vld.idx.msk [tilespmem:v4+s5+$0x0], $0xffff;
	[tilespmem:s10+$0xFFFFFFE0] =	vst v13  }
0x198: {  	v2 =	vld.idx.msk [tilespmem:v2+s5+$0x0], $0xffff;
	[tilespmem:s10+$0xFFFFFFF0] =	vst v61  }
0x199: {  	v1 =	vld.idx.msk [tilespmem:v1+s5+$0x0], $0xffff;
	[tilespmem:s10+$0x0] =	vst v7  }
0x19a: {  	v0 =	vld.idx.msk [tilespmem:v0+s5+$0x0], $0xffff;
	[tilespmem:s10+$0x10] =	vst v63  }
0x19b: {  	[tilespmem:s10+$0x20] =	vst v3  }
0x19c: {  	[tilespmem:s10+$0x30] =	vst v4  }
0x19d: {  	[tilespmem:s10+$0x40] =	vst v2  }
0x19e: {  	[tilespmem:s10+$0x50] =	vst v1  }
0x19f: {  	[tilespmem:s10+$0x60] =	vst v0  }
0x1a0: {  	s9 =	rddreg [dreg:$0xc]  }
0x1a1: {  	[hbm4b:s9+s5] =	stream.linear.scatter [tilespmem:s0], [sflag:$0x4], $0x4000, $0x38;
	[tilespmem:$0x18080] =	vst v63  }
0x1a2: {  	s16 =	rddreg [dreg:$0xd]  }
0x1a3: {  	[tilespmem:s26], [sflag:$0x2] =	stream.linear.gather [hbm4b:s16+s5], $0x4000, $0x38;
	[tilespmem:$0x18080] =	vst v63  }
0x1a4: {  	s17 =	rddreg [dreg:$0xe];
	s9 =	simm.s32 $0x1  }
0x1a5: {  	[tilespmem:s28], [sflag:$0x2] =	stream.linear.gather [hbm4b:s17+s5], $0x4000, $0x38;
	[tilespmem:$0x18080] =	vst v63  }
.LBB2_6:
0x1a6: {  	_ =	swait.ge [sflag:s4], $0x4000  }
0x1a7: {  	[sflag:s4] =	ssyncset.done $0x0  }
0x1a8: {  	[sflag:s4] =	ssyncadd.s32 $0xFFFFC000  }
0x1a9: {  	_ =	swait.ge [sflag:s29], $0x4000  }
0x1aa: {  	[sflag:s29] =	ssyncset.done $0x0  }
0x1ab: {  	[sflag:s29] =	ssyncadd.s32 $0xFFFFC000  }
0x1ac: {  	_ =	swait.ge [sflag:s29], $0x4000  }
0x1ad: {  	[sflag:s29] =	ssyncset.done $0x0  }
0x1ae: {  	s11 =	simm.s32 $0x100;
	[sflag:s29] =	ssyncadd.s32 $0xFFFFC000  }
0x1af: {  	s10 =	simm.s32 $0x8100;
	v0 =	vld [tilespmem:s11+$0x70]  }
0x1b0: {  	v1 =	vld [tilespmem:s10+$0x70]  }
0x1b1: {  	v2 =	vld [tilespmem:s11+$0xFFFFFF90]  }
0x1b2: {  	v3 =	vld [tilespmem:s11+$0xFFFFFFA0]  }
0x1b3: {  	v4 =	vld [tilespmem:s11+$0xFFFFFFB0]  }
0x1b4: {  	v5 =	vld [tilespmem:s11+$0xFFFFFFC0]  }
0x1b5: {  	v6 =	vld [tilespmem:s11+$0xFFFFFFD0]  }
0x1b6: {  	v7 =	vld [tilespmem:s11+$0xFFFFFFE0]  }
0x1b7: {  	v8 =	vld [tilespmem:s11+$0xFFFFFFF0]  }
0x1b8: {  	v9 =	vld [tilespmem:s11+$0x0]  }
0x1b9: {  	v10 =	vld [tilespmem:s11+$0x10]  }
0x1ba: {  	v11 =	vld [tilespmem:s11+$0x20]  }
0x1bb: {  	v12 =	vld [tilespmem:s11+$0x30]  }
0x1bc: {  	v13 =	vld [tilespmem:s11+$0x40]  }
0x1bd: {  	v14 =	vld [tilespmem:s11+$0x50]  }
0x1be: {  	v15 =	vld [tilespmem:s11+$0x60]  }
0x1bf: {  	v16 =	vld [tilespmem:s11+$0xFFFFFF80];
	v0 =	vmul.f32 $2.546478990e+00, v0  }
0x1c0: {  	v17 =	vld [tilespmem:s10+$0xFFFFFF80];
	v1 =	vmul.f32 $2.546478990e+00, v1;
	v2 =	vmul.f32 $2.546478990e+00, v2  }
0x1c1: {  	v18 =	vld [tilespmem:s10+$0xFFFFFF90];
	v3 =	vmul.f32 $2.546478990e+00, v3;
	v4 =	vmul.f32 $2.546478990e+00, v4  }
0x1c2: {  	v19 =	vld [tilespmem:s10+$0xFFFFFFA0];
	v5 =	vmul.f32 $2.546478990e+00, v5;
	v6 =	vmul.f32 $2.546478990e+00, v6  }
0x1c3: {  	v20 =	vld [tilespmem:s10+$0xFFFFFFB0];
	v7 =	vmul.f32 $2.546478990e+00, v7;
	v8 =	vmul.f32 $2.546478990e+00, v8  }
0x1c4: {  	v21 =	vld [tilespmem:s10+$0xFFFFFFC0];
	v9 =	vmul.f32 $2.546478990e+00, v9;
	v10 =	vmul.f32 $2.546478990e+00, v10  }
0x1c5: {  	v24 =	vld [tilespmem:s10+$0xFFFFFFF0];
	v11 =	vmul.f32 $2.546478990e+00, v11;
	v12 =	vmul.f32 $2.546478990e+00, v12  }
0x1c6: {  	v13 =	vmul.f32 $2.546478990e+00, v13;
	v14 =	vmul.f32 $2.546478990e+00, v14  }
0x1c7: {  	v15 =	vmul.f32 $2.546478990e+00, v15;
	v16 =	vmul.f32 $2.546478990e+00, v16  }
0x1c8: {  	v17 =	vmul.f32 $2.546478990e+00, v17;
	v18 =	vmul.f32 $2.546478990e+00, v18  }
0x1c9: {  	v19 =	vmul.f32 $2.546478990e+00, v19;
	v20 =	vmul.f32 $2.546478990e+00, v20  }
0x1ca: {  	v21 =	vmul.f32 $2.546478990e+00, v21;
	v24 =	vmul.f32 $2.546478990e+00, v24  }
0x1cb: {  	v0 =	vtrunc.f32 v0;
	v1 =	vtrunc.f32 v1  }
0x1cc: {  	v2 =	vtrunc.f32 v2;
	v3 =	vtrunc.f32 v3  }
0x1cd: {  	v4 =	vtrunc.f32 v4;
	v5 =	vtrunc.f32 v5  }
0x1ce: {  	v6 =	vtrunc.f32 v6;
	v7 =	vtrunc.f32 v7  }
0x1cf: {  	v8 =	vtrunc.f32 v8;
	v9 =	vtrunc.f32 v9  }
0x1d0: {  	v10 =	vtrunc.f32 v10;
	v11 =	vtrunc.f32 v11  }
0x1d1: {  	v25 =	vld [tilespmem:s10+$0x0];
	v16 =	vtrunc.f32 v16;
	v12 =	vtrunc.f32 v12  }
0x1d2: {  	v26 =	vld [tilespmem:s10+$0x10];
	v13 =	vtrunc.f32 v13;
	v14 =	vtrunc.f32 v14  }
0x1d3: {  	v15 =	vtrunc.f32 v15;
	v0 =	vcvt.f32.s32 v0  }
0x1d4: {  	v27 =	vld [tilespmem:s10+$0x40];
	v1 =	vcvt.f32.s32 v1;
	v16 =	vcvt.f32.s32 v16  }
0x1d5: {  	v3 =	vcvt.f32.s32 v3;
	v4 =	vcvt.f32.s32 v4  }
0x1d6: {  	v28 =	vcvt.f32.s32 v5;
	v5 =	vmul.f32 $2.546478990e+00, v25  }
0x1d7: {  	v30 =	vcvt.f32.s32 v6;
	v6 =	vmul.f32 $2.546478990e+00, v26  }
0x1d8: {  	v7 =	vcvt.f32.s32 v7;
	v8 =	vcvt.f32.s32 v8  }
0x1d9: {  	v31 =	vcvt.f32.s32 v9;
	v9 =	vmul.f32 $2.546478990e+00, v27  }
0x1da: {  	v27 =	vcvt.f32.s32 v10;
	v32 =	vcvt.f32.s32 v11  }
0x1db: {  	v33 =	vcvt.f32.s32 v13;
	v34 =	vcvt.f32.s32 v14  }
0x1dc: {  	v15 =	vcvt.f32.s32 v15;
	v13 =	vtrunc.f32 v18  }
0x1dd: {  	v14 =	vtrunc.f32 v19;
	v18 =	vtrunc.f32 v21;
	vm0 =	vlt.s32 v0, $0xF  }
0x1de: {  	v22 =	vld [tilespmem:s10+$0xFFFFFFD0];
	vm2 =	vlt.s32 v3, $0xF;
	vm3 =	vlt.s32 v4, $0xF;
	vm4 =	vlt.s32 v28, $0xF  }
0x1df: {  	v23 =	vld [tilespmem:s10+$0xFFFFFFE0];
	vm5 =	vlt.s32 v30, $0xF;
	vm6 =	vlt.s32 v7, $0xF;
	vm7 =	vlt.s32 v8, $0xF  }
0x1e0: {  	v25 =	vld [tilespmem:s10+$0x50];
	vm8 =	vlt.s32 v31, $0xF;
	vm9 =	vlt.s32 v27, $0xF;
	vm10 =	vlt.s32 v32, $0xF  }
0x1e1: {  	v26 =	vld [tilespmem:s10+$0x60];
	vm12 =	vlt.s32 v33, $0xF;
	vm13 =	vlt.s32 v34, $0xF;
	vm15 =	vlt.s32 v15, $0xF  }
0x1e2: {  	v21 =	vtrunc.f32 v5;
	v0 =	vnsel vm0, $0xF, v0;
	vm0 =	vlt.s32 v1, $0x7  }
0x1e3: {  	v36 =	vnsel vm2, $0xF, v3;
	v1 =	vnsel vm0, $0x7, v1;
	v0 =	vshll.u32 v0, $0x3  }
0x1e4: {  	v38 =	vnsel vm3, $0xF, v4;
	v29 =	vadd.s32 v1, v0;
	v0 =	vcvt.f32.s32 v2  }
0x1e5: {  	v40 =	vnsel vm4, $0xF, v28;
	v1 =	vmul.f32 $2.546478990e+00, v22;
	v22 =	vmul.f32 $2.546478990e+00, v23  }
0x1e6: {  	v41 =	vnsel vm7, $0xF, v8;
	v10 =	vmul.f32 $2.546478990e+00, v25;
	v11 =	vmul.f32 $2.546478990e+00, v26  }
0x1e7: {  	v28 =	vnsel vm10, $0xF, v32;
	v26 =	vcvt.f32.s32 v12;
	v12 =	vtrunc.f32 v17  }
0x1e8: {  	vm0 =	vlt.s32 v16, $0xF;
	v17 =	vtrunc.f32 v20;
	v20 =	vtrunc.f32 v24  }
0x1e9: {  	v16 =	vnsel vm0, $0xF, v16;
	v24 =	vtrunc.f32 v6;
	v6 =	vcvt.f32.s32 v14  }
0x1ea: {  	v25 =	vnsel vm9, $0xF, v27;
	v5 =	vcvt.f32.s32 v12;
	v12 =	vcvt.f32.s32 v13  }
0x1eb: {  	v14 =	vcvt.f32.s32 v20;
	v8 =	vcvt.f32.s32 v24;
	v20 =	vnsel vm15, $0xF, v15  }
0x1ec: {  	v24 =	vshll.u32 v36, $0x3;
	vm1 =	vlt.s32 v0, $0xF;
	v1 =	vtrunc.f32 v1  }
0x1ed: {  	v2 =	vld [tilespmem:s10+$0x20];
	vm11 =	vlt.s32 v26, $0xF;
	v19 =	vtrunc.f32 v22;
	v37 =	vtrunc.f32 v10  }
0x1ee: {  	v23 =	vld [tilespmem:s10+$0x30];
	v39 =	vtrunc.f32 v11;
	v10 =	vcvt.f32.s32 v17;
	v22 =	vnsel vm8, $0xF, v31  }
0x1ef: {  	v17 =	vnsel vm13, $0xF, v34;
	v35 =	vnsel vm1, $0xF, v0;
	v11 =	vcvt.f32.s32 v1  }
0x1f0: {  	v13 =	vcvt.f32.s32 v19;
	v1 =	vcvt.f32.s32 v37;
	v27 =	vnsel vm11, $0xF, v26  }
0x1f1: {  	vm13 =	vlt.s32 v5, $0x7;
	vm14 =	vlt.s32 v12, $0x7;
	vm7 =	vlt.s32 v14, $0x7  }
0x1f2: {  	v19 =	vshll.u32 v40, $0x3;
	vm11 =	vlt.s32 v10, $0x7;
	v2 =	vmul.f32 $2.546478990e+00, v2  }
0x1f3: {  	v26 =	vshll.u32 v35, $0x3;
	v23 =	vmul.f32 $2.546478990e+00, v23;
	vm9 =	vlt.s32 v11, $0x7  }
0x1f4: {  	vm8 =	vlt.s32 v13, $0x7;
	vm1 =	vlt.s32 v1, $0x7;
	v0 =	vtrunc.f32 v2  }
0x1f5: {  	v15 =	vld.idx.msk [tilespmem:v29+s5+$0x0], $0xffff;
	v29 =	vshll.u32 v16, $0x3;
	v2 =	vtrunc.f32 v23;
	v23 =	vtrunc.f32 v9  }
0x1f6: {  	v9 =	vcvt.f32.s32 v18;
	v18 =	vnsel vm5, $0xF, v30;
	v30 =	vnsel vm6, $0xF, v7  }
0x1f7: {  	v7 =	vcvt.f32.s32 v21;
	vm5 =	vlt.s32 v8, $0x7;
	v3 =	vcvt.f32.s32 v0  }
0x1f8: {  	v21 =	vshll.u32 v38, $0x3;
	v4 =	vcvt.f32.s32 v2;
	v2 =	vcvt.f32.s32 v23  }
0x1f9: {  	v0 =	vcvt.f32.s32 v39;
	v23 =	vnsel vm12, $0xF, v33;
	vm12 =	vlt.s32 v6, $0x7  }
0x1fa: {  	v18 =	vshll.u32 v18, $0x3;
	v16 =	vshll.u32 v30, $0x3;
	vm10 =	vlt.s32 v9, $0x7  }
0x1fb: {  	s11 =	simm.s32 $0x10100;
	vm6 =	vlt.s32 v7, $0x7;
	vm4 =	vlt.s32 v3, $0x7;
	vm3 =	vlt.s32 v4, $0x7  }
0x1fc: {  	s14 =	simm.s32 $0x0;
	s15 =	simm.s32 $0x200;
	s13 =	simm.s32 $0x10100;
	vm2 =	vlt.s32 v2, $0x7;
	vm0 =	vlt.s32 v0, $0x7;
	[tilespmem:s11+$0x70] =	vst v15;
	v15 =	vshll.u32 v41, $0x3  }
.LBB2_7:
0x1fd: {  	v30 =	vld [tilespmem:s15+$0x70];
	s14 =	sadd.s32 $0x10, s14;
	v22 =	vshll.u32 v22, $0x3;
	v25 =	vshll.u32 v25, $0x3;
	v28 =	vshll.u32 v28, $0x3;
	s10 =	sadd.s32 $0x100, s10  }
0x1fe: {  	v27 =	vshll.u32 v27, $0x3;
	v23 =	vshll.u32 v23, $0x3;
	v17 =	vshll.u32 v17, $0x3;
	v31 =	vld [tilespmem:s10+$0x70];
	p0 =	slt.u32 s14, $0x3F0  }
0x1ff: {  	v33 =	vnsel vm13, $0x7, v5;
	v12 =	vnsel vm14, $0x7, v12;
	v5 =	vshll.u32 v20, $0x3;
	v32 =	vld [tilespmem:s15+$0xFFFFFF90]  }
0x200: {  	v6 =	vnsel vm12, $0x7, v6;
	v10 =	vnsel vm11, $0x7, v10;
	v9 =	vnsel vm10, $0x7, v9;
	v20 =	vld [tilespmem:s15+$0xFFFFFFA0]  }
0x201: {  	v11 =	vnsel vm9, $0x7, v11;
	v13 =	vnsel vm8, $0x7, v13;
	v14 =	vnsel vm7, $0x7, v14;
	v34 =	vld [tilespmem:s15+$0xFFFFFFB0]  }
0x202: {  	v7 =	vnsel vm6, $0x7, v7;
	v8 =	vnsel vm5, $0x7, v8;
	v35 =	vld [tilespmem:s15+$0xFFFFFFC0];
	v30 =	vmul.f32 $2.546478990e+00, v30  }
0x203: {  	v3 =	vnsel vm4, $0x7, v3;
	v4 =	vnsel vm3, $0x7, v4;
	v36 =	vld [tilespmem:s15+$0xFFFFFFD0];
	v31 =	vmul.f32 $2.546478990e+00, v31  }
0x204: {  	v2 =	vnsel vm2, $0x7, v2;
	v32 =	vmul.f32 $2.546478990e+00, v32;
	v37 =	vld [tilespmem:s15+$0xFFFFFFE0];
	v30 =	vtrunc.f32 v30  }
0x205: {  	v1 =	vnsel vm1, $0x7, v1;
	v38 =	vld [tilespmem:s15+$0xFFFFFFF0];
	v30 =	vcvt.f32.s32 v30;
	v31 =	vtrunc.f32 v31  }
0x206: {  	v0 =	vnsel vm0, $0x7, v0;
	v20 =	vmul.f32 $2.546478990e+00, v20;
	v39 =	vld [tilespmem:s15+$0x0];
	v31 =	vcvt.f32.s32 v31  }
0x207: {  	v34 =	vmul.f32 $2.546478990e+00, v34;
	v35 =	vmul.f32 $2.546478990e+00, v35;
	v40 =	vld [tilespmem:s15+$0x10];
	vm0 =	vlt.s32 v30, $0xF  }
0x208: {  	v36 =	vmul.f32 $2.546478990e+00, v36;
	v41 =	vld [tilespmem:s15+$0x20];
	v30 =	vnsel vm0, $0xF, v30;
	vm0 =	vlt.s32 v31, $0x7  }
0x209: {  	v37 =	vmul.f32 $2.546478990e+00, v37;
	v42 =	vld [tilespmem:s15+$0x30];
	v31 =	vnsel vm0, $0x7, v31;
	v30 =	vshll.u32 v30, $0x3  }
0x20a: {  	v32 =	vtrunc.f32 v32;
	v38 =	vmul.f32 $2.546478990e+00, v38;
	v43 =	vld [tilespmem:s15+$0x40];
	v30 =	vadd.s32 v31, v30  }
0x20b: {  	v29 =	vadd.s32 v33, v29;
	v20 =	vtrunc.f32 v20;
	v31 =	vmul.f32 $2.546478990e+00, v39;
	v39 =	vld [tilespmem:s15+$0x50]  }
0x20c: {  	v12 =	vadd.s32 v12, v26;
	v33 =	vtrunc.f32 v34;
	v34 =	vmul.f32 $2.546478990e+00, v40;
	v40 =	vld [tilespmem:s15+$0x60]  }
0x20d: {  	v6 =	vadd.s32 v6, v24;
	v35 =	vtrunc.f32 v35;
	v26 =	vld [tilespmem:s15+$0xFFFFFF80];
	v41 =	vmul.f32 $2.546478990e+00, v41  }
0x20e: {  	v10 =	vadd.s32 v10, v21;
	v36 =	vtrunc.f32 v36;
	v24 =	vld [tilespmem:s10+$0xFFFFFF80];
	v42 =	vmul.f32 $2.546478990e+00, v42  }
0x20f: {  	v9 =	vadd.s32 v9, v19;
	v21 =	vtrunc.f32 v37;
	v37 =	vmul.f32 $2.546478990e+00, v43;
	v30 =	vld.idx.msk [tilespmem:v30+s5+$0x0], $0xffff  }
0x210: {  	v11 =	vadd.s32 v11, v18;
	v38 =	vtrunc.f32 v38;
	v19 =	vld [tilespmem:s10+$0xFFFFFF90];
	v39 =	vmul.f32 $2.546478990e+00, v39  }
0x211: {  	v13 =	vadd.s32 v13, v16;
	v31 =	vtrunc.f32 v31;
	v18 =	vld [tilespmem:s10+$0xFFFFFFA0];
	v40 =	vmul.f32 $2.546478990e+00, v40  }
0x212: {  	v14 =	vadd.s32 v14, v15;
	v34 =	vtrunc.f32 v34;
	v16 =	vmul.f32 $2.546478990e+00, v26;
	v26 =	vld [tilespmem:s10+$0xFFFFFFB0]  }
0x213: {  	v7 =	vadd.s32 v7, v22;
	v41 =	vtrunc.f32 v41;
	v15 =	vmul.f32 $2.546478990e+00, v24;
	v24 =	vld [tilespmem:s10+$0xFFFFFFC0]  }
0x214: {  	s11 =	sadd.s32 $0x100, s11;
	v8 =	vadd.s32 v8, v25;
	v42 =	vtrunc.f32 v42;
	v16 =	vtrunc.f32 v16;
	v22 =	vld [tilespmem:s10+$0xFFFFFFD0]  }
0x215: {  	v3 =	vadd.s32 v3, v28;
	v37 =	vtrunc.f32 v37;
	v19 =	vmul.f32 $2.546478990e+00, v19;
	v25 =	vld [tilespmem:s10+$0xFFFFFFE0];
	[tilespmem:s11+$0x70] =	vst v30  }
0x216: {  	v4 =	vadd.s32 v4, v27;
	v30 =	vtrunc.f32 v39;
	v18 =	vmul.f32 $2.546478990e+00, v18;
	v28 =	vld [tilespmem:s10+$0xFFFFFFF0]  }
0x217: {  	v2 =	vadd.s32 v2, v23;
	v39 =	vtrunc.f32 v40;
	v26 =	vmul.f32 $2.546478990e+00, v26;
	v27 =	vld [tilespmem:s10+$0x0]  }
0x218: {  	v1 =	vadd.s32 v1, v17;
	v16 =	vcvt.f32.s32 v16;
	v23 =	vmul.f32 $2.546478990e+00, v24;
	v24 =	vld [tilespmem:s10+$0x10]  }
0x219: {  	v0 =	vadd.s32 v0, v5;
	v17 =	vcvt.f32.s32 v32;
	v22 =	vmul.f32 $2.546478990e+00, v22;
	v32 =	vld [tilespmem:s10+$0x20]  }
0x21a: {  	v5 =	vcvt.f32.s32 v20;
	vm11 =	vlt.s32 v16, $0xF;
	v20 =	vmul.f32 $2.546478990e+00, v25;
	v25 =	vld [tilespmem:s10+$0x30]  }
0x21b: {  	vm9 =	vlt.s32 v17, $0xF;
	v33 =	vcvt.f32.s32 v33;
	v28 =	vmul.f32 $2.546478990e+00, v28;
	v40 =	vld [tilespmem:s10+$0x40]  }
0x21c: {  	vm8 =	vlt.s32 v5, $0xF;
	v35 =	vcvt.f32.s32 v35;
	v27 =	vmul.f32 $2.546478990e+00, v27;
	v43 =	vld [tilespmem:s10+$0x50]  }
0x21d: {  	vm4 =	vlt.s32 v33, $0xF;
	v36 =	vcvt.f32.s32 v36;
	v24 =	vmul.f32 $2.546478990e+00, v24;
	v44 =	vld [tilespmem:s10+$0x60]  }
0x21e: {  	vm0 =	vlt.s32 v35, $0xF;
	v21 =	vcvt.f32.s32 v21;
	v32 =	vmul.f32 $2.546478990e+00, v32;
	v29 =	vld.idx.msk [tilespmem:v29+s5+$0x0], $0xffff  }
0x21f: {  	vm1 =	vlt.s32 v36, $0xF;
	v38 =	vcvt.f32.s32 v38;
	v25 =	vmul.f32 $2.546478990e+00, v25;
	v12 =	vld.idx.msk [tilespmem:v12+s5+$0x0], $0xffff  }
0x220: {  	vm2 =	vlt.s32 v21, $0xF;
	v31 =	vcvt.f32.s32 v31;
	v40 =	vmul.f32 $2.546478990e+00, v40;
	v6 =	vld.idx.msk [tilespmem:v6+s5+$0x0], $0xffff  }
0x221: {  	vm5 =	vlt.s32 v38, $0xF;
	v34 =	vcvt.f32.s32 v34;
	v43 =	vmul.f32 $2.546478990e+00, v43;
	v10 =	vld.idx.msk [tilespmem:v10+s5+$0x0], $0xffff  }
0x222: {  	vm6 =	vlt.s32 v31, $0xF;
	v41 =	vcvt.f32.s32 v41;
	v44 =	vmul.f32 $2.546478990e+00, v44;
	v9 =	vld.idx.msk [tilespmem:v9+s5+$0x0], $0xffff  }
0x223: {  	vm7 =	vlt.s32 v34, $0xF;
	v42 =	vcvt.f32.s32 v42;
	v37 =	vcvt.f32.s32 v37;
	v11 =	vld.idx.msk [tilespmem:v11+s5+$0x0], $0xffff  }
0x224: {  	vm3 =	vlt.s32 v41, $0xF;
	v30 =	vcvt.f32.s32 v30;
	v39 =	vcvt.f32.s32 v39;
	[tilespmem:s13+$0xFFFFFF80] =	vst v29;
	v13 =	vld.idx.msk [tilespmem:v13+s5+$0x0], $0xffff  }
0x225: {  	vm10 =	vlt.s32 v42, $0xF;
	v15 =	vtrunc.f32 v15;
	v19 =	vtrunc.f32 v19;
	[tilespmem:s13+$0xFFFFFF90] =	vst v12;
	v12 =	vld.idx.msk [tilespmem:v14+s5+$0x0], $0xffff  }
0x226: {  	vm12 =	vlt.s32 v37, $0xF;
	v14 =	vtrunc.f32 v18;
	v18 =	vtrunc.f32 v26;
	[tilespmem:s13+$0xFFFFFFA0] =	vst v6;
	v6 =	vld.idx.msk [tilespmem:v7+s5+$0x0], $0xffff  }
0x227: {  	vm13 =	vlt.s32 v30, $0xF;
	v22 =	vtrunc.f32 v22;
	v7 =	vtrunc.f32 v23;
	[tilespmem:s13+$0xFFFFFFB0] =	vst v10;
	v8 =	vld.idx.msk [tilespmem:v8+s5+$0x0], $0xffff  }
0x228: {  	vm15 =	vlt.s32 v39, $0xF;
	v20 =	vtrunc.f32 v20;
	v23 =	vtrunc.f32 v28;
	[tilespmem:s13+$0xFFFFFFC0] =	vst v9;
	v3 =	vld.idx.msk [tilespmem:v3+s5+$0x0], $0xffff  }
0x229: {  	v16 =	vnsel vm11, $0xF, v16;
	v24 =	vtrunc.f32 v24;
	v26 =	vtrunc.f32 v27;
	[tilespmem:s13+$0xFFFFFFD0] =	vst v11;
	v4 =	vld.idx.msk [tilespmem:v4+s5+$0x0], $0xffff  }
0x22a: {  	v45 =	vnsel vm9, $0xF, v17;
	v17 =	vtrunc.f32 v32;
	v27 =	vtrunc.f32 v25;
	[tilespmem:s13+$0xFFFFFFE0] =	vst v13;
	v2 =	vld.idx.msk [tilespmem:v2+s5+$0x0], $0xffff  }
0x22b: {  	v32 =	vnsel vm8, $0xF, v5;
	v29 =	vtrunc.f32 v43;
	v28 =	vtrunc.f32 v40;
	[tilespmem:s13+$0xFFFFFFF0] =	vst v12;
	v1 =	vld.idx.msk [tilespmem:v1+s5+$0x0], $0xffff  }
0x22c: {  	v5 =	vcvt.f32.s32 v15;
	v15 =	vnsel vm4, $0xF, v33;
	v33 =	vtrunc.f32 v44;
	[tilespmem:s13+$0x0] =	vst v6;
	v0 =	vld.idx.msk [tilespmem:v0+s5+$0x0], $0xffff  }
0x22d: {  	v12 =	vcvt.f32.s32 v19;
	v19 =	vnsel vm0, $0xF, v35;
	v6 =	vcvt.f32.s32 v14;
	[tilespmem:s13+$0x10] =	vst v8  }
0x22e: {  	v10 =	vcvt.f32.s32 v18;
	v18 =	vnsel vm1, $0xF, v36;
	v9 =	vcvt.f32.s32 v7;
	[tilespmem:s13+$0x20] =	vst v3  }
0x22f: {  	v11 =	vcvt.f32.s32 v22;
	v13 =	vcvt.f32.s32 v20;
	v35 =	vnsel vm2, $0xF, v21;
	[tilespmem:s13+$0x30] =	vst v4  }
0x230: {  	v36 =	vnsel vm5, $0xF, v38;
	v7 =	vcvt.f32.s32 v26;
	v14 =	vcvt.f32.s32 v23;
	[tilespmem:s13+$0x40] =	vst v2  }
0x231: {  	v22 =	vnsel vm6, $0xF, v31;
	v8 =	vcvt.f32.s32 v24;
	v3 =	vcvt.f32.s32 v17;
	[tilespmem:s13+$0x50] =	vst v1  }
0x232: {  	v25 =	vnsel vm7, $0xF, v34;
	v4 =	vcvt.f32.s32 v27;
	v2 =	vcvt.f32.s32 v28;
	[tilespmem:s13+$0x60] =	vst v0;
	s13 =	smov.u32 s11  }
0x233: {  	v28 =	vnsel vm3, $0xF, v41;
	v1 =	vcvt.f32.s32 v29;
	v0 =	vcvt.f32.s32 v33  }
0x234: {  	v23 =	vnsel vm12, $0xF, v37;
	v17 =	vnsel vm13, $0xF, v30;
	v27 =	vnsel vm10, $0xF, v42  }
0x235: {  	v20 =	vnsel vm15, $0xF, v39;
	vm14 =	vlt.s32 v12, $0x7;
	vm13 =	vlt.s32 v5, $0x7  }
0x236: {  	vm11 =	vlt.s32 v10, $0x7;
	vm12 =	vlt.s32 v6, $0x7;
	vm10 =	vlt.s32 v9, $0x7  }
0x237: {  	vm9 =	vlt.s32 v11, $0x7;
	vm8 =	vlt.s32 v13, $0x7;
	vm7 =	vlt.s32 v14, $0x7  }
.Ltmp2:
0x238: {  	vm6 =	vlt.s32 v7, $0x7;
	vm5 =	vlt.s32 v8, $0x7;
	vm4 =	vlt.s32 v3, $0x7;
	(pc) =	sbr.rel @p0 .LBB2_7-.Ltmp2, $4  }
0x239: {  	vm3 =	vlt.s32 v4, $0x7;
	vm2 =	vlt.s32 v2, $0x7;
	vm1 =	vlt.s32 v1, $0x7  }
0x23a: {  	v26 =	vshll.u32 v45, $0x3;
	v29 =	vshll.u32 v16, $0x3;
	vm0 =	vlt.s32 v0, $0x7  }
0x23b: {  	v21 =	vshll.u32 v15, $0x3;
	v19 =	vshll.u32 v19, $0x3;
	v24 =	vshll.u32 v32, $0x3  }
0x23c: {  	s15 =	sadd.s32 $0x100, s15;
	v18 =	vshll.u32 v18, $0x3;
	v15 =	vshll.u32 v36, $0x3;
	v16 =	vshll.u32 v35, $0x3  }
0x23d: {  	v5 =	vnsel vm13, $0x7, v5  }
0x23e: {  	v12 =	vnsel vm14, $0x7, v12;
	v5 =	vadd.s32 v5, v29  }
0x23f: {  	v6 =	vnsel vm12, $0x7, v6;
	v10 =	vnsel vm11, $0x7, v10;
	v12 =	vadd.s32 v12, v26  }
0x240: {  	v9 =	vnsel vm10, $0x7, v9;
	v11 =	vnsel vm9, $0x7, v11;
	v6 =	vadd.s32 v6, v24  }
0x241: {  	v13 =	vnsel vm8, $0x7, v13;
	v14 =	vnsel vm7, $0x7, v14;
	v10 =	vadd.s32 v10, v21  }
0x242: {  	v7 =	vnsel vm6, $0x7, v7;
	v8 =	vnsel vm5, $0x7, v8;
	v9 =	vadd.s32 v9, v19  }
0x243: {  	v3 =	vnsel vm4, $0x7, v3;
	v4 =	vnsel vm3, $0x7, v4;
	v11 =	vadd.s32 v11, v18;
	v5 =	vld.idx.msk [tilespmem:v5+s5+$0x0], $0xffff  }
0x244: {  	v13 =	vadd.s32 v13, v16;
	v16 =	vshll.u32 v22, $0x3;
	v14 =	vadd.s32 v14, v15;
	v12 =	vld.idx.msk [tilespmem:v12+s5+$0x0], $0xffff  }
0x245: {  	v15 =	vshll.u32 v25, $0x3;
	v7 =	vadd.s32 v7, v16;
	v16 =	vshll.u32 v28, $0x3;
	v6 =	vld.idx.msk [tilespmem:v6+s5+$0x0], $0xffff  }
0x246: {  	v8 =	vadd.s32 v8, v15;
	v15 =	vshll.u32 v27, $0x3;
	v3 =	vadd.s32 v3, v16;
	v10 =	vld.idx.msk [tilespmem:v10+s5+$0x0], $0xffff  }
0x247: {  	v4 =	vadd.s32 v4, v15;
	v9 =	vld.idx.msk [tilespmem:v9+s5+$0x0], $0xffff  }
0x248: {  	v11 =	vld.idx.msk [tilespmem:v11+s5+$0x0], $0xffff;
	[tilespmem:s13+$0xFFFFFF80] =	vst v5  }
0x249: {  	v2 =	vnsel vm2, $0x7, v2;
	v13 =	vld.idx.msk [tilespmem:v13+s5+$0x0], $0xffff;
	v5 =	vshll.u32 v23, $0x3;
	[tilespmem:s13+$0xFFFFFF90] =	vst v12  }
0x24a: {  	v1 =	vnsel vm1, $0x7, v1;
	v7 =	vld.idx.msk [tilespmem:v7+s5+$0x0], $0xffff;
	v12 =	vshll.u32 v17, $0x3;
	[tilespmem:s13+$0xFFFFFFA0] =	vst v6;
	v2 =	vadd.s32 v2, v5  }
0x24b: {  	v0 =	vnsel vm0, $0x7, v0;
	v3 =	vld.idx.msk [tilespmem:v3+s5+$0x0], $0xffff;
	v6 =	vshll.u32 v20, $0x3;
	[tilespmem:s13+$0xFFFFFFB0] =	vst v10;
	v1 =	vadd.s32 v1, v12  }
0x24c: {  	v4 =	vld.idx.msk [tilespmem:v4+s5+$0x0], $0xffff;
	[tilespmem:s13+$0xFFFFFFC0] =	vst v9;
	v0 =	vadd.s32 v0, v6  }
0x24d: {  	[tilespmem:s13+$0xFFFFFFD0] =	vst v11;
	v5 =	vld.idx.msk [tilespmem:v14+s5+$0x0], $0xffff  }
0x24e: {  	[tilespmem:s13+$0xFFFFFFE0] =	vst v13;
	v6 =	vld.idx.msk [tilespmem:v8+s5+$0x0], $0xffff  }
0x24f: {  	[tilespmem:s13+$0x0] =	vst v7;
	v2 =	vld.idx.msk [tilespmem:v2+s5+$0x0], $0xffff  }
0x250: {  	[tilespmem:s13+$0x20] =	vst v3;
	v1 =	vld.idx.msk [tilespmem:v1+s5+$0x0], $0xffff  }
0x251: {  	[tilespmem:s13+$0x30] =	vst v4;
	v0 =	vld.idx.msk [tilespmem:v0+s5+$0x0], $0xffff  }
0x252: {  	[tilespmem:s13+$0xFFFFFFF0] =	vst v5  }
0x253: {  	s10 =	sshll.u32 s9, $0xF;
	[tilespmem:s13+$0x10] =	vst v6  }
0x254: {  	s11 =	sor.u32 s6, s10;
	[tilespmem:s13+$0x40] =	vst v2  }
0x255: {  	s16 =	sadd.s32 s10, s18;
	s11 =	sshrl.u32 s11, $0x3;
	[tilespmem:s13+$0x50] =	vst v1  }
0x256: {  	s15 =	sadd.s32 s3, s11;
	[tilespmem:s13+$0x60] =	vst v0;
	s13 =	sshrl.u32 s16, $0x3  }
0x257: {  	[hbm4b:s15+s5] =	stream.linear.scatter [tilespmem:s30], [sflag:$0x3], $0x4000, $0x38;
	[tilespmem:$0x18080] =	vst v63  }
0x258: {  	s14 =	sadd.s32 s1, s13  }
0x259: {  	[tilespmem:s24], [sflag:$0x1] =	stream.linear.gather [hbm4b:s14+s5], $0x4000, $0x38;
	[tilespmem:$0x18080] =	vst v63  }
0x25a: {  	s13 =	sadd.s32 s2, s13  }
0x25b: {  	[tilespmem:s25], [sflag:$0x1] =	stream.linear.gather [hbm4b:s13+s5], $0x4000, $0x38;
	[tilespmem:$0x18080] =	vst v63  }
0x25c: {  	_ =	swait.ge [sflag:s7], $0x4000  }
0x25d: {  	[sflag:s7] =	ssyncset.done $0x0  }
0x25e: {  	[sflag:s7] =	ssyncadd.s32 $0xFFFFC000  }
0x25f: {  	_ =	swait.ge [sflag:s31], $0x4000  }
0x260: {  	[sflag:s31] =	ssyncset.done $0x0  }
0x261: {  	[sflag:s31] =	ssyncadd.s32 $0xFFFFC000  }
0x262: {  	_ =	swait.ge [sflag:s31], $0x4000  }
0x263: {  	[sflag:s31] =	ssyncset.done $0x0  }
0x264: {  	s17 =	simm.s32 $0x4100;
	[sflag:s31] =	ssyncadd.s32 $0xFFFFC000  }
0x265: {  	s13 =	simm.s32 $0xC100;
	v0 =	vld [tilespmem:s17+$0x70]  }
0x266: {  	v1 =	vld [tilespmem:s13+$0x70]  }
0x267: {  	v2 =	vld [tilespmem:s17+$0xFFFFFF90]  }
0x268: {  	v3 =	vld [tilespmem:s17+$0xFFFFFFA0]  }
0x269: {  	v4 =	vld [tilespmem:s17+$0xFFFFFFB0]  }
0x26a: {  	v5 =	vld [tilespmem:s17+$0xFFFFFFC0]  }
0x26b: {  	v6 =	vld [tilespmem:s17+$0xFFFFFFD0]  }
0x26c: {  	v7 =	vld [tilespmem:s17+$0xFFFFFFE0]  }
0x26d: {  	v8 =	vld [tilespmem:s17+$0xFFFFFFF0]  }
0x26e: {  	v9 =	vld [tilespmem:s17+$0x0]  }
0x26f: {  	v10 =	vld [tilespmem:s17+$0x10]  }
0x270: {  	v11 =	vld [tilespmem:s17+$0x20]  }
0x271: {  	v12 =	vld [tilespmem:s17+$0x30]  }
0x272: {  	v13 =	vld [tilespmem:s17+$0x40]  }
0x273: {  	v14 =	vld [tilespmem:s17+$0x50]  }
0x274: {  	v15 =	vld [tilespmem:s17+$0x60]  }
0x275: {  	v16 =	vld [tilespmem:s17+$0xFFFFFF80];
	v0 =	vmul.f32 $2.546478990e+00, v0  }
0x276: {  	v17 =	vld [tilespmem:s13+$0xFFFFFF80];
	v1 =	vmul.f32 $2.546478990e+00, v1;
	v2 =	vmul.f32 $2.546478990e+00, v2  }
0x277: {  	v18 =	vld [tilespmem:s13+$0xFFFFFF90];
	v3 =	vmul.f32 $2.546478990e+00, v3;
	v4 =	vmul.f32 $2.546478990e+00, v4  }
0x278: {  	v19 =	vld [tilespmem:s13+$0xFFFFFFA0];
	v5 =	vmul.f32 $2.546478990e+00, v5;
	v6 =	vmul.f32 $2.546478990e+00, v6  }
0x279: {  	v20 =	vld [tilespmem:s13+$0xFFFFFFB0];
	v7 =	vmul.f32 $2.546478990e+00, v7;
	v8 =	vmul.f32 $2.546478990e+00, v8  }
0x27a: {  	v21 =	vld [tilespmem:s13+$0xFFFFFFC0];
	v9 =	vmul.f32 $2.546478990e+00, v9;
	v10 =	vmul.f32 $2.546478990e+00, v10  }
0x27b: {  	v24 =	vld [tilespmem:s13+$0xFFFFFFF0];
	v11 =	vmul.f32 $2.546478990e+00, v11;
	v12 =	vmul.f32 $2.546478990e+00, v12  }
0x27c: {  	v13 =	vmul.f32 $2.546478990e+00, v13;
	v14 =	vmul.f32 $2.546478990e+00, v14  }
0x27d: {  	v15 =	vmul.f32 $2.546478990e+00, v15;
	v16 =	vmul.f32 $2.546478990e+00, v16  }
0x27e: {  	v17 =	vmul.f32 $2.546478990e+00, v17;
	v18 =	vmul.f32 $2.546478990e+00, v18  }
0x27f: {  	v19 =	vmul.f32 $2.546478990e+00, v19;
	v20 =	vmul.f32 $2.546478990e+00, v20  }
0x280: {  	v21 =	vmul.f32 $2.546478990e+00, v21;
	v24 =	vmul.f32 $2.546478990e+00, v24  }
0x281: {  	v0 =	vtrunc.f32 v0;
	v1 =	vtrunc.f32 v1  }
0x282: {  	v2 =	vtrunc.f32 v2;
	v3 =	vtrunc.f32 v3  }
0x283: {  	v4 =	vtrunc.f32 v4;
	v5 =	vtrunc.f32 v5  }
0x284: {  	v6 =	vtrunc.f32 v6;
	v7 =	vtrunc.f32 v7  }
0x285: {  	v8 =	vtrunc.f32 v8;
	v9 =	vtrunc.f32 v9  }
0x286: {  	v10 =	vtrunc.f32 v10;
	v11 =	vtrunc.f32 v11  }
0x287: {  	v25 =	vld [tilespmem:s13+$0x0];
	v16 =	vtrunc.f32 v16;
	v12 =	vtrunc.f32 v12  }
0x288: {  	v26 =	vld [tilespmem:s13+$0x10];
	v13 =	vtrunc.f32 v13;
	v14 =	vtrunc.f32 v14  }
0x289: {  	v15 =	vtrunc.f32 v15;
	v0 =	vcvt.f32.s32 v0  }
0x28a: {  	v27 =	vld [tilespmem:s13+$0x40];
	v1 =	vcvt.f32.s32 v1;
	v16 =	vcvt.f32.s32 v16  }
0x28b: {  	v3 =	vcvt.f32.s32 v3;
	v4 =	vcvt.f32.s32 v4  }
0x28c: {  	v28 =	vcvt.f32.s32 v5;
	v5 =	vmul.f32 $2.546478990e+00, v25  }
0x28d: {  	v30 =	vcvt.f32.s32 v6;
	v6 =	vmul.f32 $2.546478990e+00, v26  }
0x28e: {  	v7 =	vcvt.f32.s32 v7;
	v8 =	vcvt.f32.s32 v8  }
0x28f: {  	v31 =	vcvt.f32.s32 v9;
	v9 =	vmul.f32 $2.546478990e+00, v27  }
0x290: {  	v27 =	vcvt.f32.s32 v10;
	v32 =	vcvt.f32.s32 v11  }
0x291: {  	v33 =	vcvt.f32.s32 v13;
	v34 =	vcvt.f32.s32 v14  }
0x292: {  	v15 =	vcvt.f32.s32 v15;
	v13 =	vtrunc.f32 v18  }
0x293: {  	v14 =	vtrunc.f32 v19;
	v18 =	vtrunc.f32 v21;
	vm0 =	vlt.s32 v0, $0xF  }
0x294: {  	v22 =	vld [tilespmem:s13+$0xFFFFFFD0];
	vm2 =	vlt.s32 v3, $0xF;
	vm3 =	vlt.s32 v4, $0xF;
	vm4 =	vlt.s32 v28, $0xF  }
0x295: {  	v23 =	vld [tilespmem:s13+$0xFFFFFFE0];
	vm5 =	vlt.s32 v30, $0xF;
	vm6 =	vlt.s32 v7, $0xF;
	vm7 =	vlt.s32 v8, $0xF  }
0x296: {  	v25 =	vld [tilespmem:s13+$0x50];
	vm8 =	vlt.s32 v31, $0xF;
	vm9 =	vlt.s32 v27, $0xF;
	vm10 =	vlt.s32 v32, $0xF  }
0x297: {  	v26 =	vld [tilespmem:s13+$0x60];
	vm12 =	vlt.s32 v33, $0xF;
	vm13 =	vlt.s32 v34, $0xF;
	vm15 =	vlt.s32 v15, $0xF  }
0x298: {  	v21 =	vtrunc.f32 v5;
	v0 =	vnsel vm0, $0xF, v0;
	vm0 =	vlt.s32 v1, $0x7  }
0x299: {  	v36 =	vnsel vm2, $0xF, v3;
	v1 =	vnsel vm0, $0x7, v1;
	v0 =	vshll.u32 v0, $0x3  }
0x29a: {  	v38 =	vnsel vm3, $0xF, v4;
	v29 =	vadd.s32 v1, v0;
	v0 =	vcvt.f32.s32 v2  }
0x29b: {  	v40 =	vnsel vm4, $0xF, v28;
	v1 =	vmul.f32 $2.546478990e+00, v22;
	v22 =	vmul.f32 $2.546478990e+00, v23  }
0x29c: {  	v41 =	vnsel vm7, $0xF, v8;
	v10 =	vmul.f32 $2.546478990e+00, v25;
	v11 =	vmul.f32 $2.546478990e+00, v26  }
0x29d: {  	v28 =	vnsel vm10, $0xF, v32;
	v26 =	vcvt.f32.s32 v12;
	v12 =	vtrunc.f32 v17  }
0x29e: {  	vm0 =	vlt.s32 v16, $0xF;
	v17 =	vtrunc.f32 v20;
	v20 =	vtrunc.f32 v24  }
0x29f: {  	v16 =	vnsel vm0, $0xF, v16;
	v24 =	vtrunc.f32 v6;
	v6 =	vcvt.f32.s32 v14  }
0x2a0: {  	v25 =	vnsel vm9, $0xF, v27;
	v5 =	vcvt.f32.s32 v12;
	v12 =	vcvt.f32.s32 v13  }
0x2a1: {  	v14 =	vcvt.f32.s32 v20;
	v8 =	vcvt.f32.s32 v24;
	v20 =	vnsel vm15, $0xF, v15  }
0x2a2: {  	v24 =	vshll.u32 v36, $0x3;
	vm1 =	vlt.s32 v0, $0xF;
	v1 =	vtrunc.f32 v1  }
0x2a3: {  	v2 =	vld [tilespmem:s13+$0x20];
	vm11 =	vlt.s32 v26, $0xF;
	v19 =	vtrunc.f32 v22;
	v37 =	vtrunc.f32 v10  }
0x2a4: {  	v23 =	vld [tilespmem:s13+$0x30];
	v39 =	vtrunc.f32 v11;
	v10 =	vcvt.f32.s32 v17;
	v22 =	vnsel vm8, $0xF, v31  }
0x2a5: {  	v17 =	vnsel vm13, $0xF, v34;
	v35 =	vnsel vm1, $0xF, v0;
	v11 =	vcvt.f32.s32 v1  }
0x2a6: {  	v13 =	vcvt.f32.s32 v19;
	v1 =	vcvt.f32.s32 v37;
	v27 =	vnsel vm11, $0xF, v26  }
0x2a7: {  	vm13 =	vlt.s32 v5, $0x7;
	vm14 =	vlt.s32 v12, $0x7;
	vm7 =	vlt.s32 v14, $0x7  }
0x2a8: {  	v19 =	vshll.u32 v40, $0x3;
	vm11 =	vlt.s32 v10, $0x7;
	v2 =	vmul.f32 $2.546478990e+00, v2  }
0x2a9: {  	v26 =	vshll.u32 v35, $0x3;
	v23 =	vmul.f32 $2.546478990e+00, v23;
	vm9 =	vlt.s32 v11, $0x7  }
0x2aa: {  	vm8 =	vlt.s32 v13, $0x7;
	vm1 =	vlt.s32 v1, $0x7;
	v0 =	vtrunc.f32 v2  }
0x2ab: {  	v15 =	vld.idx.msk [tilespmem:v29+s5+$0x0], $0xffff;
	v29 =	vshll.u32 v16, $0x3;
	v2 =	vtrunc.f32 v23;
	v23 =	vtrunc.f32 v9  }
0x2ac: {  	v9 =	vcvt.f32.s32 v18;
	v18 =	vnsel vm5, $0xF, v30;
	v30 =	vnsel vm6, $0xF, v7  }
0x2ad: {  	v7 =	vcvt.f32.s32 v21;
	vm5 =	vlt.s32 v8, $0x7;
	v3 =	vcvt.f32.s32 v0  }
0x2ae: {  	v21 =	vshll.u32 v38, $0x3;
	v4 =	vcvt.f32.s32 v2;
	v2 =	vcvt.f32.s32 v23  }
0x2af: {  	v0 =	vcvt.f32.s32 v39;
	v23 =	vnsel vm12, $0xF, v33;
	vm12 =	vlt.s32 v6, $0x7  }
0x2b0: {  	v18 =	vshll.u32 v18, $0x3;
	v16 =	vshll.u32 v30, $0x3;
	vm10 =	vlt.s32 v9, $0x7  }
0x2b1: {  	s15 =	simm.s32 $0x14100;
	vm6 =	vlt.s32 v7, $0x7;
	vm4 =	vlt.s32 v3, $0x7;
	vm3 =	vlt.s32 v4, $0x7  }
0x2b2: {  	s16 =	simm.s32 $0x0;
	s14 =	simm.s32 $0x14100;
	s17 =	simm.s32 $0x4200;
	vm2 =	vlt.s32 v2, $0x7;
	vm0 =	vlt.s32 v0, $0x7;
	[tilespmem:s15+$0x70] =	vst v15;
	v15 =	vshll.u32 v41, $0x3  }
.LBB2_9:
0x2b3: {  	v30 =	vld [tilespmem:s17+$0x70];
	s16 =	sadd.s32 $0x10, s16;
	v22 =	vshll.u32 v22, $0x3;
	v25 =	vshll.u32 v25, $0x3;
	v28 =	vshll.u32 v28, $0x3;
	s13 =	sadd.s32 $0x100, s13  }
0x2b4: {  	v27 =	vshll.u32 v27, $0x3;
	v23 =	vshll.u32 v23, $0x3;
	v17 =	vshll.u32 v17, $0x3;
	v31 =	vld [tilespmem:s13+$0x70];
	p0 =	slt.u32 s16, $0x3F0  }
0x2b5: {  	v33 =	vnsel vm13, $0x7, v5;
	v12 =	vnsel vm14, $0x7, v12;
	v5 =	vshll.u32 v20, $0x3;
	v32 =	vld [tilespmem:s17+$0xFFFFFF90]  }
0x2b6: {  	v6 =	vnsel vm12, $0x7, v6;
	v10 =	vnsel vm11, $0x7, v10;
	v9 =	vnsel vm10, $0x7, v9;
	v20 =	vld [tilespmem:s17+$0xFFFFFFA0]  }
0x2b7: {  	v11 =	vnsel vm9, $0x7, v11;
	v13 =	vnsel vm8, $0x7, v13;
	v14 =	vnsel vm7, $0x7, v14;
	v34 =	vld [tilespmem:s17+$0xFFFFFFB0]  }
0x2b8: {  	v7 =	vnsel vm6, $0x7, v7;
	v8 =	vnsel vm5, $0x7, v8;
	v35 =	vld [tilespmem:s17+$0xFFFFFFC0];
	v30 =	vmul.f32 $2.546478990e+00, v30  }
0x2b9: {  	v3 =	vnsel vm4, $0x7, v3;
	v4 =	vnsel vm3, $0x7, v4;
	v36 =	vld [tilespmem:s17+$0xFFFFFFD0];
	v31 =	vmul.f32 $2.546478990e+00, v31  }
0x2ba: {  	v2 =	vnsel vm2, $0x7, v2;
	v32 =	vmul.f32 $2.546478990e+00, v32;
	v37 =	vld [tilespmem:s17+$0xFFFFFFE0];
	v30 =	vtrunc.f32 v30  }
0x2bb: {  	v1 =	vnsel vm1, $0x7, v1;
	v38 =	vld [tilespmem:s17+$0xFFFFFFF0];
	v30 =	vcvt.f32.s32 v30;
	v31 =	vtrunc.f32 v31  }
0x2bc: {  	v0 =	vnsel vm0, $0x7, v0;
	v20 =	vmul.f32 $2.546478990e+00, v20;
	v39 =	vld [tilespmem:s17+$0x0];
	v31 =	vcvt.f32.s32 v31  }
0x2bd: {  	v34 =	vmul.f32 $2.546478990e+00, v34;
	v35 =	vmul.f32 $2.546478990e+00, v35;
	v40 =	vld [tilespmem:s17+$0x10];
	vm0 =	vlt.s32 v30, $0xF  }
0x2be: {  	v36 =	vmul.f32 $2.546478990e+00, v36;
	v41 =	vld [tilespmem:s17+$0x20];
	v30 =	vnsel vm0, $0xF, v30;
	vm0 =	vlt.s32 v31, $0x7  }
0x2bf: {  	v37 =	vmul.f32 $2.546478990e+00, v37;
	v42 =	vld [tilespmem:s17+$0x30];
	v31 =	vnsel vm0, $0x7, v31;
	v30 =	vshll.u32 v30, $0x3  }
0x2c0: {  	v32 =	vtrunc.f32 v32;
	v38 =	vmul.f32 $2.546478990e+00, v38;
	v43 =	vld [tilespmem:s17+$0x40];
	v30 =	vadd.s32 v31, v30  }
0x2c1: {  	v29 =	vadd.s32 v33, v29;
	v20 =	vtrunc.f32 v20;
	v31 =	vmul.f32 $2.546478990e+00, v39;
	v39 =	vld [tilespmem:s17+$0x50]  }
0x2c2: {  	v12 =	vadd.s32 v12, v26;
	v33 =	vtrunc.f32 v34;
	v34 =	vmul.f32 $2.546478990e+00, v40;
	v40 =	vld [tilespmem:s17+$0x60]  }
0x2c3: {  	v6 =	vadd.s32 v6, v24;
	v35 =	vtrunc.f32 v35;
	v26 =	vld [tilespmem:s17+$0xFFFFFF80];
	v41 =	vmul.f32 $2.546478990e+00, v41  }
0x2c4: {  	v10 =	vadd.s32 v10, v21;
	v36 =	vtrunc.f32 v36;
	v24 =	vld [tilespmem:s13+$0xFFFFFF80];
	v42 =	vmul.f32 $2.546478990e+00, v42  }
0x2c5: {  	v9 =	vadd.s32 v9, v19;
	v21 =	vtrunc.f32 v37;
	v37 =	vmul.f32 $2.546478990e+00, v43;
	v30 =	vld.idx.msk [tilespmem:v30+s5+$0x0], $0xffff  }
0x2c6: {  	v11 =	vadd.s32 v11, v18;
	v38 =	vtrunc.f32 v38;
	v19 =	vld [tilespmem:s13+$0xFFFFFF90];
	v39 =	vmul.f32 $2.546478990e+00, v39  }
0x2c7: {  	v13 =	vadd.s32 v13, v16;
	v31 =	vtrunc.f32 v31;
	v18 =	vld [tilespmem:s13+$0xFFFFFFA0];
	v40 =	vmul.f32 $2.546478990e+00, v40  }
0x2c8: {  	v14 =	vadd.s32 v14, v15;
	v34 =	vtrunc.f32 v34;
	v16 =	vmul.f32 $2.546478990e+00, v26;
	v26 =	vld [tilespmem:s13+$0xFFFFFFB0]  }
0x2c9: {  	v7 =	vadd.s32 v7, v22;
	v41 =	vtrunc.f32 v41;
	v15 =	vmul.f32 $2.546478990e+00, v24;
	v24 =	vld [tilespmem:s13+$0xFFFFFFC0]  }
0x2ca: {  	s15 =	sadd.s32 $0x100, s15;
	v8 =	vadd.s32 v8, v25;
	v42 =	vtrunc.f32 v42;
	v16 =	vtrunc.f32 v16;
	v22 =	vld [tilespmem:s13+$0xFFFFFFD0]  }
0x2cb: {  	v3 =	vadd.s32 v3, v28;
	v37 =	vtrunc.f32 v37;
	v19 =	vmul.f32 $2.546478990e+00, v19;
	v25 =	vld [tilespmem:s13+$0xFFFFFFE0];
	[tilespmem:s15+$0x70] =	vst v30  }
0x2cc: {  	v4 =	vadd.s32 v4, v27;
	v30 =	vtrunc.f32 v39;
	v18 =	vmul.f32 $2.546478990e+00, v18;
	v28 =	vld [tilespmem:s13+$0xFFFFFFF0]  }
0x2cd: {  	v2 =	vadd.s32 v2, v23;
	v39 =	vtrunc.f32 v40;
	v26 =	vmul.f32 $2.546478990e+00, v26;
	v27 =	vld [tilespmem:s13+$0x0]  }
0x2ce: {  	v1 =	vadd.s32 v1, v17;
	v16 =	vcvt.f32.s32 v16;
	v23 =	vmul.f32 $2.546478990e+00, v24;
	v24 =	vld [tilespmem:s13+$0x10]  }
0x2cf: {  	v0 =	vadd.s32 v0, v5;
	v17 =	vcvt.f32.s32 v32;
	v22 =	vmul.f32 $2.546478990e+00, v22;
	v32 =	vld [tilespmem:s13+$0x20]  }
0x2d0: {  	v5 =	vcvt.f32.s32 v20;
	vm11 =	vlt.s32 v16, $0xF;
	v20 =	vmul.f32 $2.546478990e+00, v25;
	v25 =	vld [tilespmem:s13+$0x30]  }
0x2d1: {  	vm9 =	vlt.s32 v17, $0xF;
	v33 =	vcvt.f32.s32 v33;
	v28 =	vmul.f32 $2.546478990e+00, v28;
	v40 =	vld [tilespmem:s13+$0x40]  }
0x2d2: {  	vm8 =	vlt.s32 v5, $0xF;
	v35 =	vcvt.f32.s32 v35;
	v27 =	vmul.f32 $2.546478990e+00, v27;
	v43 =	vld [tilespmem:s13+$0x50]  }
0x2d3: {  	vm4 =	vlt.s32 v33, $0xF;
	v36 =	vcvt.f32.s32 v36;
	v24 =	vmul.f32 $2.546478990e+00, v24;
	v44 =	vld [tilespmem:s13+$0x60]  }
0x2d4: {  	vm0 =	vlt.s32 v35, $0xF;
	v21 =	vcvt.f32.s32 v21;
	v32 =	vmul.f32 $2.546478990e+00, v32;
	v29 =	vld.idx.msk [tilespmem:v29+s5+$0x0], $0xffff  }
0x2d5: {  	vm1 =	vlt.s32 v36, $0xF;
	v38 =	vcvt.f32.s32 v38;
	v25 =	vmul.f32 $2.546478990e+00, v25;
	v12 =	vld.idx.msk [tilespmem:v12+s5+$0x0], $0xffff  }
0x2d6: {  	vm2 =	vlt.s32 v21, $0xF;
	v31 =	vcvt.f32.s32 v31;
	v40 =	vmul.f32 $2.546478990e+00, v40;
	v6 =	vld.idx.msk [tilespmem:v6+s5+$0x0], $0xffff  }
0x2d7: {  	vm5 =	vlt.s32 v38, $0xF;
	v34 =	vcvt.f32.s32 v34;
	v43 =	vmul.f32 $2.546478990e+00, v43;
	v10 =	vld.idx.msk [tilespmem:v10+s5+$0x0], $0xffff  }
0x2d8: {  	vm6 =	vlt.s32 v31, $0xF;
	v41 =	vcvt.f32.s32 v41;
	v44 =	vmul.f32 $2.546478990e+00, v44;
	v9 =	vld.idx.msk [tilespmem:v9+s5+$0x0], $0xffff  }
0x2d9: {  	vm7 =	vlt.s32 v34, $0xF;
	v42 =	vcvt.f32.s32 v42;
	v37 =	vcvt.f32.s32 v37;
	v11 =	vld.idx.msk [tilespmem:v11+s5+$0x0], $0xffff  }
0x2da: {  	vm3 =	vlt.s32 v41, $0xF;
	v30 =	vcvt.f32.s32 v30;
	v39 =	vcvt.f32.s32 v39;
	[tilespmem:s14+$0xFFFFFF80] =	vst v29;
	v13 =	vld.idx.msk [tilespmem:v13+s5+$0x0], $0xffff  }
0x2db: {  	vm10 =	vlt.s32 v42, $0xF;
	v15 =	vtrunc.f32 v15;
	v19 =	vtrunc.f32 v19;
	[tilespmem:s14+$0xFFFFFF90] =	vst v12;
	v12 =	vld.idx.msk [tilespmem:v14+s5+$0x0], $0xffff  }
0x2dc: {  	vm12 =	vlt.s32 v37, $0xF;
	v14 =	vtrunc.f32 v18;
	v18 =	vtrunc.f32 v26;
	[tilespmem:s14+$0xFFFFFFA0] =	vst v6;
	v6 =	vld.idx.msk [tilespmem:v7+s5+$0x0], $0xffff  }
0x2dd: {  	vm13 =	vlt.s32 v30, $0xF;
	v22 =	vtrunc.f32 v22;
	v7 =	vtrunc.f32 v23;
	[tilespmem:s14+$0xFFFFFFB0] =	vst v10;
	v8 =	vld.idx.msk [tilespmem:v8+s5+$0x0], $0xffff  }
0x2de: {  	vm15 =	vlt.s32 v39, $0xF;
	v20 =	vtrunc.f32 v20;
	v23 =	vtrunc.f32 v28;
	[tilespmem:s14+$0xFFFFFFC0] =	vst v9;
	v3 =	vld.idx.msk [tilespmem:v3+s5+$0x0], $0xffff  }
0x2df: {  	v16 =	vnsel vm11, $0xF, v16;
	v24 =	vtrunc.f32 v24;
	v26 =	vtrunc.f32 v27;
	[tilespmem:s14+$0xFFFFFFD0] =	vst v11;
	v4 =	vld.idx.msk [tilespmem:v4+s5+$0x0], $0xffff  }
0x2e0: {  	v45 =	vnsel vm9, $0xF, v17;
	v17 =	vtrunc.f32 v32;
	v27 =	vtrunc.f32 v25;
	[tilespmem:s14+$0xFFFFFFE0] =	vst v13;
	v2 =	vld.idx.msk [tilespmem:v2+s5+$0x0], $0xffff  }
0x2e1: {  	v32 =	vnsel vm8, $0xF, v5;
	v29 =	vtrunc.f32 v43;
	v28 =	vtrunc.f32 v40;
	[tilespmem:s14+$0xFFFFFFF0] =	vst v12;
	v1 =	vld.idx.msk [tilespmem:v1+s5+$0x0], $0xffff  }
0x2e2: {  	v5 =	vcvt.f32.s32 v15;
	v15 =	vnsel vm4, $0xF, v33;
	v33 =	vtrunc.f32 v44;
	[tilespmem:s14+$0x0] =	vst v6;
	v0 =	vld.idx.msk [tilespmem:v0+s5+$0x0], $0xffff  }
0x2e3: {  	v12 =	vcvt.f32.s32 v19;
	v19 =	vnsel vm0, $0xF, v35;
	v6 =	vcvt.f32.s32 v14;
	[tilespmem:s14+$0x10] =	vst v8  }
0x2e4: {  	v10 =	vcvt.f32.s32 v18;
	v18 =	vnsel vm1, $0xF, v36;
	v9 =	vcvt.f32.s32 v7;
	[tilespmem:s14+$0x20] =	vst v3  }
0x2e5: {  	v11 =	vcvt.f32.s32 v22;
	v13 =	vcvt.f32.s32 v20;
	v35 =	vnsel vm2, $0xF, v21;
	[tilespmem:s14+$0x30] =	vst v4  }
0x2e6: {  	v36 =	vnsel vm5, $0xF, v38;
	v7 =	vcvt.f32.s32 v26;
	v14 =	vcvt.f32.s32 v23;
	[tilespmem:s14+$0x40] =	vst v2  }
0x2e7: {  	v22 =	vnsel vm6, $0xF, v31;
	v8 =	vcvt.f32.s32 v24;
	v3 =	vcvt.f32.s32 v17;
	[tilespmem:s14+$0x50] =	vst v1  }
0x2e8: {  	v25 =	vnsel vm7, $0xF, v34;
	v4 =	vcvt.f32.s32 v27;
	v2 =	vcvt.f32.s32 v28;
	[tilespmem:s14+$0x60] =	vst v0;
	s14 =	smov.u32 s15  }
0x2e9: {  	v28 =	vnsel vm3, $0xF, v41;
	v1 =	vcvt.f32.s32 v29;
	v0 =	vcvt.f32.s32 v33  }
0x2ea: {  	v23 =	vnsel vm12, $0xF, v37;
	v17 =	vnsel vm13, $0xF, v30;
	v27 =	vnsel vm10, $0xF, v42  }
0x2eb: {  	v20 =	vnsel vm15, $0xF, v39;
	vm14 =	vlt.s32 v12, $0x7;
	vm13 =	vlt.s32 v5, $0x7  }
0x2ec: {  	vm11 =	vlt.s32 v10, $0x7;
	vm12 =	vlt.s32 v6, $0x7;
	vm10 =	vlt.s32 v9, $0x7  }
0x2ed: {  	vm9 =	vlt.s32 v11, $0x7;
	vm8 =	vlt.s32 v13, $0x7;
	vm7 =	vlt.s32 v14, $0x7  }
.Ltmp3:
0x2ee: {  	vm6 =	vlt.s32 v7, $0x7;
	vm5 =	vlt.s32 v8, $0x7;
	vm4 =	vlt.s32 v3, $0x7;
	(pc) =	sbr.rel @p0 .LBB2_9-.Ltmp3, $4  }
0x2ef: {  	vm3 =	vlt.s32 v4, $0x7;
	vm2 =	vlt.s32 v2, $0x7;
	vm1 =	vlt.s32 v1, $0x7  }
0x2f0: {  	v26 =	vshll.u32 v45, $0x3;
	v29 =	vshll.u32 v16, $0x3;
	vm0 =	vlt.s32 v0, $0x7  }
0x2f1: {  	v21 =	vshll.u32 v15, $0x3;
	v19 =	vshll.u32 v19, $0x3;
	v24 =	vshll.u32 v32, $0x3  }
0x2f2: {  	s17 =	sadd.s32 $0x100, s17;
	v18 =	vshll.u32 v18, $0x3;
	v15 =	vshll.u32 v36, $0x3;
	v16 =	vshll.u32 v35, $0x3  }
0x2f3: {  	v5 =	vnsel vm13, $0x7, v5  }
0x2f4: {  	v12 =	vnsel vm14, $0x7, v12;
	v5 =	vadd.s32 v5, v29  }
0x2f5: {  	v6 =	vnsel vm12, $0x7, v6;
	v12 =	vadd.s32 v12, v26  }
0x2f6: {  	v10 =	vnsel vm11, $0x7, v10;
	v6 =	vadd.s32 v6, v24  }
0x2f7: {  	v9 =	vnsel vm10, $0x7, v9;
	v10 =	vadd.s32 v10, v21  }
0x2f8: {  	v11 =	vnsel vm9, $0x7, v11;
	v9 =	vadd.s32 v9, v19  }
0x2f9: {  	v13 =	vnsel vm8, $0x7, v13;
	v11 =	vadd.s32 v11, v18;
	v5 =	vld.idx.msk [tilespmem:v5+s5+$0x0], $0xffff  }
0x2fa: {  	v14 =	vnsel vm7, $0x7, v14;
	v13 =	vadd.s32 v13, v16;
	v12 =	vld.idx.msk [tilespmem:v12+s5+$0x0], $0xffff  }
0x2fb: {  	v55 =	vshll.u32 v22, $0x3;
	v7 =	vnsel vm6, $0x7, v7;
	v14 =	vadd.s32 v14, v15;
	v6 =	vld.idx.msk [tilespmem:v6+s5+$0x0], $0xffff  }
0x2fc: {  	v56 =	vshll.u32 v25, $0x3;
	v8 =	vnsel vm5, $0x7, v8;
	v7 =	vadd.s32 v7, v55;
	v10 =	vld.idx.msk [tilespmem:v10+s5+$0x0], $0xffff  }
0x2fd: {  	v57 =	vshll.u32 v28, $0x3;
	v3 =	vnsel vm4, $0x7, v3;
	v8 =	vadd.s32 v8, v56;
	v9 =	vld.idx.msk [tilespmem:v9+s5+$0x0], $0xffff  }
0x2fe: {  	v58 =	vshll.u32 v27, $0x3;
	v4 =	vnsel vm3, $0x7, v4;
	v3 =	vadd.s32 v3, v57;
	v11 =	vld.idx.msk [tilespmem:v11+s5+$0x0], $0xffff;
	[tilespmem:s14+$0xFFFFFF80] =	vst v5  }
0x2ff: {  	v59 =	vshll.u32 v23, $0x3;
	v2 =	vnsel vm2, $0x7, v2;
	v4 =	vadd.s32 v4, v58;
	v13 =	vld.idx.msk [tilespmem:v13+s5+$0x0], $0xffff;
	[tilespmem:s14+$0xFFFFFF90] =	vst v12  }
0x300: {  	v60 =	vshll.u32 v17, $0x3;
	v1 =	vnsel vm1, $0x7, v1;
	v2 =	vadd.s32 v2, v59;
	v61 =	vld.idx.msk [tilespmem:v14+s5+$0x0], $0xffff;
	[tilespmem:s14+$0xFFFFFFA0] =	vst v6  }
0x301: {  	v62 =	vshll.u32 v20, $0x3;
	v0 =	vnsel vm0, $0x7, v0;
	v1 =	vadd.s32 v1, v60;
	v7 =	vld.idx.msk [tilespmem:v7+s5+$0x0], $0xffff;
	[tilespmem:s14+$0xFFFFFFB0] =	vst v10  }
0x302: {  	v0 =	vadd.s32 v0, v62;
	v63 =	vld.idx.msk [tilespmem:v8+s5+$0x0], $0xffff;
	[tilespmem:s14+$0xFFFFFFC0] =	vst v9  }
0x303: {  	v3 =	vld.idx.msk [tilespmem:v3+s5+$0x0], $0xffff;
	[tilespmem:s14+$0xFFFFFFD0] =	vst v11  }
0x304: {  	v4 =	vld.idx.msk [tilespmem:v4+s5+$0x0], $0xffff;
	[tilespmem:s14+$0xFFFFFFE0] =	vst v13  }
0x305: {  	v2 =	vld.idx.msk [tilespmem:v2+s5+$0x0], $0xffff;
	[tilespmem:s14+$0xFFFFFFF0] =	vst v61  }
0x306: {  	v1 =	vld.idx.msk [tilespmem:v1+s5+$0x0], $0xffff;
	[tilespmem:s14+$0x0] =	vst v7  }
0x307: {  	v0 =	vld.idx.msk [tilespmem:v0+s5+$0x0], $0xffff;
	[tilespmem:s14+$0x10] =	vst v63  }
0x308: {  	[tilespmem:s14+$0x20] =	vst v3  }
0x309: {  	[tilespmem:s14+$0x30] =	vst v4  }
0x30a: {  	[tilespmem:s14+$0x40] =	vst v2  }
0x30b: {  	s11 =	sadd.s32 s11, s3;
	s9 =	sadd.s32 $0x1, s9;
	[tilespmem:s14+$0x50] =	vst v1  }
0x30c: {  	s10 =	sadd.s32 s10, s19;
	s11 =	sadd.s32 $0x800, s11;
	p0 =	sne.s32 s9, $0xF;
	[tilespmem:s14+$0x60] =	vst v0  }
0x30d: {  	[hbm4b:s11+s5] =	stream.linear.scatter [tilespmem:s0], [sflag:$0x4], $0x4000, $0x38;
	[tilespmem:$0x18080] =	vst v63  }
.Ltmp4:
0x30e: {  	s10 =	sshrl.u32 s10, $0x3;
	(pc) =	sbr.rel @p0 .LBB2_6-.Ltmp4, $4  }
0x30f: {  	s17 =	sadd.s32 s1, s10  }
0x310: {  	[tilespmem:s26], [sflag:$0x2] =	stream.linear.gather [hbm4b:s17+s5], $0x4000, $0x38;
	[tilespmem:$0x18080] =	vst v63  }
0x311: {  	s10 =	sadd.s32 s2, s10  }
0x312: {  	[tilespmem:s28], [sflag:$0x2] =	stream.linear.gather [hbm4b:s10+s5], $0x4000, $0x38;
	[tilespmem:$0x18080] =	vst v63  }
0x313: {  	_ =	swait.ge [sflag:s4], $0x4000  }
0x314: {  	[sflag:s4] =	ssyncset.done $0x0  }
0x315: {  	[sflag:s4] =	ssyncadd.s32 $0xFFFFC000  }
0x316: {  	_ =	swait.ge [sflag:s29], $0x4000  }
0x317: {  	[sflag:s29] =	ssyncset.done $0x0  }
0x318: {  	[sflag:s29] =	ssyncadd.s32 $0xFFFFC000  }
0x319: {  	_ =	swait.ge [sflag:s29], $0x4000  }
0x31a: {  	[sflag:s29] =	ssyncset.done $0x0  }
0x31b: {  	s10 =	simm.s32 $0x100;
	[sflag:s29] =	ssyncadd.s32 $0xFFFFC000  }
0x31c: {  	s9 =	simm.s32 $0x8100;
	v0 =	vld [tilespmem:s10+$0x70]  }
0x31d: {  	v1 =	vld [tilespmem:s9+$0x70]  }
0x31e: {  	v2 =	vld [tilespmem:s10+$0xFFFFFF90]  }
0x31f: {  	v3 =	vld [tilespmem:s10+$0xFFFFFFA0]  }
0x320: {  	v4 =	vld [tilespmem:s10+$0xFFFFFFB0]  }
0x321: {  	v5 =	vld [tilespmem:s10+$0xFFFFFFC0]  }
0x322: {  	v6 =	vld [tilespmem:s10+$0xFFFFFFD0]  }
0x323: {  	v7 =	vld [tilespmem:s10+$0xFFFFFFE0]  }
0x324: {  	v8 =	vld [tilespmem:s10+$0xFFFFFFF0]  }
0x325: {  	v9 =	vld [tilespmem:s10+$0x0]  }
0x326: {  	v10 =	vld [tilespmem:s10+$0x10]  }
0x327: {  	v11 =	vld [tilespmem:s10+$0x20]  }
0x328: {  	v12 =	vld [tilespmem:s10+$0x30]  }
0x329: {  	v13 =	vld [tilespmem:s10+$0x40]  }
0x32a: {  	v14 =	vld [tilespmem:s10+$0x50]  }
0x32b: {  	v15 =	vld [tilespmem:s10+$0x60]  }
0x32c: {  	v16 =	vld [tilespmem:s10+$0xFFFFFF80];
	v0 =	vmul.f32 $2.546478990e+00, v0  }
0x32d: {  	v17 =	vld [tilespmem:s9+$0xFFFFFF80];
	v1 =	vmul.f32 $2.546478990e+00, v1;
	v2 =	vmul.f32 $2.546478990e+00, v2  }
0x32e: {  	v18 =	vld [tilespmem:s9+$0xFFFFFF90];
	v3 =	vmul.f32 $2.546478990e+00, v3;
	v4 =	vmul.f32 $2.546478990e+00, v4  }
0x32f: {  	v19 =	vld [tilespmem:s9+$0xFFFFFFA0];
	v5 =	vmul.f32 $2.546478990e+00, v5;
	v6 =	vmul.f32 $2.546478990e+00, v6  }
0x330: {  	v20 =	vld [tilespmem:s9+$0xFFFFFFB0];
	v7 =	vmul.f32 $2.546478990e+00, v7;
	v8 =	vmul.f32 $2.546478990e+00, v8  }
0x331: {  	v21 =	vld [tilespmem:s9+$0xFFFFFFC0];
	v9 =	vmul.f32 $2.546478990e+00, v9;
	v10 =	vmul.f32 $2.546478990e+00, v10  }
0x332: {  	v24 =	vld [tilespmem:s9+$0xFFFFFFF0];
	v11 =	vmul.f32 $2.546478990e+00, v11;
	v12 =	vmul.f32 $2.546478990e+00, v12  }
0x333: {  	v13 =	vmul.f32 $2.546478990e+00, v13;
	v14 =	vmul.f32 $2.546478990e+00, v14  }
0x334: {  	v15 =	vmul.f32 $2.546478990e+00, v15;
	v16 =	vmul.f32 $2.546478990e+00, v16  }
0x335: {  	v17 =	vmul.f32 $2.546478990e+00, v17;
	v18 =	vmul.f32 $2.546478990e+00, v18  }
0x336: {  	v19 =	vmul.f32 $2.546478990e+00, v19;
	v20 =	vmul.f32 $2.546478990e+00, v20  }
0x337: {  	v21 =	vmul.f32 $2.546478990e+00, v21;
	v24 =	vmul.f32 $2.546478990e+00, v24  }
0x338: {  	v0 =	vtrunc.f32 v0;
	v1 =	vtrunc.f32 v1  }
0x339: {  	v2 =	vtrunc.f32 v2;
	v3 =	vtrunc.f32 v3  }
0x33a: {  	v4 =	vtrunc.f32 v4;
	v5 =	vtrunc.f32 v5  }
0x33b: {  	v6 =	vtrunc.f32 v6;
	v7 =	vtrunc.f32 v7  }
0x33c: {  	v8 =	vtrunc.f32 v8;
	v9 =	vtrunc.f32 v9  }
0x33d: {  	v10 =	vtrunc.f32 v10;
	v11 =	vtrunc.f32 v11  }
0x33e: {  	v25 =	vld [tilespmem:s9+$0x0];
	v16 =	vtrunc.f32 v16;
	v12 =	vtrunc.f32 v12  }
0x33f: {  	v26 =	vld [tilespmem:s9+$0x10];
	v13 =	vtrunc.f32 v13;
	v14 =	vtrunc.f32 v14  }
0x340: {  	v15 =	vtrunc.f32 v15;
	v0 =	vcvt.f32.s32 v0  }
0x341: {  	v27 =	vld [tilespmem:s9+$0x40];
	v1 =	vcvt.f32.s32 v1;
	v16 =	vcvt.f32.s32 v16  }
0x342: {  	v3 =	vcvt.f32.s32 v3;
	v4 =	vcvt.f32.s32 v4  }
0x343: {  	v28 =	vcvt.f32.s32 v5;
	v5 =	vmul.f32 $2.546478990e+00, v25  }
0x344: {  	v30 =	vcvt.f32.s32 v6;
	v6 =	vmul.f32 $2.546478990e+00, v26  }
0x345: {  	v7 =	vcvt.f32.s32 v7;
	v8 =	vcvt.f32.s32 v8  }
0x346: {  	v31 =	vcvt.f32.s32 v9;
	v9 =	vmul.f32 $2.546478990e+00, v27  }
0x347: {  	v27 =	vcvt.f32.s32 v10;
	v32 =	vcvt.f32.s32 v11  }
0x348: {  	v33 =	vcvt.f32.s32 v13;
	v34 =	vcvt.f32.s32 v14  }
0x349: {  	v15 =	vcvt.f32.s32 v15;
	v13 =	vtrunc.f32 v18  }
0x34a: {  	v14 =	vtrunc.f32 v19;
	v18 =	vtrunc.f32 v21;
	vm0 =	vlt.s32 v0, $0xF  }
0x34b: {  	v22 =	vld [tilespmem:s9+$0xFFFFFFD0];
	vm2 =	vlt.s32 v3, $0xF;
	vm3 =	vlt.s32 v4, $0xF;
	vm4 =	vlt.s32 v28, $0xF  }
0x34c: {  	v23 =	vld [tilespmem:s9+$0xFFFFFFE0];
	vm5 =	vlt.s32 v30, $0xF;
	vm6 =	vlt.s32 v7, $0xF;
	vm7 =	vlt.s32 v8, $0xF  }
0x34d: {  	v25 =	vld [tilespmem:s9+$0x50];
	vm8 =	vlt.s32 v31, $0xF;
	vm9 =	vlt.s32 v27, $0xF;
	vm10 =	vlt.s32 v32, $0xF  }
0x34e: {  	v26 =	vld [tilespmem:s9+$0x60];
	vm12 =	vlt.s32 v33, $0xF;
	vm13 =	vlt.s32 v34, $0xF;
	vm15 =	vlt.s32 v15, $0xF  }
0x34f: {  	v21 =	vtrunc.f32 v5;
	v0 =	vnsel vm0, $0xF, v0;
	vm0 =	vlt.s32 v1, $0x7  }
0x350: {  	v36 =	vnsel vm2, $0xF, v3;
	v1 =	vnsel vm0, $0x7, v1;
	v0 =	vshll.u32 v0, $0x3  }
0x351: {  	v38 =	vnsel vm3, $0xF, v4;
	v29 =	vadd.s32 v1, v0;
	v0 =	vcvt.f32.s32 v2  }
0x352: {  	v40 =	vnsel vm4, $0xF, v28;
	v1 =	vmul.f32 $2.546478990e+00, v22;
	v22 =	vmul.f32 $2.546478990e+00, v23  }
0x353: {  	v41 =	vnsel vm7, $0xF, v8;
	v10 =	vmul.f32 $2.546478990e+00, v25;
	v11 =	vmul.f32 $2.546478990e+00, v26  }
0x354: {  	v28 =	vnsel vm10, $0xF, v32;
	v26 =	vcvt.f32.s32 v12;
	v12 =	vtrunc.f32 v17  }
0x355: {  	vm0 =	vlt.s32 v16, $0xF;
	v17 =	vtrunc.f32 v20;
	v20 =	vtrunc.f32 v24  }
0x356: {  	v16 =	vnsel vm0, $0xF, v16;
	v24 =	vtrunc.f32 v6;
	v6 =	vcvt.f32.s32 v14  }
0x357: {  	v25 =	vnsel vm9, $0xF, v27;
	v5 =	vcvt.f32.s32 v12;
	v12 =	vcvt.f32.s32 v13  }
0x358: {  	v14 =	vcvt.f32.s32 v20;
	v8 =	vcvt.f32.s32 v24;
	v20 =	vnsel vm15, $0xF, v15  }
0x359: {  	v24 =	vshll.u32 v36, $0x3;
	vm1 =	vlt.s32 v0, $0xF;
	v1 =	vtrunc.f32 v1  }
0x35a: {  	v2 =	vld [tilespmem:s9+$0x20];
	vm11 =	vlt.s32 v26, $0xF;
	v19 =	vtrunc.f32 v22;
	v37 =	vtrunc.f32 v10  }
0x35b: {  	v23 =	vld [tilespmem:s9+$0x30];
	v39 =	vtrunc.f32 v11;
	v10 =	vcvt.f32.s32 v17;
	v22 =	vnsel vm8, $0xF, v31  }
0x35c: {  	v17 =	vnsel vm13, $0xF, v34;
	v35 =	vnsel vm1, $0xF, v0;
	v11 =	vcvt.f32.s32 v1  }
0x35d: {  	v13 =	vcvt.f32.s32 v19;
	v1 =	vcvt.f32.s32 v37;
	v27 =	vnsel vm11, $0xF, v26  }
0x35e: {  	vm13 =	vlt.s32 v5, $0x7;
	vm14 =	vlt.s32 v12, $0x7;
	vm7 =	vlt.s32 v14, $0x7  }
0x35f: {  	v19 =	vshll.u32 v40, $0x3;
	vm11 =	vlt.s32 v10, $0x7;
	v2 =	vmul.f32 $2.546478990e+00, v2  }
0x360: {  	v26 =	vshll.u32 v35, $0x3;
	v23 =	vmul.f32 $2.546478990e+00, v23;
	vm9 =	vlt.s32 v11, $0x7  }
0x361: {  	vm8 =	vlt.s32 v13, $0x7;
	vm1 =	vlt.s32 v1, $0x7;
	v0 =	vtrunc.f32 v2  }
0x362: {  	v15 =	vld.idx.msk [tilespmem:v29+s5+$0x0], $0xffff;
	v29 =	vshll.u32 v16, $0x3;
	v2 =	vtrunc.f32 v23;
	v23 =	vtrunc.f32 v9  }
0x363: {  	v9 =	vcvt.f32.s32 v18;
	v18 =	vnsel vm5, $0xF, v30;
	v30 =	vnsel vm6, $0xF, v7  }
0x364: {  	v7 =	vcvt.f32.s32 v21;
	vm5 =	vlt.s32 v8, $0x7;
	v3 =	vcvt.f32.s32 v0  }
0x365: {  	v21 =	vshll.u32 v38, $0x3;
	v4 =	vcvt.f32.s32 v2;
	v2 =	vcvt.f32.s32 v23  }
0x366: {  	v0 =	vcvt.f32.s32 v39;
	v23 =	vnsel vm12, $0xF, v33;
	vm12 =	vlt.s32 v6, $0x7  }
0x367: {  	v18 =	vshll.u32 v18, $0x3;
	v16 =	vshll.u32 v30, $0x3;
	vm10 =	vlt.s32 v9, $0x7  }
0x368: {  	s11 =	simm.s32 $0x10100;
	vm6 =	vlt.s32 v7, $0x7;
	vm4 =	vlt.s32 v3, $0x7;
	vm3 =	vlt.s32 v4, $0x7  }
0x369: {  	s13 =	simm.s32 $0x0;
	s14 =	simm.s32 $0x200;
	s10 =	simm.s32 $0x10100;
	vm2 =	vlt.s32 v2, $0x7;
	vm0 =	vlt.s32 v0, $0x7;
	[tilespmem:s11+$0x70] =	vst v15;
	v15 =	vshll.u32 v41, $0x3  }
.LBB2_12:
0x36a: {  	v30 =	vld [tilespmem:s14+$0x70];
	s13 =	sadd.s32 $0x10, s13;
	v22 =	vshll.u32 v22, $0x3;
	v25 =	vshll.u32 v25, $0x3;
	v28 =	vshll.u32 v28, $0x3;
	s9 =	sadd.s32 $0x100, s9  }
0x36b: {  	v27 =	vshll.u32 v27, $0x3;
	v23 =	vshll.u32 v23, $0x3;
	v17 =	vshll.u32 v17, $0x3;
	v31 =	vld [tilespmem:s9+$0x70];
	p0 =	slt.u32 s13, $0x3F0  }
0x36c: {  	v33 =	vnsel vm13, $0x7, v5;
	v12 =	vnsel vm14, $0x7, v12;
	v5 =	vshll.u32 v20, $0x3;
	v32 =	vld [tilespmem:s14+$0xFFFFFF90]  }
0x36d: {  	v6 =	vnsel vm12, $0x7, v6;
	v10 =	vnsel vm11, $0x7, v10;
	v9 =	vnsel vm10, $0x7, v9;
	v20 =	vld [tilespmem:s14+$0xFFFFFFA0]  }
0x36e: {  	v11 =	vnsel vm9, $0x7, v11;
	v13 =	vnsel vm8, $0x7, v13;
	v14 =	vnsel vm7, $0x7, v14;
	v34 =	vld [tilespmem:s14+$0xFFFFFFB0]  }
0x36f: {  	v7 =	vnsel vm6, $0x7, v7;
	v8 =	vnsel vm5, $0x7, v8;
	v35 =	vld [tilespmem:s14+$0xFFFFFFC0];
	v30 =	vmul.f32 $2.546478990e+00, v30  }
0x370: {  	v3 =	vnsel vm4, $0x7, v3;
	v4 =	vnsel vm3, $0x7, v4;
	v36 =	vld [tilespmem:s14+$0xFFFFFFD0];
	v31 =	vmul.f32 $2.546478990e+00, v31  }
0x371: {  	v2 =	vnsel vm2, $0x7, v2;
	v32 =	vmul.f32 $2.546478990e+00, v32;
	v37 =	vld [tilespmem:s14+$0xFFFFFFE0];
	v30 =	vtrunc.f32 v30  }
0x372: {  	v1 =	vnsel vm1, $0x7, v1;
	v38 =	vld [tilespmem:s14+$0xFFFFFFF0];
	v30 =	vcvt.f32.s32 v30;
	v31 =	vtrunc.f32 v31  }
0x373: {  	v0 =	vnsel vm0, $0x7, v0;
	v20 =	vmul.f32 $2.546478990e+00, v20;
	v39 =	vld [tilespmem:s14+$0x0];
	v31 =	vcvt.f32.s32 v31  }
0x374: {  	v34 =	vmul.f32 $2.546478990e+00, v34;
	v35 =	vmul.f32 $2.546478990e+00, v35;
	v40 =	vld [tilespmem:s14+$0x10];
	vm0 =	vlt.s32 v30, $0xF  }
0x375: {  	v36 =	vmul.f32 $2.546478990e+00, v36;
	v41 =	vld [tilespmem:s14+$0x20];
	v30 =	vnsel vm0, $0xF, v30;
	vm0 =	vlt.s32 v31, $0x7  }
0x376: {  	v37 =	vmul.f32 $2.546478990e+00, v37;
	v42 =	vld [tilespmem:s14+$0x30];
	v31 =	vnsel vm0, $0x7, v31;
	v30 =	vshll.u32 v30, $0x3  }
0x377: {  	v32 =	vtrunc.f32 v32;
	v38 =	vmul.f32 $2.546478990e+00, v38;
	v43 =	vld [tilespmem:s14+$0x40];
	v30 =	vadd.s32 v31, v30  }
0x378: {  	v29 =	vadd.s32 v33, v29;
	v20 =	vtrunc.f32 v20;
	v31 =	vmul.f32 $2.546478990e+00, v39;
	v39 =	vld [tilespmem:s14+$0x50]  }
0x379: {  	v12 =	vadd.s32 v12, v26;
	v33 =	vtrunc.f32 v34;
	v34 =	vmul.f32 $2.546478990e+00, v40;
	v40 =	vld [tilespmem:s14+$0x60]  }
0x37a: {  	v6 =	vadd.s32 v6, v24;
	v35 =	vtrunc.f32 v35;
	v26 =	vld [tilespmem:s14+$0xFFFFFF80];
	v41 =	vmul.f32 $2.546478990e+00, v41  }
0x37b: {  	v10 =	vadd.s32 v10, v21;
	v36 =	vtrunc.f32 v36;
	v24 =	vld [tilespmem:s9+$0xFFFFFF80];
	v42 =	vmul.f32 $2.546478990e+00, v42  }
0x37c: {  	v9 =	vadd.s32 v9, v19;
	v21 =	vtrunc.f32 v37;
	v37 =	vmul.f32 $2.546478990e+00, v43;
	v30 =	vld.idx.msk [tilespmem:v30+s5+$0x0], $0xffff  }
0x37d: {  	v11 =	vadd.s32 v11, v18;
	v38 =	vtrunc.f32 v38;
	v19 =	vld [tilespmem:s9+$0xFFFFFF90];
	v39 =	vmul.f32 $2.546478990e+00, v39  }
0x37e: {  	v13 =	vadd.s32 v13, v16;
	v31 =	vtrunc.f32 v31;
	v18 =	vld [tilespmem:s9+$0xFFFFFFA0];
	v40 =	vmul.f32 $2.546478990e+00, v40  }
0x37f: {  	v14 =	vadd.s32 v14, v15;
	v34 =	vtrunc.f32 v34;
	v16 =	vmul.f32 $2.546478990e+00, v26;
	v26 =	vld [tilespmem:s9+$0xFFFFFFB0]  }
0x380: {  	v7 =	vadd.s32 v7, v22;
	v41 =	vtrunc.f32 v41;
	v15 =	vmul.f32 $2.546478990e+00, v24;
	v24 =	vld [tilespmem:s9+$0xFFFFFFC0]  }
0x381: {  	s11 =	sadd.s32 $0x100, s11;
	v8 =	vadd.s32 v8, v25;
	v42 =	vtrunc.f32 v42;
	v16 =	vtrunc.f32 v16;
	v22 =	vld [tilespmem:s9+$0xFFFFFFD0]  }
0x382: {  	v3 =	vadd.s32 v3, v28;
	v37 =	vtrunc.f32 v37;
	v19 =	vmul.f32 $2.546478990e+00, v19;
	v25 =	vld [tilespmem:s9+$0xFFFFFFE0];
	[tilespmem:s11+$0x70] =	vst v30  }
0x383: {  	v4 =	vadd.s32 v4, v27;
	v30 =	vtrunc.f32 v39;
	v18 =	vmul.f32 $2.546478990e+00, v18;
	v28 =	vld [tilespmem:s9+$0xFFFFFFF0]  }
0x384: {  	v2 =	vadd.s32 v2, v23;
	v39 =	vtrunc.f32 v40;
	v26 =	vmul.f32 $2.546478990e+00, v26;
	v27 =	vld [tilespmem:s9+$0x0]  }
0x385: {  	v1 =	vadd.s32 v1, v17;
	v16 =	vcvt.f32.s32 v16;
	v23 =	vmul.f32 $2.546478990e+00, v24;
	v24 =	vld [tilespmem:s9+$0x10]  }
0x386: {  	v0 =	vadd.s32 v0, v5;
	v17 =	vcvt.f32.s32 v32;
	v22 =	vmul.f32 $2.546478990e+00, v22;
	v32 =	vld [tilespmem:s9+$0x20]  }
0x387: {  	v5 =	vcvt.f32.s32 v20;
	vm11 =	vlt.s32 v16, $0xF;
	v20 =	vmul.f32 $2.546478990e+00, v25;
	v25 =	vld [tilespmem:s9+$0x30]  }
0x388: {  	vm9 =	vlt.s32 v17, $0xF;
	v33 =	vcvt.f32.s32 v33;
	v28 =	vmul.f32 $2.546478990e+00, v28;
	v40 =	vld [tilespmem:s9+$0x40]  }
0x389: {  	vm8 =	vlt.s32 v5, $0xF;
	v35 =	vcvt.f32.s32 v35;
	v27 =	vmul.f32 $2.546478990e+00, v27;
	v43 =	vld [tilespmem:s9+$0x50]  }
0x38a: {  	vm4 =	vlt.s32 v33, $0xF;
	v36 =	vcvt.f32.s32 v36;
	v24 =	vmul.f32 $2.546478990e+00, v24;
	v44 =	vld [tilespmem:s9+$0x60]  }
0x38b: {  	vm0 =	vlt.s32 v35, $0xF;
	v21 =	vcvt.f32.s32 v21;
	v32 =	vmul.f32 $2.546478990e+00, v32;
	v29 =	vld.idx.msk [tilespmem:v29+s5+$0x0], $0xffff  }
0x38c: {  	vm1 =	vlt.s32 v36, $0xF;
	v38 =	vcvt.f32.s32 v38;
	v25 =	vmul.f32 $2.546478990e+00, v25;
	v12 =	vld.idx.msk [tilespmem:v12+s5+$0x0], $0xffff  }
0x38d: {  	vm2 =	vlt.s32 v21, $0xF;
	v31 =	vcvt.f32.s32 v31;
	v40 =	vmul.f32 $2.546478990e+00, v40;
	v6 =	vld.idx.msk [tilespmem:v6+s5+$0x0], $0xffff  }
0x38e: {  	vm5 =	vlt.s32 v38, $0xF;
	v34 =	vcvt.f32.s32 v34;
	v43 =	vmul.f32 $2.546478990e+00, v43;
	v10 =	vld.idx.msk [tilespmem:v10+s5+$0x0], $0xffff  }
0x38f: {  	vm6 =	vlt.s32 v31, $0xF;
	v41 =	vcvt.f32.s32 v41;
	v44 =	vmul.f32 $2.546478990e+00, v44;
	v9 =	vld.idx.msk [tilespmem:v9+s5+$0x0], $0xffff  }
0x390: {  	vm7 =	vlt.s32 v34, $0xF;
	v42 =	vcvt.f32.s32 v42;
	v37 =	vcvt.f32.s32 v37;
	v11 =	vld.idx.msk [tilespmem:v11+s5+$0x0], $0xffff  }
0x391: {  	vm3 =	vlt.s32 v41, $0xF;
	v30 =	vcvt.f32.s32 v30;
	v39 =	vcvt.f32.s32 v39;
	[tilespmem:s10+$0xFFFFFF80] =	vst v29;
	v13 =	vld.idx.msk [tilespmem:v13+s5+$0x0], $0xffff  }
0x392: {  	vm10 =	vlt.s32 v42, $0xF;
	v15 =	vtrunc.f32 v15;
	v19 =	vtrunc.f32 v19;
	[tilespmem:s10+$0xFFFFFF90] =	vst v12;
	v12 =	vld.idx.msk [tilespmem:v14+s5+$0x0], $0xffff  }
0x393: {  	vm12 =	vlt.s32 v37, $0xF;
	v14 =	vtrunc.f32 v18;
	v18 =	vtrunc.f32 v26;
	[tilespmem:s10+$0xFFFFFFA0] =	vst v6;
	v6 =	vld.idx.msk [tilespmem:v7+s5+$0x0], $0xffff  }
0x394: {  	vm13 =	vlt.s32 v30, $0xF;
	v22 =	vtrunc.f32 v22;
	v7 =	vtrunc.f32 v23;
	[tilespmem:s10+$0xFFFFFFB0] =	vst v10;
	v8 =	vld.idx.msk [tilespmem:v8+s5+$0x0], $0xffff  }
0x395: {  	vm15 =	vlt.s32 v39, $0xF;
	v20 =	vtrunc.f32 v20;
	v23 =	vtrunc.f32 v28;
	[tilespmem:s10+$0xFFFFFFC0] =	vst v9;
	v3 =	vld.idx.msk [tilespmem:v3+s5+$0x0], $0xffff  }
0x396: {  	v16 =	vnsel vm11, $0xF, v16;
	v24 =	vtrunc.f32 v24;
	v26 =	vtrunc.f32 v27;
	[tilespmem:s10+$0xFFFFFFD0] =	vst v11;
	v4 =	vld.idx.msk [tilespmem:v4+s5+$0x0], $0xffff  }
0x397: {  	v45 =	vnsel vm9, $0xF, v17;
	v17 =	vtrunc.f32 v32;
	v27 =	vtrunc.f32 v25;
	[tilespmem:s10+$0xFFFFFFE0] =	vst v13;
	v2 =	vld.idx.msk [tilespmem:v2+s5+$0x0], $0xffff  }
0x398: {  	v32 =	vnsel vm8, $0xF, v5;
	v29 =	vtrunc.f32 v43;
	v28 =	vtrunc.f32 v40;
	[tilespmem:s10+$0xFFFFFFF0] =	vst v12;
	v1 =	vld.idx.msk [tilespmem:v1+s5+$0x0], $0xffff  }
0x399: {  	v5 =	vcvt.f32.s32 v15;
	v15 =	vnsel vm4, $0xF, v33;
	v33 =	vtrunc.f32 v44;
	[tilespmem:s10+$0x0] =	vst v6;
	v0 =	vld.idx.msk [tilespmem:v0+s5+$0x0], $0xffff  }
0x39a: {  	v12 =	vcvt.f32.s32 v19;
	v19 =	vnsel vm0, $0xF, v35;
	v6 =	vcvt.f32.s32 v14;
	[tilespmem:s10+$0x10] =	vst v8  }
0x39b: {  	v10 =	vcvt.f32.s32 v18;
	v18 =	vnsel vm1, $0xF, v36;
	v9 =	vcvt.f32.s32 v7;
	[tilespmem:s10+$0x20] =	vst v3  }
0x39c: {  	v11 =	vcvt.f32.s32 v22;
	v13 =	vcvt.f32.s32 v20;
	v35 =	vnsel vm2, $0xF, v21;
	[tilespmem:s10+$0x30] =	vst v4  }
0x39d: {  	v36 =	vnsel vm5, $0xF, v38;
	v7 =	vcvt.f32.s32 v26;
	v14 =	vcvt.f32.s32 v23;
	[tilespmem:s10+$0x40] =	vst v2  }
0x39e: {  	v22 =	vnsel vm6, $0xF, v31;
	v8 =	vcvt.f32.s32 v24;
	v3 =	vcvt.f32.s32 v17;
	[tilespmem:s10+$0x50] =	vst v1  }
0x39f: {  	v25 =	vnsel vm7, $0xF, v34;
	v4 =	vcvt.f32.s32 v27;
	v2 =	vcvt.f32.s32 v28;
	[tilespmem:s10+$0x60] =	vst v0;
	s10 =	smov.u32 s11  }
0x3a0: {  	v28 =	vnsel vm3, $0xF, v41;
	v1 =	vcvt.f32.s32 v29;
	v0 =	vcvt.f32.s32 v33  }
0x3a1: {  	v23 =	vnsel vm12, $0xF, v37;
	v17 =	vnsel vm13, $0xF, v30;
	v27 =	vnsel vm10, $0xF, v42  }
0x3a2: {  	v20 =	vnsel vm15, $0xF, v39;
	vm14 =	vlt.s32 v12, $0x7;
	vm13 =	vlt.s32 v5, $0x7  }
0x3a3: {  	vm11 =	vlt.s32 v10, $0x7;
	vm12 =	vlt.s32 v6, $0x7;
	vm10 =	vlt.s32 v9, $0x7  }
0x3a4: {  	vm9 =	vlt.s32 v11, $0x7;
	vm8 =	vlt.s32 v13, $0x7;
	vm7 =	vlt.s32 v14, $0x7  }
.Ltmp5:
0x3a5: {  	vm6 =	vlt.s32 v7, $0x7;
	vm5 =	vlt.s32 v8, $0x7;
	vm4 =	vlt.s32 v3, $0x7;
	(pc) =	sbr.rel @p0 .LBB2_12-.Ltmp5, $4  }
0x3a6: {  	vm3 =	vlt.s32 v4, $0x7;
	vm2 =	vlt.s32 v2, $0x7;
	vm1 =	vlt.s32 v1, $0x7  }
0x3a7: {  	v26 =	vshll.u32 v45, $0x3;
	v29 =	vshll.u32 v16, $0x3;
	vm0 =	vlt.s32 v0, $0x7  }
0x3a8: {  	v21 =	vshll.u32 v15, $0x3;
	v19 =	vshll.u32 v19, $0x3;
	v24 =	vshll.u32 v32, $0x3  }
0x3a9: {  	s14 =	sadd.s32 $0x100, s14;
	v18 =	vshll.u32 v18, $0x3;
	v15 =	vshll.u32 v36, $0x3;
	v16 =	vshll.u32 v35, $0x3  }
0x3aa: {  	v5 =	vnsel vm13, $0x7, v5  }
0x3ab: {  	v12 =	vnsel vm14, $0x7, v12;
	v5 =	vadd.s32 v5, v29  }
0x3ac: {  	v6 =	vnsel vm12, $0x7, v6;
	v10 =	vnsel vm11, $0x7, v10;
	v12 =	vadd.s32 v12, v26  }
0x3ad: {  	v9 =	vnsel vm10, $0x7, v9;
	v11 =	vnsel vm9, $0x7, v11;
	v6 =	vadd.s32 v6, v24  }
0x3ae: {  	v13 =	vnsel vm8, $0x7, v13;
	v14 =	vnsel vm7, $0x7, v14;
	v10 =	vadd.s32 v10, v21  }
0x3af: {  	v7 =	vnsel vm6, $0x7, v7;
	v8 =	vnsel vm5, $0x7, v8;
	v9 =	vadd.s32 v9, v19  }
0x3b0: {  	v3 =	vnsel vm4, $0x7, v3;
	v4 =	vnsel vm3, $0x7, v4;
	v11 =	vadd.s32 v11, v18;
	v5 =	vld.idx.msk [tilespmem:v5+s5+$0x0], $0xffff  }
0x3b1: {  	v13 =	vadd.s32 v13, v16;
	v16 =	vshll.u32 v22, $0x3;
	v14 =	vadd.s32 v14, v15;
	v12 =	vld.idx.msk [tilespmem:v12+s5+$0x0], $0xffff  }
0x3b2: {  	v15 =	vshll.u32 v25, $0x3;
	v7 =	vadd.s32 v7, v16;
	v16 =	vshll.u32 v28, $0x3;
	v6 =	vld.idx.msk [tilespmem:v6+s5+$0x0], $0xffff  }
0x3b3: {  	v8 =	vadd.s32 v8, v15;
	v15 =	vshll.u32 v27, $0x3;
	v3 =	vadd.s32 v3, v16;
	v10 =	vld.idx.msk [tilespmem:v10+s5+$0x0], $0xffff  }
0x3b4: {  	v4 =	vadd.s32 v4, v15;
	v9 =	vld.idx.msk [tilespmem:v9+s5+$0x0], $0xffff  }
0x3b5: {  	v11 =	vld.idx.msk [tilespmem:v11+s5+$0x0], $0xffff;
	[tilespmem:s10+$0xFFFFFF80] =	vst v5  }
0x3b6: {  	v2 =	vnsel vm2, $0x7, v2;
	v13 =	vld.idx.msk [tilespmem:v13+s5+$0x0], $0xffff;
	v5 =	vshll.u32 v23, $0x3;
	[tilespmem:s10+$0xFFFFFF90] =	vst v12  }
0x3b7: {  	v1 =	vnsel vm1, $0x7, v1;
	v7 =	vld.idx.msk [tilespmem:v7+s5+$0x0], $0xffff;
	v12 =	vshll.u32 v17, $0x3;
	[tilespmem:s10+$0xFFFFFFA0] =	vst v6;
	v2 =	vadd.s32 v2, v5  }
0x3b8: {  	v0 =	vnsel vm0, $0x7, v0;
	v3 =	vld.idx.msk [tilespmem:v3+s5+$0x0], $0xffff;
	v6 =	vshll.u32 v20, $0x3;
	[tilespmem:s10+$0xFFFFFFB0] =	vst v10;
	v1 =	vadd.s32 v1, v12  }
0x3b9: {  	v4 =	vld.idx.msk [tilespmem:v4+s5+$0x0], $0xffff;
	[tilespmem:s10+$0xFFFFFFC0] =	vst v9;
	v0 =	vadd.s32 v0, v6  }
0x3ba: {  	[tilespmem:s10+$0xFFFFFFD0] =	vst v11;
	v5 =	vld.idx.msk [tilespmem:v14+s5+$0x0], $0xffff  }
0x3bb: {  	[tilespmem:s10+$0xFFFFFFE0] =	vst v13;
	v6 =	vld.idx.msk [tilespmem:v8+s5+$0x0], $0xffff  }
0x3bc: {  	[tilespmem:s10+$0x0] =	vst v7;
	v2 =	vld.idx.msk [tilespmem:v2+s5+$0x0], $0xffff  }
0x3bd: {  	[tilespmem:s10+$0x20] =	vst v3;
	v1 =	vld.idx.msk [tilespmem:v1+s5+$0x0], $0xffff  }
0x3be: {  	[tilespmem:s10+$0x30] =	vst v4;
	v0 =	vld.idx.msk [tilespmem:v0+s5+$0x0], $0xffff  }
0x3bf: {  	[tilespmem:s10+$0xFFFFFFF0] =	vst v5  }
0x3c0: {  	[tilespmem:s10+$0x10] =	vst v6  }
0x3c1: {  	[tilespmem:s10+$0x40] =	vst v2  }
0x3c2: {  	[tilespmem:s10+$0x50] =	vst v1  }
0x3c3: {  	[tilespmem:s10+$0x60] =	vst v0  }
0x3c4: {  	[hbm4b:s20+s5] =	stream.linear.scatter [tilespmem:s30], [sflag:$0x3], $0x4000, $0x38;
	[tilespmem:$0x18080] =	vst v63  }
0x3c5: {  	_ =	swait.ge [sflag:s7], $0x4000  }
0x3c6: {  	[sflag:s7] =	ssyncset.done $0x0  }
0x3c7: {  	[sflag:s7] =	ssyncadd.s32 $0xFFFFC000  }
0x3c8: {  	_ =	swait.ge [sflag:s31], $0x4000  }
0x3c9: {  	[sflag:s31] =	ssyncset.done $0x0  }
0x3ca: {  	[sflag:s31] =	ssyncadd.s32 $0xFFFFC000  }
0x3cb: {  	_ =	swait.ge [sflag:s31], $0x4000  }
0x3cc: {  	[sflag:s31] =	ssyncset.done $0x0  }
0x3cd: {  	s17 =	simm.s32 $0x4100;
	[sflag:s31] =	ssyncadd.s32 $0xFFFFC000  }
0x3ce: {  	s9 =	simm.s32 $0xC100;
	v0 =	vld [tilespmem:s17+$0x70]  }
0x3cf: {  	v1 =	vld [tilespmem:s9+$0x70]  }
0x3d0: {  	v2 =	vld [tilespmem:s17+$0xFFFFFF90]  }
0x3d1: {  	v3 =	vld [tilespmem:s17+$0xFFFFFFA0]  }
0x3d2: {  	v4 =	vld [tilespmem:s17+$0xFFFFFFB0]  }
0x3d3: {  	v5 =	vld [tilespmem:s17+$0xFFFFFFC0]  }
0x3d4: {  	v6 =	vld [tilespmem:s17+$0xFFFFFFD0]  }
0x3d5: {  	v7 =	vld [tilespmem:s17+$0xFFFFFFE0]  }
0x3d6: {  	v8 =	vld [tilespmem:s17+$0xFFFFFFF0]  }
0x3d7: {  	v9 =	vld [tilespmem:s17+$0x0]  }
0x3d8: {  	v10 =	vld [tilespmem:s17+$0x10]  }
0x3d9: {  	v11 =	vld [tilespmem:s17+$0x20]  }
0x3da: {  	v12 =	vld [tilespmem:s17+$0x30]  }
0x3db: {  	v13 =	vld [tilespmem:s17+$0x40]  }
0x3dc: {  	v14 =	vld [tilespmem:s17+$0x50]  }
0x3dd: {  	v15 =	vld [tilespmem:s17+$0x60]  }
0x3de: {  	v16 =	vld [tilespmem:s17+$0xFFFFFF80];
	v0 =	vmul.f32 $2.546478990e+00, v0  }
0x3df: {  	v17 =	vld [tilespmem:s9+$0xFFFFFF80];
	v1 =	vmul.f32 $2.546478990e+00, v1;
	v2 =	vmul.f32 $2.546478990e+00, v2  }
0x3e0: {  	v18 =	vld [tilespmem:s9+$0xFFFFFF90];
	v3 =	vmul.f32 $2.546478990e+00, v3;
	v4 =	vmul.f32 $2.546478990e+00, v4  }
0x3e1: {  	v19 =	vld [tilespmem:s9+$0xFFFFFFA0];
	v5 =	vmul.f32 $2.546478990e+00, v5;
	v6 =	vmul.f32 $2.546478990e+00, v6  }
0x3e2: {  	v20 =	vld [tilespmem:s9+$0xFFFFFFB0];
	v7 =	vmul.f32 $2.546478990e+00, v7;
	v8 =	vmul.f32 $2.546478990e+00, v8  }
0x3e3: {  	v21 =	vld [tilespmem:s9+$0xFFFFFFC0];
	v9 =	vmul.f32 $2.546478990e+00, v9;
	v10 =	vmul.f32 $2.546478990e+00, v10  }
0x3e4: {  	v24 =	vld [tilespmem:s9+$0xFFFFFFF0];
	v11 =	vmul.f32 $2.546478990e+00, v11;
	v12 =	vmul.f32 $2.546478990e+00, v12  }
0x3e5: {  	v13 =	vmul.f32 $2.546478990e+00, v13;
	v14 =	vmul.f32 $2.546478990e+00, v14  }
0x3e6: {  	v15 =	vmul.f32 $2.546478990e+00, v15;
	v16 =	vmul.f32 $2.546478990e+00, v16  }
0x3e7: {  	v17 =	vmul.f32 $2.546478990e+00, v17;
	v18 =	vmul.f32 $2.546478990e+00, v18  }
0x3e8: {  	v19 =	vmul.f32 $2.546478990e+00, v19;
	v20 =	vmul.f32 $2.546478990e+00, v20  }
0x3e9: {  	v21 =	vmul.f32 $2.546478990e+00, v21;
	v24 =	vmul.f32 $2.546478990e+00, v24  }
0x3ea: {  	v0 =	vtrunc.f32 v0;
	v1 =	vtrunc.f32 v1  }
0x3eb: {  	v2 =	vtrunc.f32 v2;
	v3 =	vtrunc.f32 v3  }
0x3ec: {  	v4 =	vtrunc.f32 v4;
	v5 =	vtrunc.f32 v5  }
0x3ed: {  	v6 =	vtrunc.f32 v6;
	v7 =	vtrunc.f32 v7  }
0x3ee: {  	v8 =	vtrunc.f32 v8;
	v9 =	vtrunc.f32 v9  }
0x3ef: {  	v10 =	vtrunc.f32 v10;
	v11 =	vtrunc.f32 v11  }
0x3f0: {  	v25 =	vld [tilespmem:s9+$0x0];
	v16 =	vtrunc.f32 v16;
	v12 =	vtrunc.f32 v12  }
0x3f1: {  	v26 =	vld [tilespmem:s9+$0x10];
	v13 =	vtrunc.f32 v13;
	v14 =	vtrunc.f32 v14  }
0x3f2: {  	v15 =	vtrunc.f32 v15;
	v0 =	vcvt.f32.s32 v0  }
0x3f3: {  	v27 =	vld [tilespmem:s9+$0x40];
	v1 =	vcvt.f32.s32 v1;
	v16 =	vcvt.f32.s32 v16  }
0x3f4: {  	v3 =	vcvt.f32.s32 v3;
	v4 =	vcvt.f32.s32 v4  }
0x3f5: {  	v28 =	vcvt.f32.s32 v5;
	v5 =	vmul.f32 $2.546478990e+00, v25  }
0x3f6: {  	v30 =	vcvt.f32.s32 v6;
	v6 =	vmul.f32 $2.546478990e+00, v26  }
0x3f7: {  	v7 =	vcvt.f32.s32 v7;
	v8 =	vcvt.f32.s32 v8  }
0x3f8: {  	v31 =	vcvt.f32.s32 v9;
	v9 =	vmul.f32 $2.546478990e+00, v27  }
0x3f9: {  	v27 =	vcvt.f32.s32 v10;
	v32 =	vcvt.f32.s32 v11  }
0x3fa: {  	v33 =	vcvt.f32.s32 v13;
	v34 =	vcvt.f32.s32 v14  }
0x3fb: {  	v15 =	vcvt.f32.s32 v15;
	v13 =	vtrunc.f32 v18  }
0x3fc: {  	v14 =	vtrunc.f32 v19;
	v18 =	vtrunc.f32 v21;
	vm0 =	vlt.s32 v0, $0xF  }
0x3fd: {  	v22 =	vld [tilespmem:s9+$0xFFFFFFD0];
	vm2 =	vlt.s32 v3, $0xF;
	vm3 =	vlt.s32 v4, $0xF;
	vm4 =	vlt.s32 v28, $0xF  }
0x3fe: {  	v23 =	vld [tilespmem:s9+$0xFFFFFFE0];
	vm5 =	vlt.s32 v30, $0xF;
	vm6 =	vlt.s32 v7, $0xF;
	vm7 =	vlt.s32 v8, $0xF  }
0x3ff: {  	v25 =	vld [tilespmem:s9+$0x50];
	vm8 =	vlt.s32 v31, $0xF;
	vm9 =	vlt.s32 v27, $0xF;
	vm10 =	vlt.s32 v32, $0xF  }
0x400: {  	v26 =	vld [tilespmem:s9+$0x60];
	vm12 =	vlt.s32 v33, $0xF;
	vm13 =	vlt.s32 v34, $0xF;
	vm15 =	vlt.s32 v15, $0xF  }
0x401: {  	v21 =	vtrunc.f32 v5;
	v0 =	vnsel vm0, $0xF, v0;
	vm0 =	vlt.s32 v1, $0x7  }
0x402: {  	v36 =	vnsel vm2, $0xF, v3;
	v1 =	vnsel vm0, $0x7, v1;
	v0 =	vshll.u32 v0, $0x3  }
0x403: {  	v38 =	vnsel vm3, $0xF, v4;
	v29 =	vadd.s32 v1, v0;
	v0 =	vcvt.f32.s32 v2  }
0x404: {  	v40 =	vnsel vm4, $0xF, v28;
	v1 =	vmul.f32 $2.546478990e+00, v22;
	v22 =	vmul.f32 $2.546478990e+00, v23  }
0x405: {  	v41 =	vnsel vm7, $0xF, v8;
	v10 =	vmul.f32 $2.546478990e+00, v25;
	v11 =	vmul.f32 $2.546478990e+00, v26  }
0x406: {  	v28 =	vnsel vm10, $0xF, v32;
	v26 =	vcvt.f32.s32 v12;
	v12 =	vtrunc.f32 v17  }
0x407: {  	vm0 =	vlt.s32 v16, $0xF;
	v17 =	vtrunc.f32 v20;
	v20 =	vtrunc.f32 v24  }
0x408: {  	v16 =	vnsel vm0, $0xF, v16;
	v24 =	vtrunc.f32 v6;
	v6 =	vcvt.f32.s32 v14  }
0x409: {  	v25 =	vnsel vm9, $0xF, v27;
	v5 =	vcvt.f32.s32 v12;
	v12 =	vcvt.f32.s32 v13  }
0x40a: {  	v14 =	vcvt.f32.s32 v20;
	v8 =	vcvt.f32.s32 v24;
	v20 =	vnsel vm15, $0xF, v15  }
0x40b: {  	v24 =	vshll.u32 v36, $0x3;
	vm1 =	vlt.s32 v0, $0xF;
	v1 =	vtrunc.f32 v1  }
0x40c: {  	v2 =	vld [tilespmem:s9+$0x20];
	vm11 =	vlt.s32 v26, $0xF;
	v19 =	vtrunc.f32 v22;
	v37 =	vtrunc.f32 v10  }
0x40d: {  	v23 =	vld [tilespmem:s9+$0x30];
	v39 =	vtrunc.f32 v11;
	v10 =	vcvt.f32.s32 v17;
	v22 =	vnsel vm8, $0xF, v31  }
0x40e: {  	v17 =	vnsel vm13, $0xF, v34;
	v35 =	vnsel vm1, $0xF, v0;
	v11 =	vcvt.f32.s32 v1  }
0x40f: {  	v13 =	vcvt.f32.s32 v19;
	v1 =	vcvt.f32.s32 v37;
	v27 =	vnsel vm11, $0xF, v26  }
0x410: {  	vm13 =	vlt.s32 v5, $0x7;
	vm14 =	vlt.s32 v12, $0x7;
	vm7 =	vlt.s32 v14, $0x7  }
0x411: {  	v19 =	vshll.u32 v40, $0x3;
	vm11 =	vlt.s32 v10, $0x7;
	v2 =	vmul.f32 $2.546478990e+00, v2  }
0x412: {  	v26 =	vshll.u32 v35, $0x3;
	v23 =	vmul.f32 $2.546478990e+00, v23;
	vm9 =	vlt.s32 v11, $0x7  }
0x413: {  	vm8 =	vlt.s32 v13, $0x7;
	vm1 =	vlt.s32 v1, $0x7;
	v0 =	vtrunc.f32 v2  }
0x414: {  	v15 =	vld.idx.msk [tilespmem:v29+s5+$0x0], $0xffff;
	v29 =	vshll.u32 v16, $0x3;
	v2 =	vtrunc.f32 v23;
	v23 =	vtrunc.f32 v9  }
0x415: {  	v9 =	vcvt.f32.s32 v18;
	v18 =	vnsel vm5, $0xF, v30;
	v30 =	vnsel vm6, $0xF, v7  }
0x416: {  	v7 =	vcvt.f32.s32 v21;
	vm5 =	vlt.s32 v8, $0x7;
	v3 =	vcvt.f32.s32 v0  }
0x417: {  	v21 =	vshll.u32 v38, $0x3;
	v4 =	vcvt.f32.s32 v2;
	v2 =	vcvt.f32.s32 v23  }
0x418: {  	v0 =	vcvt.f32.s32 v39;
	v23 =	vnsel vm12, $0xF, v33;
	vm12 =	vlt.s32 v6, $0x7  }
0x419: {  	v18 =	vshll.u32 v18, $0x3;
	v16 =	vshll.u32 v30, $0x3;
	vm10 =	vlt.s32 v9, $0x7  }
0x41a: {  	s11 =	simm.s32 $0x14100;
	vm6 =	vlt.s32 v7, $0x7;
	vm4 =	vlt.s32 v3, $0x7;
	vm3 =	vlt.s32 v4, $0x7  }
0x41b: {  	s13 =	simm.s32 $0x0;
	s14 =	simm.s32 $0x4200;
	s10 =	simm.s32 $0x14100;
	vm2 =	vlt.s32 v2, $0x7;
	vm0 =	vlt.s32 v0, $0x7;
	[tilespmem:s11+$0x70] =	vst v15;
	v15 =	vshll.u32 v41, $0x3  }
.LBB2_14:
0x41c: {  	v30 =	vld [tilespmem:s14+$0x70];
	s13 =	sadd.s32 $0x10, s13;
	v22 =	vshll.u32 v22, $0x3;
	v25 =	vshll.u32 v25, $0x3;
	v28 =	vshll.u32 v28, $0x3;
	s9 =	sadd.s32 $0x100, s9  }
0x41d: {  	v27 =	vshll.u32 v27, $0x3;
	v23 =	vshll.u32 v23, $0x3;
	v17 =	vshll.u32 v17, $0x3;
	v31 =	vld [tilespmem:s9+$0x70];
	p0 =	slt.u32 s13, $0x3F0  }
0x41e: {  	v33 =	vnsel vm13, $0x7, v5;
	v12 =	vnsel vm14, $0x7, v12;
	v5 =	vshll.u32 v20, $0x3;
	v32 =	vld [tilespmem:s14+$0xFFFFFF90]  }
0x41f: {  	v6 =	vnsel vm12, $0x7, v6;
	v10 =	vnsel vm11, $0x7, v10;
	v9 =	vnsel vm10, $0x7, v9;
	v20 =	vld [tilespmem:s14+$0xFFFFFFA0]  }
0x420: {  	v11 =	vnsel vm9, $0x7, v11;
	v13 =	vnsel vm8, $0x7, v13;
	v14 =	vnsel vm7, $0x7, v14;
	v34 =	vld [tilespmem:s14+$0xFFFFFFB0]  }
0x421: {  	v7 =	vnsel vm6, $0x7, v7;
	v8 =	vnsel vm5, $0x7, v8;
	v35 =	vld [tilespmem:s14+$0xFFFFFFC0];
	v30 =	vmul.f32 $2.546478990e+00, v30  }
0x422: {  	v3 =	vnsel vm4, $0x7, v3;
	v4 =	vnsel vm3, $0x7, v4;
	v36 =	vld [tilespmem:s14+$0xFFFFFFD0];
	v31 =	vmul.f32 $2.546478990e+00, v31  }
0x423: {  	v2 =	vnsel vm2, $0x7, v2;
	v32 =	vmul.f32 $2.546478990e+00, v32;
	v37 =	vld [tilespmem:s14+$0xFFFFFFE0];
	v30 =	vtrunc.f32 v30  }
0x424: {  	v1 =	vnsel vm1, $0x7, v1;
	v38 =	vld [tilespmem:s14+$0xFFFFFFF0];
	v30 =	vcvt.f32.s32 v30;
	v31 =	vtrunc.f32 v31  }
0x425: {  	v0 =	vnsel vm0, $0x7, v0;
	v20 =	vmul.f32 $2.546478990e+00, v20;
	v39 =	vld [tilespmem:s14+$0x0];
	v31 =	vcvt.f32.s32 v31  }
0x426: {  	v34 =	vmul.f32 $2.546478990e+00, v34;
	v35 =	vmul.f32 $2.546478990e+00, v35;
	v40 =	vld [tilespmem:s14+$0x10];
	vm0 =	vlt.s32 v30, $0xF  }
0x427: {  	v36 =	vmul.f32 $2.546478990e+00, v36;
	v41 =	vld [tilespmem:s14+$0x20];
	v30 =	vnsel vm0, $0xF, v30;
	vm0 =	vlt.s32 v31, $0x7  }
0x428: {  	v37 =	vmul.f32 $2.546478990e+00, v37;
	v42 =	vld [tilespmem:s14+$0x30];
	v31 =	vnsel vm0, $0x7, v31;
	v30 =	vshll.u32 v30, $0x3  }
0x429: {  	v32 =	vtrunc.f32 v32;
	v38 =	vmul.f32 $2.546478990e+00, v38;
	v43 =	vld [tilespmem:s14+$0x40];
	v30 =	vadd.s32 v31, v30  }
0x42a: {  	v29 =	vadd.s32 v33, v29;
	v20 =	vtrunc.f32 v20;
	v31 =	vmul.f32 $2.546478990e+00, v39;
	v39 =	vld [tilespmem:s14+$0x50]  }
0x42b: {  	v12 =	vadd.s32 v12, v26;
	v33 =	vtrunc.f32 v34;
	v34 =	vmul.f32 $2.546478990e+00, v40;
	v40 =	vld [tilespmem:s14+$0x60]  }
0x42c: {  	v6 =	vadd.s32 v6, v24;
	v35 =	vtrunc.f32 v35;
	v26 =	vld [tilespmem:s14+$0xFFFFFF80];
	v41 =	vmul.f32 $2.546478990e+00, v41  }
0x42d: {  	v10 =	vadd.s32 v10, v21;
	v36 =	vtrunc.f32 v36;
	v24 =	vld [tilespmem:s9+$0xFFFFFF80];
	v42 =	vmul.f32 $2.546478990e+00, v42  }
0x42e: {  	v9 =	vadd.s32 v9, v19;
	v21 =	vtrunc.f32 v37;
	v37 =	vmul.f32 $2.546478990e+00, v43;
	v30 =	vld.idx.msk [tilespmem:v30+s5+$0x0], $0xffff  }
0x42f: {  	v11 =	vadd.s32 v11, v18;
	v38 =	vtrunc.f32 v38;
	v19 =	vld [tilespmem:s9+$0xFFFFFF90];
	v39 =	vmul.f32 $2.546478990e+00, v39  }
0x430: {  	v13 =	vadd.s32 v13, v16;
	v31 =	vtrunc.f32 v31;
	v18 =	vld [tilespmem:s9+$0xFFFFFFA0];
	v40 =	vmul.f32 $2.546478990e+00, v40  }
0x431: {  	v14 =	vadd.s32 v14, v15;
	v34 =	vtrunc.f32 v34;
	v16 =	vmul.f32 $2.546478990e+00, v26;
	v26 =	vld [tilespmem:s9+$0xFFFFFFB0]  }
0x432: {  	v7 =	vadd.s32 v7, v22;
	v41 =	vtrunc.f32 v41;
	v15 =	vmul.f32 $2.546478990e+00, v24;
	v24 =	vld [tilespmem:s9+$0xFFFFFFC0]  }
0x433: {  	s11 =	sadd.s32 $0x100, s11;
	v8 =	vadd.s32 v8, v25;
	v42 =	vtrunc.f32 v42;
	v16 =	vtrunc.f32 v16;
	v22 =	vld [tilespmem:s9+$0xFFFFFFD0]  }
0x434: {  	v3 =	vadd.s32 v3, v28;
	v37 =	vtrunc.f32 v37;
	v19 =	vmul.f32 $2.546478990e+00, v19;
	v25 =	vld [tilespmem:s9+$0xFFFFFFE0];
	[tilespmem:s11+$0x70] =	vst v30  }
0x435: {  	v4 =	vadd.s32 v4, v27;
	v30 =	vtrunc.f32 v39;
	v18 =	vmul.f32 $2.546478990e+00, v18;
	v28 =	vld [tilespmem:s9+$0xFFFFFFF0]  }
0x436: {  	v2 =	vadd.s32 v2, v23;
	v39 =	vtrunc.f32 v40;
	v26 =	vmul.f32 $2.546478990e+00, v26;
	v27 =	vld [tilespmem:s9+$0x0]  }
0x437: {  	v1 =	vadd.s32 v1, v17;
	v16 =	vcvt.f32.s32 v16;
	v23 =	vmul.f32 $2.546478990e+00, v24;
	v24 =	vld [tilespmem:s9+$0x10]  }
0x438: {  	v0 =	vadd.s32 v0, v5;
	v17 =	vcvt.f32.s32 v32;
	v22 =	vmul.f32 $2.546478990e+00, v22;
	v32 =	vld [tilespmem:s9+$0x20]  }
0x439: {  	v5 =	vcvt.f32.s32 v20;
	vm11 =	vlt.s32 v16, $0xF;
	v20 =	vmul.f32 $2.546478990e+00, v25;
	v25 =	vld [tilespmem:s9+$0x30]  }
0x43a: {  	vm9 =	vlt.s32 v17, $0xF;
	v33 =	vcvt.f32.s32 v33;
	v28 =	vmul.f32 $2.546478990e+00, v28;
	v40 =	vld [tilespmem:s9+$0x40]  }
0x43b: {  	vm8 =	vlt.s32 v5, $0xF;
	v35 =	vcvt.f32.s32 v35;
	v27 =	vmul.f32 $2.546478990e+00, v27;
	v43 =	vld [tilespmem:s9+$0x50]  }
0x43c: {  	vm4 =	vlt.s32 v33, $0xF;
	v36 =	vcvt.f32.s32 v36;
	v24 =	vmul.f32 $2.546478990e+00, v24;
	v44 =	vld [tilespmem:s9+$0x60]  }
0x43d: {  	vm0 =	vlt.s32 v35, $0xF;
	v21 =	vcvt.f32.s32 v21;
	v32 =	vmul.f32 $2.546478990e+00, v32;
	v29 =	vld.idx.msk [tilespmem:v29+s5+$0x0], $0xffff  }
0x43e: {  	vm1 =	vlt.s32 v36, $0xF;
	v38 =	vcvt.f32.s32 v38;
	v25 =	vmul.f32 $2.546478990e+00, v25;
	v12 =	vld.idx.msk [tilespmem:v12+s5+$0x0], $0xffff  }
0x43f: {  	vm2 =	vlt.s32 v21, $0xF;
	v31 =	vcvt.f32.s32 v31;
	v40 =	vmul.f32 $2.546478990e+00, v40;
	v6 =	vld.idx.msk [tilespmem:v6+s5+$0x0], $0xffff  }
0x440: {  	vm5 =	vlt.s32 v38, $0xF;
	v34 =	vcvt.f32.s32 v34;
	v43 =	vmul.f32 $2.546478990e+00, v43;
	v10 =	vld.idx.msk [tilespmem:v10+s5+$0x0], $0xffff  }
0x441: {  	vm6 =	vlt.s32 v31, $0xF;
	v41 =	vcvt.f32.s32 v41;
	v44 =	vmul.f32 $2.546478990e+00, v44;
	v9 =	vld.idx.msk [tilespmem:v9+s5+$0x0], $0xffff  }
0x442: {  	vm7 =	vlt.s32 v34, $0xF;
	v42 =	vcvt.f32.s32 v42;
	v37 =	vcvt.f32.s32 v37;
	v11 =	vld.idx.msk [tilespmem:v11+s5+$0x0], $0xffff  }
0x443: {  	vm3 =	vlt.s32 v41, $0xF;
	v30 =	vcvt.f32.s32 v30;
	v39 =	vcvt.f32.s32 v39;
	[tilespmem:s10+$0xFFFFFF80] =	vst v29;
	v13 =	vld.idx.msk [tilespmem:v13+s5+$0x0], $0xffff  }
0x444: {  	vm10 =	vlt.s32 v42, $0xF;
	v15 =	vtrunc.f32 v15;
	v19 =	vtrunc.f32 v19;
	[tilespmem:s10+$0xFFFFFF90] =	vst v12;
	v12 =	vld.idx.msk [tilespmem:v14+s5+$0x0], $0xffff  }
0x445: {  	vm12 =	vlt.s32 v37, $0xF;
	v14 =	vtrunc.f32 v18;
	v18 =	vtrunc.f32 v26;
	[tilespmem:s10+$0xFFFFFFA0] =	vst v6;
	v6 =	vld.idx.msk [tilespmem:v7+s5+$0x0], $0xffff  }
0x446: {  	vm13 =	vlt.s32 v30, $0xF;
	v22 =	vtrunc.f32 v22;
	v7 =	vtrunc.f32 v23;
	[tilespmem:s10+$0xFFFFFFB0] =	vst v10;
	v8 =	vld.idx.msk [tilespmem:v8+s5+$0x0], $0xffff  }
0x447: {  	vm15 =	vlt.s32 v39, $0xF;
	v20 =	vtrunc.f32 v20;
	v23 =	vtrunc.f32 v28;
	[tilespmem:s10+$0xFFFFFFC0] =	vst v9;
	v3 =	vld.idx.msk [tilespmem:v3+s5+$0x0], $0xffff  }
0x448: {  	v16 =	vnsel vm11, $0xF, v16;
	v24 =	vtrunc.f32 v24;
	v26 =	vtrunc.f32 v27;
	[tilespmem:s10+$0xFFFFFFD0] =	vst v11;
	v4 =	vld.idx.msk [tilespmem:v4+s5+$0x0], $0xffff  }
0x449: {  	v45 =	vnsel vm9, $0xF, v17;
	v17 =	vtrunc.f32 v32;
	v27 =	vtrunc.f32 v25;
	[tilespmem:s10+$0xFFFFFFE0] =	vst v13;
	v2 =	vld.idx.msk [tilespmem:v2+s5+$0x0], $0xffff  }
0x44a: {  	v32 =	vnsel vm8, $0xF, v5;
	v29 =	vtrunc.f32 v43;
	v28 =	vtrunc.f32 v40;
	[tilespmem:s10+$0xFFFFFFF0] =	vst v12;
	v1 =	vld.idx.msk [tilespmem:v1+s5+$0x0], $0xffff  }
0x44b: {  	v5 =	vcvt.f32.s32 v15;
	v15 =	vnsel vm4, $0xF, v33;
	v33 =	vtrunc.f32 v44;
	[tilespmem:s10+$0x0] =	vst v6;
	v0 =	vld.idx.msk [tilespmem:v0+s5+$0x0], $0xffff  }
0x44c: {  	v12 =	vcvt.f32.s32 v19;
	v19 =	vnsel vm0, $0xF, v35;
	v6 =	vcvt.f32.s32 v14;
	[tilespmem:s10+$0x10] =	vst v8  }
0x44d: {  	v10 =	vcvt.f32.s32 v18;
	v18 =	vnsel vm1, $0xF, v36;
	v9 =	vcvt.f32.s32 v7;
	[tilespmem:s10+$0x20] =	vst v3  }
0x44e: {  	v11 =	vcvt.f32.s32 v22;
	v13 =	vcvt.f32.s32 v20;
	v35 =	vnsel vm2, $0xF, v21;
	[tilespmem:s10+$0x30] =	vst v4  }
0x44f: {  	v36 =	vnsel vm5, $0xF, v38;
	v7 =	vcvt.f32.s32 v26;
	v14 =	vcvt.f32.s32 v23;
	[tilespmem:s10+$0x40] =	vst v2  }
0x450: {  	v22 =	vnsel vm6, $0xF, v31;
	v8 =	vcvt.f32.s32 v24;
	v3 =	vcvt.f32.s32 v17;
	[tilespmem:s10+$0x50] =	vst v1  }
0x451: {  	v25 =	vnsel vm7, $0xF, v34;
	v4 =	vcvt.f32.s32 v27;
	v2 =	vcvt.f32.s32 v28;
	[tilespmem:s10+$0x60] =	vst v0;
	s10 =	smov.u32 s11  }
0x452: {  	v28 =	vnsel vm3, $0xF, v41;
	v1 =	vcvt.f32.s32 v29;
	v0 =	vcvt.f32.s32 v33  }
0x453: {  	v23 =	vnsel vm12, $0xF, v37;
	v17 =	vnsel vm13, $0xF, v30;
	v27 =	vnsel vm10, $0xF, v42  }
0x454: {  	v20 =	vnsel vm15, $0xF, v39;
	vm14 =	vlt.s32 v12, $0x7;
	vm13 =	vlt.s32 v5, $0x7  }
0x455: {  	vm11 =	vlt.s32 v10, $0x7;
	vm12 =	vlt.s32 v6, $0x7;
	vm10 =	vlt.s32 v9, $0x7  }
0x456: {  	vm9 =	vlt.s32 v11, $0x7;
	vm8 =	vlt.s32 v13, $0x7;
	vm7 =	vlt.s32 v14, $0x7  }
.Ltmp6:
0x457: {  	vm6 =	vlt.s32 v7, $0x7;
	vm5 =	vlt.s32 v8, $0x7;
	vm4 =	vlt.s32 v3, $0x7;
	(pc) =	sbr.rel @p0 .LBB2_14-.Ltmp6, $4  }
0x458: {  	vm3 =	vlt.s32 v4, $0x7;
	vm2 =	vlt.s32 v2, $0x7;
	vm1 =	vlt.s32 v1, $0x7  }
0x459: {  	v26 =	vshll.u32 v45, $0x3;
	v29 =	vshll.u32 v16, $0x3;
	vm0 =	vlt.s32 v0, $0x7  }
0x45a: {  	v21 =	vshll.u32 v15, $0x3;
	v19 =	vshll.u32 v19, $0x3;
	v24 =	vshll.u32 v32, $0x3  }
0x45b: {  	s14 =	sadd.s32 $0x100, s14;
	v18 =	vshll.u32 v18, $0x3;
	v15 =	vshll.u32 v36, $0x3;
	v16 =	vshll.u32 v35, $0x3  }
0x45c: {  	v5 =	vnsel vm13, $0x7, v5  }
0x45d: {  	v12 =	vnsel vm14, $0x7, v12;
	v5 =	vadd.s32 v5, v29  }
0x45e: {  	v6 =	vnsel vm12, $0x7, v6;
	v12 =	vadd.s32 v12, v26  }
0x45f: {  	v10 =	vnsel vm11, $0x7, v10;
	v6 =	vadd.s32 v6, v24  }
0x460: {  	v9 =	vnsel vm10, $0x7, v9;
	v10 =	vadd.s32 v10, v21  }
0x461: {  	v11 =	vnsel vm9, $0x7, v11;
	v9 =	vadd.s32 v9, v19  }
0x462: {  	v13 =	vnsel vm8, $0x7, v13;
	v11 =	vadd.s32 v11, v18;
	v5 =	vld.idx.msk [tilespmem:v5+s5+$0x0], $0xffff  }
0x463: {  	v14 =	vnsel vm7, $0x7, v14;
	v13 =	vadd.s32 v13, v16;
	v12 =	vld.idx.msk [tilespmem:v12+s5+$0x0], $0xffff  }
0x464: {  	v55 =	vshll.u32 v22, $0x3;
	v7 =	vnsel vm6, $0x7, v7;
	v14 =	vadd.s32 v14, v15;
	v6 =	vld.idx.msk [tilespmem:v6+s5+$0x0], $0xffff  }
0x465: {  	v56 =	vshll.u32 v25, $0x3;
	v8 =	vnsel vm5, $0x7, v8;
	v7 =	vadd.s32 v7, v55;
	v10 =	vld.idx.msk [tilespmem:v10+s5+$0x0], $0xffff  }
0x466: {  	v57 =	vshll.u32 v28, $0x3;
	v3 =	vnsel vm4, $0x7, v3;
	v8 =	vadd.s32 v8, v56;
	v9 =	vld.idx.msk [tilespmem:v9+s5+$0x0], $0xffff  }
0x467: {  	v58 =	vshll.u32 v27, $0x3;
	v4 =	vnsel vm3, $0x7, v4;
	v3 =	vadd.s32 v3, v57;
	v11 =	vld.idx.msk [tilespmem:v11+s5+$0x0], $0xffff;
	[tilespmem:s10+$0xFFFFFF80] =	vst v5  }
0x468: {  	v59 =	vshll.u32 v23, $0x3;
	v2 =	vnsel vm2, $0x7, v2;
	v4 =	vadd.s32 v4, v58;
	v13 =	vld.idx.msk [tilespmem:v13+s5+$0x0], $0xffff;
	[tilespmem:s10+$0xFFFFFF90] =	vst v12  }
0x469: {  	v60 =	vshll.u32 v17, $0x3;
	v1 =	vnsel vm1, $0x7, v1;
	v2 =	vadd.s32 v2, v59;
	v61 =	vld.idx.msk [tilespmem:v14+s5+$0x0], $0xffff;
	[tilespmem:s10+$0xFFFFFFA0] =	vst v6  }
0x46a: {  	v62 =	vshll.u32 v20, $0x3;
	v0 =	vnsel vm0, $0x7, v0;
	v1 =	vadd.s32 v1, v60;
	v7 =	vld.idx.msk [tilespmem:v7+s5+$0x0], $0xffff;
	[tilespmem:s10+$0xFFFFFFB0] =	vst v10  }
0x46b: {  	v0 =	vadd.s32 v0, v62;
	v63 =	vld.idx.msk [tilespmem:v8+s5+$0x0], $0xffff;
	[tilespmem:s10+$0xFFFFFFC0] =	vst v9  }
0x46c: {  	v3 =	vld.idx.msk [tilespmem:v3+s5+$0x0], $0xffff;
	[tilespmem:s10+$0xFFFFFFD0] =	vst v11  }
0x46d: {  	v4 =	vld.idx.msk [tilespmem:v4+s5+$0x0], $0xffff;
	[tilespmem:s10+$0xFFFFFFE0] =	vst v13  }
0x46e: {  	v2 =	vld.idx.msk [tilespmem:v2+s5+$0x0], $0xffff;
	[tilespmem:s10+$0xFFFFFFF0] =	vst v61  }
0x46f: {  	v1 =	vld.idx.msk [tilespmem:v1+s5+$0x0], $0xffff;
	[tilespmem:s10+$0x0] =	vst v7  }
0x470: {  	v0 =	vld.idx.msk [tilespmem:v0+s5+$0x0], $0xffff;
	[tilespmem:s10+$0x10] =	vst v63  }
0x471: {  	[tilespmem:s10+$0x20] =	vst v3  }
0x472: {  	[tilespmem:s10+$0x30] =	vst v4  }
0x473: {  	[tilespmem:s10+$0x40] =	vst v2  }
0x474: {  	[tilespmem:s10+$0x50] =	vst v1  }
0x475: {  	s8 =	sadd.s32 $0x1, s8;
	[tilespmem:s10+$0x60] =	vst v0  }
0x476: {  	[hbm4b:s21+s5] =	stream.linear.scatter [tilespmem:s0], [sflag:$0x4], $0x4000, $0x38;
	[tilespmem:$0x18080] =	vst v63  }
0x477: {  	p0 =	sne.s32 s8, s22;
	_ =	swait.ge [sflag:s4], $0x4000  }
.Ltmp7:
0x478: {  	[sflag:s4] =	ssyncset.done $0x0;
	(pc) =	sbr.rel @p0 .LBB2_1-.Ltmp7, $4  }
0x479: {  	[sflag:s4] =	ssyncadd.s32 $0xFFFFC000  }
0x47a: {  	_ =	swait.ge [sflag:s7], $0x4000  }
0x47b: {  	[sflag:s7] =	ssyncset.done $0x0  }
0x47c: {  	[sflag:s7] =	ssyncadd.s32 $0xFFFFC000  }
0x47d: {  	_ =	sfence.sel $0x180000  }
0x47e: {  	[bflag:$0x0] =	sbarrier.arrive $0xFFFF  }
0x47f: {  	_ =	strace $0x90000047  }
0x480: {  	s0 =	stileid.u32;
	[bflag:$0x2] =	sbarrier.arrive $0xFFFF  }
0x481: {  	p0 =	sne.s32 s0, $0x0;
	s0 =	rddreg [dreg:$0x4]  }
0x482: {  	s0 =	sadd.s32 @!p0 $0x100000, s0  }
0x483: {  	[sflag:s0] =	ssyncadd.tile.s32 @!p0 $0x1;
	_ =	shalt  }
.Lfunc_end2:
_tile_overlayer_lowered:
.L_overlay_start_2:
0x484: {  	(tag) =	ssettag $0x2  }
0x485: {  	s0 =	rddreg [dreg:$0x0];
	s2 =	stileid.u32  }
0x486: {  	s1 =	rddreg [dreg:$0x1];
	p0 =	sne.s32 s2, $0x0  }
0x487: {  	s3 =	rddreg [dreg:$0x2];
	[bflag:$0x3] =	sbarrier.arrive $0xFFFF;
	s2 =	simm.s32 @!p0 $0x1C05  }
0x488: {  	[timem:s3], [sflag:s2] =	dma.local @!p0 [hbm:s0], s1  }
0x489: {  	s0 =	simm.s32 @!p0 $0x5  }
0x48a: {  	_ =	swait.ge @!p0 [sflag:s0], s1  }
0x48b: {  	s1 =	ssub.s32 @!p0 $0x0, s1;
	[sflag:s0] =	ssyncset.done @!p0 $0x0  }
0x48c: {  	[sflag:s0] =	ssyncadd.s32 @!p0 s1  }
0x48d: {  	[bflag:$0x3] =	sbarrier.arrive $0xFFFF  }
0x48e: {  	_ =	shalt  }

</sc_bundles>
